<compile_context>
chip_gen: v7x
topology: tpu7x:2x2x1
jax: 0.10.2.dev20260603
libtpu: 0.0.44.dev20260713+nightly
codegen_flags: <defaults>
</compile_context>

<pallas_src>
import jax
import jax.numpy as jnp
from jax import lax
from jax.experimental import pallas as pl
from jax.experimental.pallas import tpu as pltpu
from jax.experimental.pallas import tpu_sc as plsc

N = 10000
E = 160000
D = 128
DENOM = 16.0
SQRT3 = 3.0 ** 0.5

NSUB = 16
E16 = E // NSUB
CH = 80
NCH = E16 // CH
NCHP = NCH + 1
NR_T = 624
RCH = 104
NQ = NR_T // RCH
TAIL0 = NSUB * NR_T
TAILR = N - TAIL0


def _sc_body(x_hbm, px_hbm, py_hbm, pz_hbm, s_hbm, r_hbm, z_hbm, agg_hbm,
             sbufs, rbufs, rscs, poss, wtmp, xbufs, accum,
             sem_i, sem_g, sem_s):
    core = lax.axis_index("c")
    sub = lax.axis_index("s")
    row0 = sub * NR_T

    def idx_start(j, par):
        pltpu.async_copy(s_hbm.at[sub, j], sbufs[par], sem_i[par])
        pltpu.async_copy(r_hbm.at[sub, j], rbufs[par], sem_i[par])

    def idx_wait(par):
        pltpu.make_async_copy(s_hbm.at[sub, 0], sbufs[par], sem_i[par]).wait()
        pltpu.make_async_copy(r_hbm.at[sub, 0], rbufs[par], sem_i[par]).wait()

    def s2_start(par):
        psx, psy, psz, prx, pry, prz = poss[par]
        pltpu.async_copy(px_hbm.at[sbufs[par]], psx, sem_g[par])
        pltpu.async_copy(py_hbm.at[sbufs[par]], psy, sem_g[par])
        pltpu.async_copy(pz_hbm.at[sbufs[par]], psz, sem_g[par])
        pltpu.async_copy(px_hbm.at[rbufs[par]], prx, sem_g[par])
        pltpu.async_copy(py_hbm.at[rbufs[par]], pry, sem_g[par])
        pltpu.async_copy(pz_hbm.at[rbufs[par]], prz, sem_g[par])
        pltpu.async_copy(x_hbm.at[sbufs[par]], xbufs[par], sem_g[par])

    def s2_wait(par):
        for b in poss[par]:
            pltpu.make_async_copy(px_hbm.at[sbufs[par]], b,
                                  sem_g[par]).wait()
        pltpu.make_async_copy(x_hbm.at[sbufs[par]], xbufs[par],
                              sem_g[par]).wait()

    def make_pass(p):
        def compute(par):
            psx, psy, psz, prx, pry, prz = poss[par]
            xbuf = xbufs[par]

            def grp(g, c):
                sl = pl.ds(g * 16, 16)

                if p == 0:
                    @pl.when(core == 1)
                    def _():
                        wtmp[pl.ds(0, 16)] = _sh(psx, psy, psz,
                                                 prx, pry, prz, sl, 1)
                else:
                    @pl.when(core == 0)
                    def _():
                        wtmp[pl.ds(0, 16)] = _sh(psx, psy, psz,
                                                 prx, pry, prz, sl, 0)

                    @pl.when(core == 1)
                    def _():
                        wtmp[pl.ds(0, 16)] = _sh(psx, psy, psz,
                                                 prx, pry, prz, sl, 2)

                def scale():
                    wvec = wtmp[pl.ds(0, 16)]
                    for l in range(16):
                        wv = wvec[l]
                        row = g * 16 + l
                        for jj in range(8):
                            cs = pl.ds(16 * jj, 16)
                            xbuf[row, cs] = xbuf[row, cs] * wv

                if p == 0:
                    pl.when(core == 1)(scale)
                else:
                    scale()
                return c
            pass

        def copy_rsc(par):
            def cp(g, c):
                sl = pl.ds(g * 16, 16)
                rscs[par][sl] = rbufs[par][sl]
                return c
            lax.fori_loop(0, CH // 16, cp, 0)

        def scat_start_p(par):
            pltpu.async_copy(xbufs[par], accum.at[rscs[par]], sem_s[par],
                             add=True)

        def scat_wait_p(par):
            pltpu.make_async_copy(xbufs[par], accum.at[rscs[par]],
                                  sem_s[par]).wait()

        blk = 2 * core + p

        pltpu.sync_copy(z_hbm.at[pl.ds(row0, NR_T)],
                        accum.at[pl.ds(row0, NR_T)])

        @pl.when(sub == NSUB - 1)
        def _():
            pltpu.sync_copy(z_hbm.at[pl.ds(TAIL0, TAILR)],
                            accum.at[pl.ds(TAIL0, TAILR)])
        plsc.subcore_barrier()

        idx_start(0, 0)
        idx_start(1, 1)
        idx_wait(0)
        s2_start(0)
        s2_wait(0)
        copy_rsc(0)
        idx_start(2, 0)
        idx_wait(1)
        s2_start(1)
        compute(0)
        scat_start_p(0)
        s2_wait(1)
        copy_rsc(1)
        idx_start(3, 1)
        idx_wait(0)
        scat_wait_p(0)
        s2_start(0)
        compute(1)
        scat_start_p(1)

        def pair(m, c):
            j0 = 2 * m
            s2_wait(0)
            copy_rsc(0)
            idx_start(j0 + 2, 0)
            idx_wait(1)
            scat_wait_p(1)
            s2_start(1)
            compute(0)
            scat_start_p(0)
            s2_wait(1)
            copy_rsc(1)
            idx_start(j0 + 3, 1)
            idx_wait(0)
            scat_wait_p(0)
            s2_start(0)
            compute(1)
            scat_start_p(1)
            return c
        lax.fori_loop(1, (NCH - 1) // 2, pair, 0)
        s2_wait(0)
        copy_rsc(0)
        compute(0)
        scat_start_p(0)
        scat_wait_p(1)
        scat_wait_p(0)
        idx_wait(1)
        plsc.subcore_barrier()

        for q in range(NQ):
            rr = row0 + q * RCH
            pltpu.sync_copy(accum.at[pl.ds(rr, RCH)],
                            agg_hbm.at[blk, pl.ds(rr, RCH)])

        @pl.when(sub == NSUB - 1)
        def _():
            pltpu.sync_copy(accum.at[pl.ds(TAIL0, TAILR)],
                            agg_hbm.at[blk, pl.ds(TAIL0, TAILR)])

    def _sh(psx, psy, psz, prx, pry, prz, sl, comp):
        rx = prx[sl] - psx[sl]
        ry = pry[sl] - psy[sl]
        rz = prz[sl] - psz[sl]
        nsq = rx * rx + ry * ry + rz * rz
        yi = lax.bitcast_convert_type(nsq, jnp.int32)
        yi = 0x5F3759DF - (yi >> 1)
        r = lax.bitcast_convert_type(yi, jnp.float32)
        for _ in range(3):
            r = r * (1.5 - 0.5 * nsq * r * r)
        r = jnp.where(nsq > 0.0, r, 0.0) * SQRT3
        rel = (rx, ry, rz)[comp]
        return rel * r

    make_pass(0)
    make_pass(1)


def _sc_agg(x, posx, posy, posz, s3, r3, zeros):
    mesh = plsc.VectorSubcoreMesh(core_axis_name="c", subcore_axis_name="s")
    f32 = jnp.float32
    i32 = jnp.int32
    fn = pl.kernel(
        _sc_body,
        out_type=jax.ShapeDtypeStruct((4, N, D), f32),
        mesh=mesh,
        scratch_types=[
            [pltpu.VMEM((CH,), i32) for _ in range(2)],
            [pltpu.VMEM((CH,), i32) for _ in range(2)],
            [pltpu.VMEM((CH,), i32) for _ in range(2)],
            [[pltpu.VMEM((CH,), f32) for _ in range(6)]
             for _ in range(2)],
            pltpu.VMEM((16,), f32),
            [pltpu.VMEM((CH, D), f32) for _ in range(2)],
            pltpu.VMEM_SHARED((N, D), f32),
            [pltpu.SemaphoreType.DMA for _ in range(2)],
            [pltpu.SemaphoreType.DMA for _ in range(2)],
            [pltpu.SemaphoreType.DMA for _ in range(2)],
        ],
    )
    return fn(x, posx, posy, posz, s3, r3, zeros)


def _tc_body(x_ref, a0_ref, a1_ref, a2_ref, a3_ref,
             ws_ref, w0_ref, wstk_ref, out_ref):
    f32 = jnp.float32
    s = jnp.dot(x_ref[...], ws_ref[...], preferred_element_type=f32)
    s = s + jnp.dot(a0_ref[...], w0_ref[...], preferred_element_type=f32)
    v = jnp.dot(a1_ref[...], wstk_ref[0:D, :], preferred_element_type=f32)
    v = v + jnp.dot(a2_ref[...], wstk_ref[D:2 * D, :],
                    preferred_element_type=f32)
    v = v + jnp.dot(a3_ref[...], wstk_ref[2 * D:3 * D, :],
                    preferred_element_type=f32)
    out_ref[...] = jnp.concatenate([s, v], axis=-1)


def _tc_final(x, a0, a1, a2, a3, w_short, w0d, wstk):
    BN = 200
    row_spec = pl.BlockSpec((BN, D), lambda i: (i, 0))
    return pl.pallas_call(
        _tc_body,
        grid=(N // BN,),
        in_specs=[
            row_spec, row_spec, row_spec, row_spec, row_spec,
            pl.BlockSpec((D, D), lambda i: (0, 0)),
            pl.BlockSpec((D, D), lambda i: (0, 0)),
            pl.BlockSpec((3 * D, 3 * D), lambda i: (0, 0)),
        ],
        out_specs=pl.BlockSpec((BN, 4 * D), lambda i: (i, 0)),
        out_shape=jax.ShapeDtypeStruct((N, 4 * D), jnp.float32),
    )(x, a0, a1, a2, a3, w_short, w0d, wstk)


def kernel(x, positions, edge_index, W_pre0, W_pre1, W_short):
    senders = edge_index[0].astype(jnp.int32)
    receivers = edge_index[1].astype(jnp.int32)
    s3 = jnp.pad(senders.reshape(NSUB, NCH, CH), ((0, 0), (0, 1), (0, 0)))
    r3 = jnp.pad(receivers.reshape(NSUB, NCH, CH), ((0, 0), (0, 1), (0, 0)))
    posx = positions[:, 0]
    posy = positions[:, 1]
    posz = positions[:, 2]
    zeros = jnp.zeros((N, D), jnp.float32)

    agg = _sc_agg(x, posx, posy, posz, s3, r3, zeros)

    eye3 = jnp.eye(3, dtype=jnp.float32)
    wstk = (eye3[:, None, None, :] * W_pre1[None, :, :, None])
    wstk = wstk.reshape(3 * D, 3 * D) / DENOM
    w0d = W_pre0 / DENOM

    return _tc_final(x, agg[0], agg[1], agg[2], agg[3], W_short, w0d, wstk)

# --- scband reference (transcript-rebuilt; emitter-appended) ---
"""Pipeline reference for scband-layer-70411693850655 (READ-ONLY COPY).

The authoritative reference and input builder live on the scoring server;
editing this copy changes nothing except your own understanding.
"""

import jax, jax.numpy as jnp
import numpy as np

N = 10000
E = 160000
D = 128
DENOMINATOR = 16.0
SH_LMAX = 1  # spherical harmonics degrees 1..1 -> dim 3


def setup_inputs(seed: int = 0) -> dict:
    key = jax.random.key(seed)
    k1, k2, k3, k4, k5, k6 = jax.random.split(key, 6)
    x = jax.random.normal(k1, (N, D), dtype=jnp.float32)
    positions = jax.random.normal(k2, (N, 3), dtype=jnp.float32)
    edge_index = jax.random.randint(k3, (2, E), 0, N).astype(jnp.int64)
    # Learned parameters (equivariant linear layers act per-irrep block):
    # linear_pre: maps message irreps (128x0e + 128x1o) -> target (128x0e + 128x1o)
    W_pre0 = (jax.random.normal(k4, (D, D), dtype=jnp.float32) / np.sqrt(D))  # 0e block
    W_pre1 = (jax.random.normal(k5, (D, D), dtype=jnp.float32) / np.sqrt(D))  # 1o block (shared across m)
    # shortcut: node irreps (128x0e) -> target; only the 0e block exists, 1o output is zero (force_irreps_out)
    W_short = (jax.random.normal(k6, (D, D), dtype=jnp.float32) / np.sqrt(D))
    return {
        "x": x,
        "positions": positions,
        "edge_index": edge_index,
        "W_pre0": W_pre0,
        "W_pre1": W_pre1,
        "W_short": W_short,
    }


def reference(x, positions, edge_index, W_pre0, W_pre1, W_short):
    senders = edge_index[0]
    receivers = edge_index[1]

    # update_edge_fn: spherical harmonics of edge vectors (normalize=True)
    rel = positions[receivers] - positions[senders]           # gather x2
    norm = jnp.linalg.norm(rel, axis=-1, keepdims=True)
    unit = rel / jnp.where(norm == 0.0, 1.0, norm)
    sh1 = jnp.sqrt(3.0) * unit                                # Y_1, component-normalized, dim 3

    sender_feats = x[senders]                                 # gather [E, D] (128x0e)
    # full tensor product of 128x0e with 1o -> 128x1o (scalar * vector outer product,
    # Clebsch-Gordan for 0e x 1o -> 1o is identity up to path normalization)
    tp = sender_feats[:, :, None] * sh1[:, None, :]           # [E, D, 3]
    # concatenate([sender_features, tp]).regroup() -> 128x0e + 128x1o
    msg = jnp.concatenate([sender_feats, tp.reshape(E, 3 * D)], axis=-1)  # [E, 4D]

    # jraph GraphNetwork aggregation: segment-sum of edge messages to receivers
    agg = jax.ops.segment_sum(msg, receivers, num_segments=N)  # scatter-add [N, 4D]

    # update_node_fn
    node_feats = agg / DENOMINATOR
    scal = node_feats[:, :D] @ W_pre0                          # 0e block of linear_pre
    vec = node_feats[:, D:].reshape(N, D, 3)
    vec = jnp.einsum('ndc,de->nec', vec, W_pre1)               # 1o block of linear_pre
    shortcut_scal = x @ W_short                                # shortcut linear (0e -> 0e)

    out_scal = shortcut_scal + scal
    out_vec = vec                                              # shortcut has no 1o component (zeros)
    return jnp.concatenate([out_scal, out_vec.reshape(N, 3 * D)], axis=-1)  # [N, 4D]

if __name__ == "__main__":
    import jax
    _d = setup_inputs()
    print(jax.jit(kernel)(*tuple(_d.values())))

</pallas_src>

<mosaic_0001>
#map = affine_map<(d0, d1) -> (0, 0)>
#map1 = affine_map<(d0, d1) -> (0)>
#map2 = affine_map<(d0, d1) -> (0, 0, 0)>
module attributes {stable_mosaic.version = 14 : i64} {
  func.func @_sc_body(%arg0: i32, %arg1: i32, %arg2: memref<10000x128xf32, #tpu.memory_space<hbm>>, %arg3: memref<10000xf32, #tpu.memory_space<hbm>>, %arg4: memref<10000xf32, #tpu.memory_space<hbm>>, %arg5: memref<10000xf32, #tpu.memory_space<hbm>>, %arg6: memref<16x126x80xi32, #tpu.memory_space<hbm>>, %arg7: memref<16x126x80xi32, #tpu.memory_space<hbm>>, %arg8: memref<10000x128xf32, #tpu.memory_space<hbm>>, %arg9: memref<4x10000x128xf32, #tpu.memory_space<hbm>>, %arg10: memref<80xi32, #tpu.memory_space<vmem>>, %arg11: memref<80xi32, #tpu.memory_space<vmem>>, %arg12: memref<80xi32, #tpu.memory_space<vmem>>, %arg13: memref<80xi32, #tpu.memory_space<vmem>>, %arg14: memref<80xi32, #tpu.memory_space<vmem>>, %arg15: memref<80xi32, #tpu.memory_space<vmem>>, %arg16: memref<80xf32, #tpu.memory_space<vmem>>, %arg17: memref<80xf32, #tpu.memory_space<vmem>>, %arg18: memref<80xf32, #tpu.memory_space<vmem>>, %arg19: memref<80xf32, #tpu.memory_space<vmem>>, %arg20: memref<80xf32, #tpu.memory_space<vmem>>, %arg21: memref<80xf32, #tpu.memory_space<vmem>>, %arg22: memref<80xf32, #tpu.memory_space<vmem>>, %arg23: memref<80xf32, #tpu.memory_space<vmem>>, %arg24: memref<80xf32, #tpu.memory_space<vmem>>, %arg25: memref<80xf32, #tpu.memory_space<vmem>>, %arg26: memref<80xf32, #tpu.memory_space<vmem>>, %arg27: memref<80xf32, #tpu.memory_space<vmem>>, %arg28: memref<16xf32, #tpu.memory_space<vmem>>, %arg29: memref<80x128xf32, #tpu.memory_space<vmem>>, %arg30: memref<80x128xf32, #tpu.memory_space<vmem>>, %arg31: memref<10000x128xf32, #tpu.memory_space<vmem_shared>>, %arg32: memref<!tpu.dma_semaphore, #tpu.memory_space<semaphore_mem>>, %arg33: memref<!tpu.dma_semaphore, #tpu.memory_space<semaphore_mem>>, %arg34: memref<!tpu.dma_semaphore, #tpu.memory_space<semaphore_mem>>, %arg35: memref<!tpu.dma_semaphore, #tpu.memory_space<semaphore_mem>>, %arg36: memref<!tpu.dma_semaphore, #tpu.memory_space<semaphore_mem>>, %arg37: memref<!tpu.dma_semaphore, #tpu.memory_space<semaphore_mem>>) attributes {dimension_semantics = [#tpu.dimension_semantics<core_parallel>, #tpu.dimension_semantics<subcore_parallel>], iteration_bounds = array<i64: 2, 16>, scalar_prefetch = 0 : i64, scratch_operands = 28 : i64, tpu.core_type = #tpu.core_type<sc_vector_subcore>, window_params = [{transform_indices = #map}, {transform_indices = #map1}, {transform_indices = #map1}, {transform_indices = #map1}, {transform_indices = #map2}, {transform_indices = #map2}, {transform_indices = #map}, {transform_indices = #map2}]} {
    %mul3A = arith.constant 624 : i32
    %mul3A_0 = arith.muli %arg1, %mul3A : i32
    %mul3A_1 = arith.constant 2 : i32
    %mul3A_2 = arith.muli %mul3A_1, %arg0 : i32
    %add3A = arith.constant 0 : i32
    %add3A_3 = arith.addi %mul3A_2, %add3A : i32
    "tpu.region"() ({
      %run_scoped3A = tpu.sem_alloc : memref<!tpu.dma_semaphore, #tpu.memory_space<semaphore_mem>>
      %dma_start3A_537 = arith.constant 0 : i32
      %dma_start3A_538 = tpu.memref_slice %arg31[%mul3A_0, %dma_start3A_537] : memref<10000x128xf32, #tpu.memory_space<vmem_shared>> -> memref<624x128xf32, #tpu.memory_space<vmem_shared>>
      %dma_start3A_539 = arith.constant 0 : i32
      %dma_start3A_540 = tpu.memref_slice %arg8[%mul3A_0, %dma_start3A_539] : memref<10000x128xf32, #tpu.memory_space<hbm>> -> memref<624x128xf32, #tpu.memory_space<hbm>>
      tpu.enqueue_dma source(%dma_start3A_540 : memref<624x128xf32, #tpu.memory_space<hbm>>) target(%dma_start3A_538 : memref<624x128xf32, #tpu.memory_space<vmem_shared>>) target_semaphore(%run_scoped3A : memref<!tpu.dma_semaphore, #tpu.memory_space<semaphore_mem>>)
      %dma_wait3A_541 = arith.constant 0 : i32
      %dma_wait3A_542 = tpu.memref_slice %arg31[%mul3A_0, %dma_wait3A_541] : memref<10000x128xf32, #tpu.memory_space<vmem_shared>> -> memref<624x128xf32, #tpu.memory_space<vmem_shared>>
      %dma_wait3A_543 = arith.constant 0 : i32
      %dma_wait3A_544 = tpu.memref_slice %arg8[%mul3A_0, %dma_wait3A_543] : memref<10000x128xf32, #tpu.memory_space<hbm>> -> memref<624x128xf32, #tpu.memory_space<hbm>>
      tpu.wait_dma2 semaphore(%run_scoped3A : memref<!tpu.dma_semaphore, #tpu.memory_space<semaphore_mem>>) src(%dma_wait3A_544 : memref<624x128xf32, #tpu.memory_space<hbm>>) dst(%dma_wait3A_542 : memref<624x128xf32, #tpu.memory_space<vmem_shared>>)
      tpu.yield
    }) : () -> ()
    %eq3A = arith.constant 15 : i32
    %eq3A_4 = arith.cmpi eq, %arg1, %eq3A : i32
    %convert_element_type3A = arith.extui %eq3A_4 : i1 to i32
    %cond3A = arith.constant 0 : i32
    %cond3A_5 = arith.cmpi ne, %convert_element_type3A, %cond3A : i32
    scf.if %cond3A_5 {
      "tpu.region"() ({
        %run_scoped3A = tpu.sem_alloc : memref<!tpu.dma_semaphore, #tpu.memory_space<semaphore_mem>>
        %dma_start3A_537 = arith.constant 9984 : i32
        %dma_start3A_538 = arith.constant 0 : i32
        %dma_start3A_539 = tpu.memref_slice %arg31[%dma_start3A_537, %dma_start3A_538] : memref<10000x128xf32, #tpu.memory_space<vmem_shared>> -> memref<16x128xf32, #tpu.memory_space<vmem_shared>>
        %dma_start3A_540 = arith.constant 9984 : i32
        %dma_start3A_541 = arith.constant 0 : i32
        %dma_start3A_542 = tpu.memref_slice %arg8[%dma_start3A_540, %dma_start3A_541] : memref<10000x128xf32, #tpu.memory_space<hbm>> -> memref<16x128xf32, #tpu.memory_space<hbm>>
        tpu.enqueue_dma source(%dma_start3A_542 : memref<16x128xf32, #tpu.memory_space<hbm>>) target(%dma_start3A_539 : memref<16x128xf32, #tpu.memory_space<vmem_shared>>) target_semaphore(%run_scoped3A : memref<!tpu.dma_semaphore, #tpu.memory_space<semaphore_mem>>)
        %dma_wait3A_543 = arith.constant 9984 : i32
        %dma_wait3A_544 = arith.constant 0 : i32
        %dma_wait3A_545 = tpu.memref_slice %arg31[%dma_wait3A_543, %dma_wait3A_544] : memref<10000x128xf32, #tpu.memory_space<vmem_shared>> -> memref<16x128xf32, #tpu.memory_space<vmem_shared>>
        %dma_wait3A_546 = arith.constant 9984 : i32
        %dma_wait3A_547 = arith.constant 0 : i32
        %dma_wait3A_548 = tpu.memref_slice %arg8[%dma_wait3A_546, %dma_wait3A_547] : memref<10000x128xf32, #tpu.memory_space<hbm>> -> memref<16x128xf32, #tpu.memory_space<hbm>>
        tpu.wait_dma2 semaphore(%run_scoped3A : memref<!tpu.dma_semaphore, #tpu.memory_space<semaphore_mem>>) src(%dma_wait3A_548 : memref<16x128xf32, #tpu.memory_space<hbm>>) dst(%dma_wait3A_545 : memref<16x128xf32, #tpu.memory_space<vmem_shared>>)
        tpu.yield
      }) : () -> ()
    } else {
    }
    %barrier3A = arith.constant 0 : index
    tpu.barrier barrier_id(%barrier3A)
    %dma_start3A = arith.constant 0 : i32
    %dma_start3A_6 = arith.constant 0 : i32
    %dma_start3A_7 = tpu.memref_slice %arg6[%arg1, %dma_start3A, %dma_start3A_6] : memref<16x126x80xi32, #tpu.memory_space<hbm>> -> memref<1x1x80xi32, #tpu.memory_space<hbm>>
    %dma_start3A_8 = tpu.memref_squeeze %dma_start3A_7 : memref<1x1x80xi32, #tpu.memory_space<hbm>> -> memref<80xi32, #tpu.memory_space<hbm>>
    %dma_start3A_9 = arith.constant 0 : i32
    %dma_start3A_10 = tpu.memref_slice %arg6[%arg1, %dma_start3A, %dma_start3A_9] : memref<16x126x80xi32, #tpu.memory_space<hbm>> -> memref<1x1x80xi32, #tpu.memory_space<hbm>>
    %dma_start3A_11 = tpu.memref_squeeze %dma_start3A_10 : memref<1x1x80xi32, #tpu.memory_space<hbm>> -> memref<80xi32, #tpu.memory_space<hbm>>
    tpu.enqueue_dma source(%dma_start3A_11 : memref<80xi32, #tpu.memory_space<hbm>>) target(%arg10 : memref<80xi32, #tpu.memory_space<vmem>>) target_semaphore(%arg32 : memref<!tpu.dma_semaphore, #tpu.memory_space<semaphore_mem>>)
    %dma_start3A_12 = arith.constant 0 : i32
    %dma_start3A_13 = arith.constant 0 : i32
    %dma_start3A_14 = tpu.memref_slice %arg7[%arg1, %dma_start3A_12, %dma_start3A_13] : memref<16x126x80xi32, #tpu.memory_space<hbm>> -> memref<1x1x80xi32, #tpu.memory_space<hbm>>
    %dma_start3A_15 = tpu.memref_squeeze %dma_start3A_14 : memref<1x1x80xi32, #tpu.memory_space<hbm>> -> memref<80xi32, #tpu.memory_space<hbm>>
    %dma_start3A_16 = arith.constant 0 : i32
    %dma_start3A_17 = tpu.memref_slice %arg7[%arg1, %dma_start3A_12, %dma_start3A_16] : memref<16x126x80xi32, #tpu.memory_space<hbm>> -> memref<1x1x80xi32, #tpu.memory_space<hbm>>
    %dma_start3A_18 = tpu.memref_squeeze %dma_start3A_17 : memref<1x1x80xi32, #tpu.memory_space<hbm>> -> memref<80xi32, #tpu.memory_space<hbm>>
    tpu.enqueue_dma source(%dma_start3A_18 : memref<80xi32, #tpu.memory_space<hbm>>) target(%arg12 : memref<80xi32, #tpu.memory_space<vmem>>) target_semaphore(%arg32 : memref<!tpu.dma_semaphore, #tpu.memory_space<semaphore_mem>>)
    %dma_start3A_19 = arith.constant 1 : i32
    %dma_start3A_20 = arith.constant 0 : i32
    %dma_start3A_21 = tpu.memref_slice %arg6[%arg1, %dma_start3A_19, %dma_start3A_20] : memref<16x126x80xi32, #tpu.memory_space<hbm>> -> memref<1x1x80xi32, #tpu.memory_space<hbm>>
    %dma_start3A_22 = tpu.memref_squeeze %dma_start3A_21 : memref<1x1x80xi32, #tpu.memory_space<hbm>> -> memref<80xi32, #tpu.memory_space<hbm>>
    %dma_start3A_23 = arith.constant 0 : i32
    %dma_start3A_24 = tpu.memref_slice %arg6[%arg1, %dma_start3A_19, %dma_start3A_23] : memref<16x126x80xi32, #tpu.memory_space<hbm>> -> memref<1x1x80xi32, #tpu.memory_space<hbm>>
    %dma_start3A_25 = tpu.memref_squeeze %dma_start3A_24 : memref<1x1x80xi32, #tpu.memory_space<hbm>> -> memref<80xi32, #tpu.memory_space<hbm>>
    tpu.enqueue_dma source(%dma_start3A_25 : memref<80xi32, #tpu.memory_space<hbm>>) target(%arg11 : memref<80xi32, #tpu.memory_space<vmem>>) target_semaphore(%arg33 : memref<!tpu.dma_semaphore, #tpu.memory_space<semaphore_mem>>)
    %dma_start3A_26 = arith.constant 1 : i32
    %dma_start3A_27 = arith.constant 0 : i32
    %dma_start3A_28 = tpu.memref_slice %arg7[%arg1, %dma_start3A_26, %dma_start3A_27] : memref<16x126x80xi32, #tpu.memory_space<hbm>> -> memref<1x1x80xi32, #tpu.memory_space<hbm>>
    %dma_start3A_29 = tpu.memref_squeeze %dma_start3A_28 : memref<1x1x80xi32, #tpu.memory_space<hbm>> -> memref<80xi32, #tpu.memory_space<hbm>>
    %dma_start3A_30 = arith.constant 0 : i32
    %dma_start3A_31 = tpu.memref_slice %arg7[%arg1, %dma_start3A_26, %dma_start3A_30] : memref<16x126x80xi32, #tpu.memory_space<hbm>> -> memref<1x1x80xi32, #tpu.memory_space<hbm>>
    %dma_start3A_32 = tpu.memref_squeeze %dma_start3A_31 : memref<1x1x80xi32, #tpu.memory_space<hbm>> -> memref<80xi32, #tpu.memory_space<hbm>>
    tpu.enqueue_dma source(%dma_start3A_32 : memref<80xi32, #tpu.memory_space<hbm>>) target(%arg13 : memref<80xi32, #tpu.memory_space<vmem>>) target_semaphore(%arg33 : memref<!tpu.dma_semaphore, #tpu.memory_space<semaphore_mem>>)
    %dma_wait3A = arith.constant 0 : i32
    %dma_wait3A_33 = arith.constant 0 : i32
    %dma_wait3A_34 = tpu.memref_slice %arg6[%arg1, %dma_wait3A, %dma_wait3A_33] : memref<16x126x80xi32, #tpu.memory_space<hbm>> -> memref<1x1x80xi32, #tpu.memory_space<hbm>>
    %dma_wait3A_35 = tpu.memref_squeeze %dma_wait3A_34 : memref<1x1x80xi32, #tpu.memory_space<hbm>> -> memref<80xi32, #tpu.memory_space<hbm>>
    %dma_wait3A_36 = arith.constant 0 : i32
    %dma_wait3A_37 = tpu.memref_slice %arg6[%arg1, %dma_wait3A, %dma_wait3A_36] : memref<16x126x80xi32, #tpu.memory_space<hbm>> -> memref<1x1x80xi32, #tpu.memory_space<hbm>>
    %dma_wait3A_38 = tpu.memref_squeeze %dma_wait3A_37 : memref<1x1x80xi32, #tpu.memory_space<hbm>> -> memref<80xi32, #tpu.memory_space<hbm>>
    tpu.wait_dma2 semaphore(%arg32 : memref<!tpu.dma_semaphore, #tpu.memory_space<semaphore_mem>>) src(%dma_wait3A_38 : memref<80xi32, #tpu.memory_space<hbm>>) dst(%arg10 : memref<80xi32, #tpu.memory_space<vmem>>)
    %dma_wait3A_39 = arith.constant 0 : i32
    %dma_wait3A_40 = arith.constant 0 : i32
    %dma_wait3A_41 = tpu.memref_slice %arg7[%arg1, %dma_wait3A_39, %dma_wait3A_40] : memref<16x126x80xi32, #tpu.memory_space<hbm>> -> memref<1x1x80xi32, #tpu.memory_space<hbm>>
    %dma_wait3A_42 = tpu.memref_squeeze %dma_wait3A_41 : memref<1x1x80xi32, #tpu.memory_space<hbm>> -> memref<80xi32, #tpu.memory_space<hbm>>
    %dma_wait3A_43 = arith.constant 0 : i32
    %dma_wait3A_44 = tpu.memref_slice %arg7[%arg1, %dma_wait3A_39, %dma_wait3A_43] : memref<16x126x80xi32, #tpu.memory_space<hbm>> -> memref<1x1x80xi32, #tpu.memory_space<hbm>>
    %dma_wait3A_45 = tpu.memref_squeeze %dma_wait3A_44 : memref<1x1x80xi32, #tpu.memory_space<hbm>> -> memref<80xi32, #tpu.memory_space<hbm>>
    tpu.wait_dma2 semaphore(%arg32 : memref<!tpu.dma_semaphore, #tpu.memory_space<semaphore_mem>>) src(%dma_wait3A_45 : memref<80xi32, #tpu.memory_space<hbm>>) dst(%arg12 : memref<80xi32, #tpu.memory_space<vmem>>)
    %dma_start3A_46 = arith.constant 0 : i32
    %dma_start3A_47 = tpu.memref_slice %arg3[%dma_start3A_46] : memref<10000xf32, #tpu.memory_space<hbm>> -> memref<10000xf32, #tpu.memory_space<hbm>>
    tpu.enqueue_indirect_dma source(%dma_start3A_47 : memref<10000xf32, #tpu.memory_space<hbm>>) target(%arg16 : memref<80xf32, #tpu.memory_space<vmem>>) offsets(%arg10 : memref<80xi32, #tpu.memory_space<vmem>>) semaphore(%arg34 : memref<!tpu.dma_semaphore, #tpu.memory_space<semaphore_mem>>)
    %dma_start3A_48 = arith.constant 0 : i32
    %dma_start3A_49 = tpu.memref_slice %arg4[%dma_start3A_48] : memref<10000xf32, #tpu.memory_space<hbm>> -> memref<10000xf32, #tpu.memory_space<hbm>>
    tpu.enqueue_indirect_dma source(%dma_start3A_49 : memref<10000xf32, #tpu.memory_space<hbm>>) target(%arg17 : memref<80xf32, #tpu.memory_space<vmem>>) offsets(%arg10 : memref<80xi32, #tpu.memory_space<vmem>>) semaphore(%arg34 : memref<!tpu.dma_semaphore, #tpu.memory_space<semaphore_mem>>)
    %dma_start3A_50 = arith.constant 0 : i32
    %dma_start3A_51 = tpu.memref_slice %arg5[%dma_start3A_50] : memref<10000xf32, #tpu.memory_space<hbm>> -> memref<10000xf32, #tpu.memory_space<hbm>>
    tpu.enqueue_indirect_dma source(%dma_start3A_51 : memref<10000xf32, #tpu.memory_space<hbm>>) target(%arg18 : memref<80xf32, #tpu.memory_space<vmem>>) offsets(%arg10 : memref<80xi32, #tpu.memory_space<vmem>>) semaphore(%arg34 : memref<!tpu.dma_semaphore, #tpu.memory_space<semaphore_mem>>)
    %dma_start3A_52 = arith.constant 0 : i32
    %dma_start3A_53 = tpu.memref_slice %arg3[%dma_start3A_52] : memref<10000xf32, #tpu.memory_space<hbm>> -> memref<10000xf32, #tpu.memory_space<hbm>>
    tpu.enqueue_indirect_dma source(%dma_start3A_53 : memref<10000xf32, #tpu.memory_space<hbm>>) target(%arg19 : memref<80xf32, #tpu.memory_space<vmem>>) offsets(%arg12 : memref<80xi32, #tpu.memory_space<vmem>>) semaphore(%arg34 : memref<!tpu.dma_semaphore, #tpu.memory_space<semaphore_mem>>)
    %dma_start3A_54 = arith.constant 0 : i32
    %dma_start3A_55 = tpu.memref_slice %arg4[%dma_start3A_54] : memref<10000xf32, #tpu.memory_space<hbm>> -> memref<10000xf32, #tpu.memory_space<hbm>>
    tpu.enqueue_indirect_dma source(%dma_start3A_55 : memref<10000xf32, #tpu.memory_space<hbm>>) target(%arg20 : memref<80xf32, #tpu.memory_space<vmem>>) offsets(%arg12 : memref<80xi32, #tpu.memory_space<vmem>>) semaphore(%arg34 : memref<!tpu.dma_semaphore, #tpu.memory_space<semaphore_mem>>)
    %dma_start3A_56 = arith.constant 0 : i32
    %dma_start3A_57 = tpu.memref_slice %arg5[%dma_start3A_56] : memref<10000xf32, #tpu.memory_space<hbm>> -> memref<10000xf32, #tpu.memory_space<hbm>>
    tpu.enqueue_indirect_dma source(%dma_start3A_57 : memref<10000xf32, #tpu.memory_space<hbm>>) target(%arg21 : memref<80xf32, #tpu.memory_space<vmem>>) offsets(%arg12 : memref<80xi32, #tpu.memory_space<vmem>>) semaphore(%arg34 : memref<!tpu.dma_semaphore, #tpu.memory_space<semaphore_mem>>)
    %dma_start3A_58 = arith.constant 0 : i32
    %dma_start3A_59 = arith.constant 0 : i32
    %dma_start3A_60 = tpu.memref_slice %arg2[%dma_start3A_58, %dma_start3A_59] : memref<10000x128xf32, #tpu.memory_space<hbm>> -> memref<10000x128xf32, #tpu.memory_space<hbm>>
    tpu.enqueue_indirect_dma source(%dma_start3A_60 : memref<10000x128xf32, #tpu.memory_space<hbm>>) target(%arg29 : memref<80x128xf32, #tpu.memory_space<vmem>>) offsets(%arg10 : memref<80xi32, #tpu.memory_space<vmem>>) semaphore(%arg34 : memref<!tpu.dma_semaphore, #tpu.memory_space<semaphore_mem>>)
    %dma_wait3A_61 = arith.constant 0 : i32
    %dma_wait3A_62 = tpu.memref_slice %arg3[%dma_wait3A_61] : memref<10000xf32, #tpu.memory_space<hbm>> -> memref<10000xf32, #tpu.memory_space<hbm>>
    tpu.wait_indirect_dma semaphore(%arg34 : memref<!tpu.dma_semaphore, #tpu.memory_space<semaphore_mem>>) src(%dma_wait3A_62 : memref<10000xf32, #tpu.memory_space<hbm>>) dst(%arg16 : memref<80xf32, #tpu.memory_space<vmem>>)
    %dma_wait3A_63 = arith.constant 0 : i32
    %dma_wait3A_64 = tpu.memref_slice %arg3[%dma_wait3A_63] : memref<10000xf32, #tpu.memory_space<hbm>> -> memref<10000xf32, #tpu.memory_space<hbm>>
    tpu.wait_indirect_dma semaphore(%arg34 : memref<!tpu.dma_semaphore, #tpu.memory_space<semaphore_mem>>) src(%dma_wait3A_64 : memref<10000xf32, #tpu.memory_space<hbm>>) dst(%arg17 : memref<80xf32, #tpu.memory_space<vmem>>)
    %dma_wait3A_65 = arith.constant 0 : i32
    %dma_wait3A_66 = tpu.memref_slice %arg3[%dma_wait3A_65] : memref<10000xf32, #tpu.memory_space<hbm>> -> memref<10000xf32, #tpu.memory_space<hbm>>
    tpu.wait_indirect_dma semaphore(%arg34 : memref<!tpu.dma_semaphore, #tpu.memory_space<semaphore_mem>>) src(%dma_wait3A_66 : memref<10000xf32, #tpu.memory_space<hbm>>) dst(%arg18 : memref<80xf32, #tpu.memory_space<vmem>>)
    %dma_wait3A_67 = arith.constant 0 : i32
    %dma_wait3A_68 = tpu.memref_slice %arg3[%dma_wait3A_67] : memref<10000xf32, #tpu.memory_space<hbm>> -> memref<10000xf32, #tpu.memory_space<hbm>>
    tpu.wait_indirect_dma semaphore(%arg34 : memref<!tpu.dma_semaphore, #tpu.memory_space<semaphore_mem>>) src(%dma_wait3A_68 : memref<10000xf32, #tpu.memory_space<hbm>>) dst(%arg19 : memref<80xf32, #tpu.memory_space<vmem>>)
    %dma_wait3A_69 = arith.constant 0 : i32
    %dma_wait3A_70 = tpu.memref_slice %arg3[%dma_wait3A_69] : memref<10000xf32, #tpu.memory_space<hbm>> -> memref<10000xf32, #tpu.memory_space<hbm>>
    tpu.wait_indirect_dma semaphore(%arg34 : memref<!tpu.dma_semaphore, #tpu.memory_space<semaphore_mem>>) src(%dma_wait3A_70 : memref<10000xf32, #tpu.memory_space<hbm>>) dst(%arg20 : memref<80xf32, #tpu.memory_space<vmem>>)
    %dma_wait3A_71 = arith.constant 0 : i32
    %dma_wait3A_72 = tpu.memref_slice %arg3[%dma_wait3A_71] : memref<10000xf32, #tpu.memory_space<hbm>> -> memref<10000xf32, #tpu.memory_space<hbm>>
    tpu.wait_indirect_dma semaphore(%arg34 : memref<!tpu.dma_semaphore, #tpu.memory_space<semaphore_mem>>) src(%dma_wait3A_72 : memref<10000xf32, #tpu.memory_space<hbm>>) dst(%arg21 : memref<80xf32, #tpu.memory_space<vmem>>)
    %dma_wait3A_73 = arith.constant 0 : i32
    %dma_wait3A_74 = arith.constant 0 : i32
    %dma_wait3A_75 = tpu.memref_slice %arg2[%dma_wait3A_73, %dma_wait3A_74] : memref<10000x128xf32, #tpu.memory_space<hbm>> -> memref<10000x128xf32, #tpu.memory_space<hbm>>
    tpu.wait_indirect_dma semaphore(%arg34 : memref<!tpu.dma_semaphore, #tpu.memory_space<semaphore_mem>>) src(%dma_wait3A_75 : memref<10000x128xf32, #tpu.memory_space<hbm>>) dst(%arg29 : memref<80x128xf32, #tpu.memory_space<vmem>>)
    %scan3A = arith.constant 0 : i32
    %scan3A_76 = arith.constant 0 : i32
    %scan3A_77 = arith.constant 5 : i32
    %scan3A_78 = arith.addi %scan3A_76, %scan3A_77 : i32
    %scan3A_79 = arith.constant 1 : i32
    scf.for %scan3A_537 = %scan3A_76 to %scan3A_78 step %scan3A_79  : i32 {
      %mul3A_538 = arith.constant 16 : i32
      %mul3A_539 = arith.muli %scan3A_537, %mul3A_538 : i32
      %get3A = arith.index_cast %mul3A_539 : i32 to index
      %get3A_540 = tpu.vector_load %arg12[%get3A] {strides = array<i32>} : memref<80xi32, #tpu.memory_space<vmem>>, vector<16xi32>,
      %get3A_541 = vector.shape_cast %get3A_540 : vector<16xi32> to vector<16xi32>
      %swap3A = arith.index_cast %mul3A_539 : i32 to index
      %swap3A_542 = tpu.vector_load %arg14[%swap3A] {strides = array<i32>} : memref<80xi32, #tpu.memory_space<vmem>>, vector<16xi32>,
      %swap3A_543 = vector.shape_cast %swap3A_542 : vector<16xi32> to vector<16xi32>
      %swap3A_544 = vector.shape_cast %get3A_541 : vector<16xi32> to vector<16xi32>
      tpu.vector_store %arg14[%swap3A], %swap3A_544 {strides = array<i32>} : memref<80xi32, #tpu.memory_space<vmem>>, vector<16xi32>,
    }
    %scan3A_80 = arith.constant 5 : i32
    %dma_start3A_81 = arith.constant 2 : i32
    %dma_start3A_82 = arith.constant 0 : i32
    %dma_start3A_83 = tpu.memref_slice %arg6[%arg1, %dma_start3A_81, %dma_start3A_82] : memref<16x126x80xi32, #tpu.memory_space<hbm>> -> memref<1x1x80xi32, #tpu.memory_space<hbm>>
    %dma_start3A_84 = tpu.memref_squeeze %dma_start3A_83 : memref<1x1x80xi32, #tpu.memory_space<hbm>> -> memref<80xi32, #tpu.memory_space<hbm>>
    %dma_start3A_85 = arith.constant 0 : i32
    %dma_start3A_86 = tpu.memref_slice %arg6[%arg1, %dma_start3A_81, %dma_start3A_85] : memref<16x126x80xi32, #tpu.memory_space<hbm>> -> memref<1x1x80xi32, #tpu.memory_space<hbm>>
    %dma_start3A_87 = tpu.memref_squeeze %dma_start3A_86 : memref<1x1x80xi32, #tpu.memory_space<hbm>> -> memref<80xi32, #tpu.memory_space<hbm>>
    tpu.enqueue_dma source(%dma_start3A_87 : memref<80xi32, #tpu.memory_space<hbm>>) target(%arg10 : memref<80xi32, #tpu.memory_space<vmem>>) target_semaphore(%arg32 : memref<!tpu.dma_semaphore, #tpu.memory_space<semaphore_mem>>)
    %dma_start3A_88 = arith.constant 2 : i32
    %dma_start3A_89 = arith.constant 0 : i32
    %dma_start3A_90 = tpu.memref_slice %arg7[%arg1, %dma_start3A_88, %dma_start3A_89] : memref<16x126x80xi32, #tpu.memory_space<hbm>> -> memref<1x1x80xi32, #tpu.memory_space<hbm>>
    %dma_start3A_91 = tpu.memref_squeeze %dma_start3A_90 : memref<1x1x80xi32, #tpu.memory_space<hbm>> -> memref<80xi32, #tpu.memory_space<hbm>>
    %dma_start3A_92 = arith.constant 0 : i32
    %dma_start3A_93 = tpu.memref_slice %arg7[%arg1, %dma_start3A_88, %dma_start3A_92] : memref<16x126x80xi32, #tpu.memory_space<hbm>> -> memref<1x1x80xi32, #tpu.memory_space<hbm>>
    %dma_start3A_94 = tpu.memref_squeeze %dma_start3A_93 : memref<1x1x80xi32, #tpu.memory_space<hbm>> -> memref<80xi32, #tpu.memory_space<hbm>>
    tpu.enqueue_dma source(%dma_start3A_94 : memref<80xi32, #tpu.memory_space<hbm>>) target(%arg12 : memref<80xi32, #tpu.memory_space<vmem>>) target_semaphore(%arg32 : memref<!tpu.dma_semaphore, #tpu.memory_space<semaphore_mem>>)
    %dma_wait3A_95 = arith.constant 0 : i32
    %dma_wait3A_96 = arith.constant 0 : i32
    %dma_wait3A_97 = tpu.memref_slice %arg6[%arg1, %dma_wait3A_95, %dma_wait3A_96] : memref<16x126x80xi32, #tpu.memory_space<hbm>> -> memref<1x1x80xi32, #tpu.memory_space<hbm>>
    %dma_wait3A_98 = tpu.memref_squeeze %dma_wait3A_97 : memref<1x1x80xi32, #tpu.memory_space<hbm>> -> memref<80xi32, #tpu.memory_space<hbm>>
    %dma_wait3A_99 = arith.constant 0 : i32
    %dma_wait3A_100 = tpu.memref_slice %arg6[%arg1, %dma_wait3A_95, %dma_wait3A_99] : memref<16x126x80xi32, #tpu.memory_space<hbm>> -> memref<1x1x80xi32, #tpu.memory_space<hbm>>
    %dma_wait3A_101 = tpu.memref_squeeze %dma_wait3A_100 : memref<1x1x80xi32, #tpu.memory_space<hbm>> -> memref<80xi32, #tpu.memory_space<hbm>>
    tpu.wait_dma2 semaphore(%arg33 : memref<!tpu.dma_semaphore, #tpu.memory_space<semaphore_mem>>) src(%dma_wait3A_101 : memref<80xi32, #tpu.memory_space<hbm>>) dst(%arg11 : memref<80xi32, #tpu.memory_space<vmem>>)
    %dma_wait3A_102 = arith.constant 0 : i32
    %dma_wait3A_103 = arith.constant 0 : i32
    %dma_wait3A_104 = tpu.memref_slice %arg7[%arg1, %dma_wait3A_102, %dma_wait3A_103] : memref<16x126x80xi32, #tpu.memory_space<hbm>> -> memref<1x1x80xi32, #tpu.memory_space<hbm>>
    %dma_wait3A_105 = tpu.memref_squeeze %dma_wait3A_104 : memref<1x1x80xi32, #tpu.memory_space<hbm>> -> memref<80xi32, #tpu.memory_space<hbm>>
    %dma_wait3A_106 = arith.constant 0 : i32
    %dma_wait3A_107 = tpu.memref_slice %arg7[%arg1, %dma_wait3A_102, %dma_wait3A_106] : memref<16x126x80xi32, #tpu.memory_space<hbm>> -> memref<1x1x80xi32, #tpu.memory_space<hbm>>
    %dma_wait3A_108 = tpu.memref_squeeze %dma_wait3A_107 : memref<1x1x80xi32, #tpu.memory_space<hbm>> -> memref<80xi32, #tpu.memory_space<hbm>>
    tpu.wait_dma2 semaphore(%arg33 : memref<!tpu.dma_semaphore, #tpu.memory_space<semaphore_mem>>) src(%dma_wait3A_108 : memref<80xi32, #tpu.memory_space<hbm>>) dst(%arg13 : memref<80xi32, #tpu.memory_space<vmem>>)
    %dma_start3A_109 = arith.constant 0 : i32
    %dma_start3A_110 = tpu.memref_slice %arg3[%dma_start3A_109] : memref<10000xf32, #tpu.memory_space<hbm>> -> memref<10000xf32, #tpu.memory_space<hbm>>
    tpu.enqueue_indirect_dma source(%dma_start3A_110 : memref<10000xf32, #tpu.memory_space<hbm>>) target(%arg22 : memref<80xf32, #tpu.memory_space<vmem>>) offsets(%arg11 : memref<80xi32, #tpu.memory_space<vmem>>) semaphore(%arg35 : memref<!tpu.dma_semaphore, #tpu.memory_space<semaphore_mem>>)
    %dma_start3A_111 = arith.constant 0 : i32
    %dma_start3A_112 = tpu.memref_slice %arg4[%dma_start3A_111] : memref<10000xf32, #tpu.memory_space<hbm>> -> memref<10000xf32, #tpu.memory_space<hbm>>
    tpu.enqueue_indirect_dma source(%dma_start3A_112 : memref<10000xf32, #tpu.memory_space<hbm>>) target(%arg23 : memref<80xf32, #tpu.memory_space<vmem>>) offsets(%arg11 : memref<80xi32, #tpu.memory_space<vmem>>) semaphore(%arg35 : memref<!tpu.dma_semaphore, #tpu.memory_space<semaphore_mem>>)
    %dma_start3A_113 = arith.constant 0 : i32
    %dma_start3A_114 = tpu.memref_slice %arg5[%dma_start3A_113] : memref<10000xf32, #tpu.memory_space<hbm>> -> memref<10000xf32, #tpu.memory_space<hbm>>
    tpu.enqueue_indirect_dma source(%dma_start3A_114 : memref<10000xf32, #tpu.memory_space<hbm>>) target(%arg24 : memref<80xf32, #tpu.memory_space<vmem>>) offsets(%arg11 : memref<80xi32, #tpu.memory_space<vmem>>) semaphore(%arg35 : memref<!tpu.dma_semaphore, #tpu.memory_space<semaphore_mem>>)
    %dma_start3A_115 = arith.constant 0 : i32
    %dma_start3A_116 = tpu.memref_slice %arg3[%dma_start3A_115] : memref<10000xf32, #tpu.memory_space<hbm>> -> memref<10000xf32, #tpu.memory_space<hbm>>
    tpu.enqueue_indirect_dma source(%dma_start3A_116 : memref<10000xf32, #tpu.memory_space<hbm>>) target(%arg25 : memref<80xf32, #tpu.memory_space<vmem>>) offsets(%arg13 : memref<80xi32, #tpu.memory_space<vmem>>) semaphore(%arg35 : memref<!tpu.dma_semaphore, #tpu.memory_space<semaphore_mem>>)
    %dma_start3A_117 = arith.constant 0 : i32
    %dma_start3A_118 = tpu.memref_slice %arg4[%dma_start3A_117] : memref<10000xf32, #tpu.memory_space<hbm>> -> memref<10000xf32, #tpu.memory_space<hbm>>
    tpu.enqueue_indirect_dma source(%dma_start3A_118 : memref<10000xf32, #tpu.memory_space<hbm>>) target(%arg26 : memref<80xf32, #tpu.memory_space<vmem>>) offsets(%arg13 : memref<80xi32, #tpu.memory_space<vmem>>) semaphore(%arg35 : memref<!tpu.dma_semaphore, #tpu.memory_space<semaphore_mem>>)
    %dma_start3A_119 = arith.constant 0 : i32
    %dma_start3A_120 = tpu.memref_slice %arg5[%dma_start3A_119] : memref<10000xf32, #tpu.memory_space<hbm>> -> memref<10000xf32, #tpu.memory_space<hbm>>
    tpu.enqueue_indirect_dma source(%dma_start3A_120 : memref<10000xf32, #tpu.memory_space<hbm>>) target(%arg27 : memref<80xf32, #tpu.memory_space<vmem>>) offsets(%arg13 : memref<80xi32, #tpu.memory_space<vmem>>) semaphore(%arg35 : memref<!tpu.dma_semaphore, #tpu.memory_space<semaphore_mem>>)
    %dma_start3A_121 = arith.constant 0 : i32
    %dma_start3A_122 = arith.constant 0 : i32
    %dma_start3A_123 = tpu.memref_slice %arg2[%dma_start3A_121, %dma_start3A_122] : memref<10000x128xf32, #tpu.memory_space<hbm>> -> memref<10000x128xf32, #tpu.memory_space<hbm>>
    tpu.enqueue_indirect_dma source(%dma_start3A_123 : memref<10000x128xf32, #tpu.memory_space<hbm>>) target(%arg30 : memref<80x128xf32, #tpu.memory_space<vmem>>) offsets(%arg11 : memref<80xi32, #tpu.memory_space<vmem>>) semaphore(%arg35 : memref<!tpu.dma_semaphore, #tpu.memory_space<semaphore_mem>>)
    %dma_start3A_124 = arith.constant 0 : i32
    %dma_start3A_125 = arith.constant 0 : i32
    %dma_start3A_126 = tpu.memref_slice %arg31[%dma_start3A_124, %dma_start3A_125] : memref<10000x128xf32, #tpu.memory_space<vmem_shared>> -> memref<10000x128xf32, #tpu.memory_space<vmem_shared>>
    tpu.enqueue_indirect_dma source(%arg29 : memref<80x128xf32, #tpu.memory_space<vmem>>) target(%dma_start3A_126 : memref<10000x128xf32, #tpu.memory_space<vmem_shared>>) offsets(%arg14 : memref<80xi32, #tpu.memory_space<vmem>>) semaphore(%arg36 : memref<!tpu.dma_semaphore, #tpu.memory_space<semaphore_mem>>) {add = true}
    %dma_wait3A_127 = arith.constant 0 : i32
    %dma_wait3A_128 = tpu.memref_slice %arg3[%dma_wait3A_127] : memref<10000xf32, #tpu.memory_space<hbm>> -> memref<10000xf32, #tpu.memory_space<hbm>>
    tpu.wait_indirect_dma semaphore(%arg35 : memref<!tpu.dma_semaphore, #tpu.memory_space<semaphore_mem>>) src(%dma_wait3A_128 : memref<10000xf32, #tpu.memory_space<hbm>>) dst(%arg22 : memref<80xf32, #tpu.memory_space<vmem>>)
    %dma_wait3A_129 = arith.constant 0 : i32
    %dma_wait3A_130 = tpu.memref_slice %arg3[%dma_wait3A_129] : memref<10000xf32, #tpu.memory_space<hbm>> -> memref<10000xf32, #tpu.memory_space<hbm>>
    tpu.wait_indirect_dma semaphore(%arg35 : memref<!tpu.dma_semaphore, #tpu.memory_space<semaphore_mem>>) src(%dma_wait3A_130 : memref<10000xf32, #tpu.memory_space<hbm>>) dst(%arg23 : memref<80xf32, #tpu.memory_space<vmem>>)
    %dma_wait3A_131 = arith.constant 0 : i32
    %dma_wait3A_132 = tpu.memref_slice %arg3[%dma_wait3A_131] : memref<10000xf32, #tpu.memory_space<hbm>> -> memref<10000xf32, #tpu.memory_space<hbm>>
    tpu.wait_indirect_dma semaphore(%arg35 : memref<!tpu.dma_semaphore, #tpu.memory_space<semaphore_mem>>) src(%dma_wait3A_132 : memref<10000xf32, #tpu.memory_space<hbm>>) dst(%arg24 : memref<80xf32, #tpu.memory_space<vmem>>)
    %dma_wait3A_133 = arith.constant 0 : i32
    %dma_wait3A_134 = tpu.memref_slice %arg3[%dma_wait3A_133] : memref<10000xf32, #tpu.memory_space<hbm>> -> memref<10000xf32, #tpu.memory_space<hbm>>
    tpu.wait_indirect_dma semaphore(%arg35 : memref<!tpu.dma_semaphore, #tpu.memory_space<semaphore_mem>>) src(%dma_wait3A_134 : memref<10000xf32, #tpu.memory_space<hbm>>) dst(%arg25 : memref<80xf32, #tpu.memory_space<vmem>>)
    %dma_wait3A_135 = arith.constant 0 : i32
    %dma_wait3A_136 = tpu.memref_slice %arg3[%dma_wait3A_135] : memref<10000xf32, #tpu.memory_space<hbm>> -> memref<10000xf32, #tpu.memory_space<hbm>>
    tpu.wait_indirect_dma semaphore(%arg35 : memref<!tpu.dma_semaphore, #tpu.memory_space<semaphore_mem>>) src(%dma_wait3A_136 : memref<10000xf32, #tpu.memory_space<hbm>>) dst(%arg26 : memref<80xf32, #tpu.memory_space<vmem>>)
    %dma_wait3A_137 = arith.constant 0 : i32
    %dma_wait3A_138 = tpu.memref_slice %arg3[%dma_wait3A_137] : memref<10000xf32, #tpu.memory_space<hbm>> -> memref<10000xf32, #tpu.memory_space<hbm>>
    tpu.wait_indirect_dma semaphore(%arg35 : memref<!tpu.dma_semaphore, #tpu.memory_space<semaphore_mem>>) src(%dma_wait3A_138 : memref<10000xf32, #tpu.memory_space<hbm>>) dst(%arg27 : memref<80xf32, #tpu.memory_space<vmem>>)
    %dma_wait3A_139 = arith.constant 0 : i32
    %dma_wait3A_140 = arith.constant 0 : i32
    %dma_wait3A_141 = tpu.memref_slice %arg2[%dma_wait3A_139, %dma_wait3A_140] : memref<10000x128xf32, #tpu.memory_space<hbm>> -> memref<10000x128xf32, #tpu.memory_space<hbm>>
    tpu.wait_indirect_dma semaphore(%arg35 : memref<!tpu.dma_semaphore, #tpu.memory_space<semaphore_mem>>) src(%dma_wait3A_141 : memref<10000x128xf32, #tpu.memory_space<hbm>>) dst(%arg30 : memref<80x128xf32, #tpu.memory_space<vmem>>)
    %scan3A_142 = arith.constant 0 : i32
    %scan3A_143 = arith.constant 0 : i32
    %scan3A_144 = arith.constant 5 : i32
    %scan3A_145 = arith.addi %scan3A_143, %scan3A_144 : i32
    %scan3A_146 = arith.constant 1 : i32
    scf.for %scan3A_537 = %scan3A_143 to %scan3A_145 step %scan3A_146  : i32 {
      %mul3A_538 = arith.constant 16 : i32
      %mul3A_539 = arith.muli %scan3A_537, %mul3A_538 : i32
      %get3A = arith.index_cast %mul3A_539 : i32 to index
      %get3A_540 = tpu.vector_load %arg13[%get3A] {strides = array<i32>} : memref<80xi32, #tpu.memory_space<vmem>>, vector<16xi32>,
      %get3A_541 = vector.shape_cast %get3A_540 : vector<16xi32> to vector<16xi32>
      %swap3A = arith.index_cast %mul3A_539 : i32 to index
      %swap3A_542 = tpu.vector_load %arg15[%swap3A] {strides = array<i32>} : memref<80xi32, #tpu.memory_space<vmem>>, vector<16xi32>,
      %swap3A_543 = vector.shape_cast %swap3A_542 : vector<16xi32> to vector<16xi32>
      %swap3A_544 = vector.shape_cast %get3A_541 : vector<16xi32> to vector<16xi32>
      tpu.vector_store %arg15[%swap3A], %swap3A_544 {strides = array<i32>} : memref<80xi32, #tpu.memory_space<vmem>>, vector<16xi32>,
    }
    %scan3A_147 = arith.constant 5 : i32
    %dma_start3A_148 = arith.constant 3 : i32
    %dma_start3A_149 = arith.constant 0 : i32
    %dma_start3A_150 = tpu.memref_slice %arg6[%arg1, %dma_start3A_148, %dma_start3A_149] : memref<16x126x80xi32, #tpu.memory_space<hbm>> -> memref<1x1x80xi32, #tpu.memory_space<hbm>>
    %dma_start3A_151 = tpu.memref_squeeze %dma_start3A_150 : memref<1x1x80xi32, #tpu.memory_space<hbm>> -> memref<80xi32, #tpu.memory_space<hbm>>
    %dma_start3A_152 = arith.constant 0 : i32
    %dma_start3A_153 = tpu.memref_slice %arg6[%arg1, %dma_start3A_148, %dma_start3A_152] : memref<16x126x80xi32, #tpu.memory_space<hbm>> -> memref<1x1x80xi32, #tpu.memory_space<hbm>>
    %dma_start3A_154 = tpu.memref_squeeze %dma_start3A_153 : memref<1x1x80xi32, #tpu.memory_space<hbm>> -> memref<80xi32, #tpu.memory_space<hbm>>
    tpu.enqueue_dma source(%dma_start3A_154 : memref<80xi32, #tpu.memory_space<hbm>>) target(%arg11 : memref<80xi32, #tpu.memory_space<vmem>>) target_semaphore(%arg33 : memref<!tpu.dma_semaphore, #tpu.memory_space<semaphore_mem>>)
    %dma_start3A_155 = arith.constant 3 : i32
    %dma_start3A_156 = arith.constant 0 : i32
    %dma_start3A_157 = tpu.memref_slice %arg7[%arg1, %dma_start3A_155, %dma_start3A_156] : memref<16x126x80xi32, #tpu.memory_space<hbm>> -> memref<1x1x80xi32, #tpu.memory_space<hbm>>
    %dma_start3A_158 = tpu.memref_squeeze %dma_start3A_157 : memref<1x1x80xi32, #tpu.memory_space<hbm>> -> memref<80xi32, #tpu.memory_space<hbm>>
    %dma_start3A_159 = arith.constant 0 : i32
    %dma_start3A_160 = tpu.memref_slice %arg7[%arg1, %dma_start3A_155, %dma_start3A_159] : memref<16x126x80xi32, #tpu.memory_space<hbm>> -> memref<1x1x80xi32, #tpu.memory_space<hbm>>
    %dma_start3A_161 = tpu.memref_squeeze %dma_start3A_160 : memref<1x1x80xi32, #tpu.memory_space<hbm>> -> memref<80xi32, #tpu.memory_space<hbm>>
    tpu.enqueue_dma source(%dma_start3A_161 : memref<80xi32, #tpu.memory_space<hbm>>) target(%arg13 : memref<80xi32, #tpu.memory_space<vmem>>) target_semaphore(%arg33 : memref<!tpu.dma_semaphore, #tpu.memory_space<semaphore_mem>>)
    %dma_wait3A_162 = arith.constant 0 : i32
    %dma_wait3A_163 = arith.constant 0 : i32
    %dma_wait3A_164 = tpu.memref_slice %arg6[%arg1, %dma_wait3A_162, %dma_wait3A_163] : memref<16x126x80xi32, #tpu.memory_space<hbm>> -> memref<1x1x80xi32, #tpu.memory_space<hbm>>
    %dma_wait3A_165 = tpu.memref_squeeze %dma_wait3A_164 : memref<1x1x80xi32, #tpu.memory_space<hbm>> -> memref<80xi32, #tpu.memory_space<hbm>>
    %dma_wait3A_166 = arith.constant 0 : i32
    %dma_wait3A_167 = tpu.memref_slice %arg6[%arg1, %dma_wait3A_162, %dma_wait3A_166] : memref<16x126x80xi32, #tpu.memory_space<hbm>> -> memref<1x1x80xi32, #tpu.memory_space<hbm>>
    %dma_wait3A_168 = tpu.memref_squeeze %dma_wait3A_167 : memref<1x1x80xi32, #tpu.memory_space<hbm>> -> memref<80xi32, #tpu.memory_space<hbm>>
    tpu.wait_dma2 semaphore(%arg32 : memref<!tpu.dma_semaphore, #tpu.memory_space<semaphore_mem>>) src(%dma_wait3A_168 : memref<80xi32, #tpu.memory_space<hbm>>) dst(%arg10 : memref<80xi32, #tpu.memory_space<vmem>>)
    %dma_wait3A_169 = arith.constant 0 : i32
    %dma_wait3A_170 = arith.constant 0 : i32
    %dma_wait3A_171 = tpu.memref_slice %arg7[%arg1, %dma_wait3A_169, %dma_wait3A_170] : memref<16x126x80xi32, #tpu.memory_space<hbm>> -> memref<1x1x80xi32, #tpu.memory_space<hbm>>
    %dma_wait3A_172 = tpu.memref_squeeze %dma_wait3A_171 : memref<1x1x80xi32, #tpu.memory_space<hbm>> -> memref<80xi32, #tpu.memory_space<hbm>>
    %dma_wait3A_173 = arith.constant 0 : i32
    %dma_wait3A_174 = tpu.memref_slice %arg7[%arg1, %dma_wait3A_169, %dma_wait3A_173] : memref<16x126x80xi32, #tpu.memory_space<hbm>> -> memref<1x1x80xi32, #tpu.memory_space<hbm>>
    %dma_wait3A_175 = tpu.memref_squeeze %dma_wait3A_174 : memref<1x1x80xi32, #tpu.memory_space<hbm>> -> memref<80xi32, #tpu.memory_space<hbm>>
    tpu.wait_dma2 semaphore(%arg32 : memref<!tpu.dma_semaphore, #tpu.memory_space<semaphore_mem>>) src(%dma_wait3A_175 : memref<80xi32, #tpu.memory_space<hbm>>) dst(%arg12 : memref<80xi32, #tpu.memory_space<vmem>>)
    %dma_wait3A_176 = arith.constant 0 : i32
    %dma_wait3A_177 = arith.constant 0 : i32
    %dma_wait3A_178 = tpu.memref_slice %arg31[%dma_wait3A_176, %dma_wait3A_177] : memref<10000x128xf32, #tpu.memory_space<vmem_shared>> -> memref<10000x128xf32, #tpu.memory_space<vmem_shared>>
    tpu.wait_indirect_dma semaphore(%arg36 : memref<!tpu.dma_semaphore, #tpu.memory_space<semaphore_mem>>) src(%arg29 : memref<80x128xf32, #tpu.memory_space<vmem>>) dst(%dma_wait3A_178 : memref<10000x128xf32, #tpu.memory_space<vmem_shared>>)
    %dma_start3A_179 = arith.constant 0 : i32
    %dma_start3A_180 = tpu.memref_slice %arg3[%dma_start3A_179] : memref<10000xf32, #tpu.memory_space<hbm>> -> memref<10000xf32, #tpu.memory_space<hbm>>
    tpu.enqueue_indirect_dma source(%dma_start3A_180 : memref<10000xf32, #tpu.memory_space<hbm>>) target(%arg16 : memref<80xf32, #tpu.memory_space<vmem>>) offsets(%arg10 : memref<80xi32, #tpu.memory_space<vmem>>) semaphore(%arg34 : memref<!tpu.dma_semaphore, #tpu.memory_space<semaphore_mem>>)
    %dma_start3A_181 = arith.constant 0 : i32
    %dma_start3A_182 = tpu.memref_slice %arg4[%dma_start3A_181] : memref<10000xf32, #tpu.memory_space<hbm>> -> memref<10000xf32, #tpu.memory_space<hbm>>
    tpu.enqueue_indirect_dma source(%dma_start3A_182 : memref<10000xf32, #tpu.memory_space<hbm>>) target(%arg17 : memref<80xf32, #tpu.memory_space<vmem>>) offsets(%arg10 : memref<80xi32, #tpu.memory_space<vmem>>) semaphore(%arg34 : memref<!tpu.dma_semaphore, #tpu.memory_space<semaphore_mem>>)
    %dma_start3A_183 = arith.constant 0 : i32
    %dma_start3A_184 = tpu.memref_slice %arg5[%dma_start3A_183] : memref<10000xf32, #tpu.memory_space<hbm>> -> memref<10000xf32, #tpu.memory_space<hbm>>
    tpu.enqueue_indirect_dma source(%dma_start3A_184 : memref<10000xf32, #tpu.memory_space<hbm>>) target(%arg18 : memref<80xf32, #tpu.memory_space<vmem>>) offsets(%arg10 : memref<80xi32, #tpu.memory_space<vmem>>) semaphore(%arg34 : memref<!tpu.dma_semaphore, #tpu.memory_space<semaphore_mem>>)
    %dma_start3A_185 = arith.constant 0 : i32
    %dma_start3A_186 = tpu.memref_slice %arg3[%dma_start3A_185] : memref<10000xf32, #tpu.memory_space<hbm>> -> memref<10000xf32, #tpu.memory_space<hbm>>
    tpu.enqueue_indirect_dma source(%dma_start3A_186 : memref<10000xf32, #tpu.memory_space<hbm>>) target(%arg19 : memref<80xf32, #tpu.memory_space<vmem>>) offsets(%arg12 : memref<80xi32, #tpu.memory_space<vmem>>) semaphore(%arg34 : memref<!tpu.dma_semaphore, #tpu.memory_space<semaphore_mem>>)
    %dma_start3A_187 = arith.constant 0 : i32
    %dma_start3A_188 = tpu.memref_slice %arg4[%dma_start3A_187] : memref<10000xf32, #tpu.memory_space<hbm>> -> memref<10000xf32, #tpu.memory_space<hbm>>
    tpu.enqueue_indirect_dma source(%dma_start3A_188 : memref<10000xf32, #tpu.memory_space<hbm>>) target(%arg20 : memref<80xf32, #tpu.memory_space<vmem>>) offsets(%arg12 : memref<80xi32, #tpu.memory_space<vmem>>) semaphore(%arg34 : memref<!tpu.dma_semaphore, #tpu.memory_space<semaphore_mem>>)
    %dma_start3A_189 = arith.constant 0 : i32
    %dma_start3A_190 = tpu.memref_slice %arg5[%dma_start3A_189] : memref<10000xf32, #tpu.memory_space<hbm>> -> memref<10000xf32, #tpu.memory_space<hbm>>
    tpu.enqueue_indirect_dma source(%dma_start3A_190 : memref<10000xf32, #tpu.memory_space<hbm>>) target(%arg21 : memref<80xf32, #tpu.memory_space<vmem>>) offsets(%arg12 : memref<80xi32, #tpu.memory_space<vmem>>) semaphore(%arg34 : memref<!tpu.dma_semaphore, #tpu.memory_space<semaphore_mem>>)
    %dma_start3A_191 = arith.constant 0 : i32
    %dma_start3A_192 = arith.constant 0 : i32
    %dma_start3A_193 = tpu.memref_slice %arg2[%dma_start3A_191, %dma_start3A_192] : memref<10000x128xf32, #tpu.memory_space<hbm>> -> memref<10000x128xf32, #tpu.memory_space<hbm>>
    tpu.enqueue_indirect_dma source(%dma_start3A_193 : memref<10000x128xf32, #tpu.memory_space<hbm>>) target(%arg29 : memref<80x128xf32, #tpu.memory_space<vmem>>) offsets(%arg10 : memref<80xi32, #tpu.memory_space<vmem>>) semaphore(%arg34 : memref<!tpu.dma_semaphore, #tpu.memory_space<semaphore_mem>>)
    %dma_start3A_194 = arith.constant 0 : i32
    %dma_start3A_195 = arith.constant 0 : i32
    %dma_start3A_196 = tpu.memref_slice %arg31[%dma_start3A_194, %dma_start3A_195] : memref<10000x128xf32, #tpu.memory_space<vmem_shared>> -> memref<10000x128xf32, #tpu.memory_space<vmem_shared>>
    tpu.enqueue_indirect_dma source(%arg30 : memref<80x128xf32, #tpu.memory_space<vmem>>) target(%dma_start3A_196 : memref<10000x128xf32, #tpu.memory_space<vmem_shared>>) offsets(%arg15 : memref<80xi32, #tpu.memory_space<vmem>>) semaphore(%arg37 : memref<!tpu.dma_semaphore, #tpu.memory_space<semaphore_mem>>) {add = true}
    %scan3A_197 = arith.constant 0 : i32
    %scan3A_198 = arith.constant 1 : i32
    %scan3A_199 = arith.constant 61 : i32
    %scan3A_200 = arith.addi %scan3A_198, %scan3A_199 : i32
    %scan3A_201 = arith.constant 1 : i32
    scf.for %scan3A_537 = %scan3A_198 to %scan3A_200 step %scan3A_201  : i32 {
      %mul3A_538 = arith.constant 2 : i32
      %mul3A_539 = arith.muli %mul3A_538, %scan3A_537 : i32
      %dma_wait3A_540 = arith.constant 0 : i32
      %dma_wait3A_541 = tpu.memref_slice %arg3[%dma_wait3A_540] : memref<10000xf32, #tpu.memory_space<hbm>> -> memref<10000xf32, #tpu.memory_space<hbm>>
      tpu.wait_indirect_dma semaphore(%arg34 : memref<!tpu.dma_semaphore, #tpu.memory_space<semaphore_mem>>) src(%dma_wait3A_541 : memref<10000xf32, #tpu.memory_space<hbm>>) dst(%arg16 : memref<80xf32, #tpu.memory_space<vmem>>)
      %dma_wait3A_542 = arith.constant 0 : i32
      %dma_wait3A_543 = tpu.memref_slice %arg3[%dma_wait3A_542] : memref<10000xf32, #tpu.memory_space<hbm>> -> memref<10000xf32, #tpu.memory_space<hbm>>
      tpu.wait_indirect_dma semaphore(%arg34 : memref<!tpu.dma_semaphore, #tpu.memory_space<semaphore_mem>>) src(%dma_wait3A_543 : memref<10000xf32, #tpu.memory_space<hbm>>) dst(%arg17 : memref<80xf32, #tpu.memory_space<vmem>>)
      %dma_wait3A_544 = arith.constant 0 : i32
      %dma_wait3A_545 = tpu.memref_slice %arg3[%dma_wait3A_544] : memref<10000xf32, #tpu.memory_space<hbm>> -> memref<10000xf32, #tpu.memory_space<hbm>>
      tpu.wait_indirect_dma semaphore(%arg34 : memref<!tpu.dma_semaphore, #tpu.memory_space<semaphore_mem>>) src(%dma_wait3A_545 : memref<10000xf32, #tpu.memory_space<hbm>>) dst(%arg18 : memref<80xf32, #tpu.memory_space<vmem>>)
      %dma_wait3A_546 = arith.constant 0 : i32
      %dma_wait3A_547 = tpu.memref_slice %arg3[%dma_wait3A_546] : memref<10000xf32, #tpu.memory_space<hbm>> -> memref<10000xf32, #tpu.memory_space<hbm>>
      tpu.wait_indirect_dma semaphore(%arg34 : memref<!tpu.dma_semaphore, #tpu.memory_space<semaphore_mem>>) src(%dma_wait3A_547 : memref<10000xf32, #tpu.memory_space<hbm>>) dst(%arg19 : memref<80xf32, #tpu.memory_space<vmem>>)
      %dma_wait3A_548 = arith.constant 0 : i32
      %dma_wait3A_549 = tpu.memref_slice %arg3[%dma_wait3A_548] : memref<10000xf32, #tpu.memory_space<hbm>> -> memref<10000xf32, #tpu.memory_space<hbm>>
      tpu.wait_indirect_dma semaphore(%arg34 : memref<!tpu.dma_semaphore, #tpu.memory_space<semaphore_mem>>) src(%dma_wait3A_549 : memref<10000xf32, #tpu.memory_space<hbm>>) dst(%arg20 : memref<80xf32, #tpu.memory_space<vmem>>)
      %dma_wait3A_550 = arith.constant 0 : i32
      %dma_wait3A_551 = tpu.memref_slice %arg3[%dma_wait3A_550] : memref<10000xf32, #tpu.memory_space<hbm>> -> memref<10000xf32, #tpu.memory_space<hbm>>
      tpu.wait_indirect_dma semaphore(%arg34 : memref<!tpu.dma_semaphore, #tpu.memory_space<semaphore_mem>>) src(%dma_wait3A_551 : memref<10000xf32, #tpu.memory_space<hbm>>) dst(%arg21 : memref<80xf32, #tpu.memory_space<vmem>>)
      %dma_wait3A_552 = arith.constant 0 : i32
      %dma_wait3A_553 = arith.constant 0 : i32
      %dma_wait3A_554 = tpu.memref_slice %arg2[%dma_wait3A_552, %dma_wait3A_553] : memref<10000x128xf32, #tpu.memory_space<hbm>> -> memref<10000x128xf32, #tpu.memory_space<hbm>>
      tpu.wait_indirect_dma semaphore(%arg34 : memref<!tpu.dma_semaphore, #tpu.memory_space<semaphore_mem>>) src(%dma_wait3A_554 : memref<10000x128xf32, #tpu.memory_space<hbm>>) dst(%arg29 : memref<80x128xf32, #tpu.memory_space<vmem>>)
      %scan3A_555 = arith.constant 0 : i32
      %scan3A_556 = arith.constant 0 : i32
      %scan3A_557 = arith.constant 5 : i32
      %scan3A_558 = arith.addi %scan3A_556, %scan3A_557 : i32
      %scan3A_559 = arith.constant 1 : i32
      scf.for %scan3A_680 = %scan3A_556 to %scan3A_558 step %scan3A_559  : i32 {
        %mul3A_681 = arith.constant 16 : i32
        %mul3A_682 = arith.muli %scan3A_680, %mul3A_681 : i32
        %get3A = arith.index_cast %mul3A_682 : i32 to index
        %get3A_683 = tpu.vector_load %arg12[%get3A] {strides = array<i32>} : memref<80xi32, #tpu.memory_space<vmem>>, vector<16xi32>,
        %get3A_684 = vector.shape_cast %get3A_683 : vector<16xi32> to vector<16xi32>
        %swap3A = arith.index_cast %mul3A_682 : i32 to index
        %swap3A_685 = tpu.vector_load %arg14[%swap3A] {strides = array<i32>} : memref<80xi32, #tpu.memory_space<vmem>>, vector<16xi32>,
        %swap3A_686 = vector.shape_cast %swap3A_685 : vector<16xi32> to vector<16xi32>
        %swap3A_687 = vector.shape_cast %get3A_684 : vector<16xi32> to vector<16xi32>
        tpu.vector_store %arg14[%swap3A], %swap3A_687 {strides = array<i32>} : memref<80xi32, #tpu.memory_space<vmem>>, vector<16xi32>,
      }
      %scan3A_560 = arith.constant 5 : i32
      %add3A_561 = arith.constant 2 : i32
      %add3A_562 = arith.addi %mul3A_539, %add3A_561 : i32
      %dma_start3A_563 = arith.constant 0 : i32
      %dma_start3A_564 = tpu.memref_slice %arg6[%arg1, %add3A_562, %dma_start3A_563] : memref<16x126x80xi32, #tpu.memory_space<hbm>> -> memref<1x1x80xi32, #tpu.memory_space<hbm>>
      %dma_start3A_565 = tpu.memref_squeeze %dma_start3A_564 : memref<1x1x80xi32, #tpu.memory_space<hbm>> -> memref<80xi32, #tpu.memory_space<hbm>>
      %dma_start3A_566 = arith.constant 0 : i32
      %dma_start3A_567 = tpu.memref_slice %arg6[%arg1, %add3A_562, %dma_start3A_566] : memref<16x126x80xi32, #tpu.memory_space<hbm>> -> memref<1x1x80xi32, #tpu.memory_space<hbm>>
      %dma_start3A_568 = tpu.memref_squeeze %dma_start3A_567 : memref<1x1x80xi32, #tpu.memory_space<hbm>> -> memref<80xi32, #tpu.memory_space<hbm>>
      tpu.enqueue_dma source(%dma_start3A_568 : memref<80xi32, #tpu.memory_space<hbm>>) target(%arg10 : memref<80xi32, #tpu.memory_space<vmem>>) target_semaphore(%arg32 : memref<!tpu.dma_semaphore, #tpu.memory_space<semaphore_mem>>)
      %dma_start3A_569 = arith.constant 0 : i32
      %dma_start3A_570 = tpu.memref_slice %arg7[%arg1, %add3A_562, %dma_start3A_569] : memref<16x126x80xi32, #tpu.memory_space<hbm>> -> memref<1x1x80xi32, #tpu.memory_space<hbm>>
      %dma_start3A_571 = tpu.memref_squeeze %dma_start3A_570 : memref<1x1x80xi32, #tpu.memory_space<hbm>> -> memref<80xi32, #tpu.memory_space<hbm>>
      %dma_start3A_572 = arith.constant 0 : i32
      %dma_start3A_573 = tpu.memref_slice %arg7[%arg1, %add3A_562, %dma_start3A_572] : memref<16x126x80xi32, #tpu.memory_space<hbm>> -> memref<1x1x80xi32, #tpu.memory_space<hbm>>
      %dma_start3A_574 = tpu.memref_squeeze %dma_start3A_573 : memref<1x1x80xi32, #tpu.memory_space<hbm>> -> memref<80xi32, #tpu.memory_space<hbm>>
      tpu.enqueue_dma source(%dma_start3A_574 : memref<80xi32, #tpu.memory_space<hbm>>) target(%arg12 : memref<80xi32, #tpu.memory_space<vmem>>) target_semaphore(%arg32 : memref<!tpu.dma_semaphore, #tpu.memory_space<semaphore_mem>>)
      %dma_wait3A_575 = arith.constant 0 : i32
      %dma_wait3A_576 = arith.constant 0 : i32
      %dma_wait3A_577 = tpu.memref_slice %arg6[%arg1, %dma_wait3A_575, %dma_wait3A_576] : memref<16x126x80xi32, #tpu.memory_space<hbm>> -> memref<1x1x80xi32, #tpu.memory_space<hbm>>
      %dma_wait3A_578 = tpu.memref_squeeze %dma_wait3A_577 : memref<1x1x80xi32, #tpu.memory_space<hbm>> -> memref<80xi32, #tpu.memory_space<hbm>>
      %dma_wait3A_579 = arith.constant 0 : i32
      %dma_wait3A_580 = tpu.memref_slice %arg6[%arg1, %dma_wait3A_575, %dma_wait3A_579] : memref<16x126x80xi32, #tpu.memory_space<hbm>> -> memref<1x1x80xi32, #tpu.memory_space<hbm>>
      %dma_wait3A_581 = tpu.memref_squeeze %dma_wait3A_580 : memref<1x1x80xi32, #tpu.memory_space<hbm>> -> memref<80xi32, #tpu.memory_space<hbm>>
      tpu.wait_dma2 semaphore(%arg33 : memref<!tpu.dma_semaphore, #tpu.memory_space<semaphore_mem>>) src(%dma_wait3A_581 : memref<80xi32, #tpu.memory_space<hbm>>) dst(%arg11 : memref<80xi32, #tpu.memory_space<vmem>>)
      %dma_wait3A_582 = arith.constant 0 : i32
      %dma_wait3A_583 = arith.constant 0 : i32
      %dma_wait3A_584 = tpu.memref_slice %arg7[%arg1, %dma_wait3A_582, %dma_wait3A_583] : memref<16x126x80xi32, #tpu.memory_space<hbm>> -> memref<1x1x80xi32, #tpu.memory_space<hbm>>
      %dma_wait3A_585 = tpu.memref_squeeze %dma_wait3A_584 : memref<1x1x80xi32, #tpu.memory_space<hbm>> -> memref<80xi32, #tpu.memory_space<hbm>>
      %dma_wait3A_586 = arith.constant 0 : i32
      %dma_wait3A_587 = tpu.memref_slice %arg7[%arg1, %dma_wait3A_582, %dma_wait3A_586] : memref<16x126x80xi32, #tpu.memory_space<hbm>> -> memref<1x1x80xi32, #tpu.memory_space<hbm>>
      %dma_wait3A_588 = tpu.memref_squeeze %dma_wait3A_587 : memref<1x1x80xi32, #tpu.memory_space<hbm>> -> memref<80xi32, #tpu.memory_space<hbm>>
      tpu.wait_dma2 semaphore(%arg33 : memref<!tpu.dma_semaphore, #tpu.memory_space<semaphore_mem>>) src(%dma_wait3A_588 : memref<80xi32, #tpu.memory_space<hbm>>) dst(%arg13 : memref<80xi32, #tpu.memory_space<vmem>>)
      %dma_wait3A_589 = arith.constant 0 : i32
      %dma_wait3A_590 = arith.constant 0 : i32
      %dma_wait3A_591 = tpu.memref_slice %arg31[%dma_wait3A_589, %dma_wait3A_590] : memref<10000x128xf32, #tpu.memory_space<vmem_shared>> -> memref<10000x128xf32, #tpu.memory_space<vmem_shared>>
      tpu.wait_indirect_dma semaphore(%arg37 : memref<!tpu.dma_semaphore, #tpu.memory_space<semaphore_mem>>) src(%arg30 : memref<80x128xf32, #tpu.memory_space<vmem>>) dst(%dma_wait3A_591 : memref<10000x128xf32, #tpu.memory_space<vmem_shared>>)
      %dma_start3A_592 = arith.constant 0 : i32
      %dma_start3A_593 = tpu.memref_slice %arg3[%dma_start3A_592] : memref<10000xf32, #tpu.memory_space<hbm>> -> memref<10000xf32, #tpu.memory_space<hbm>>
      tpu.enqueue_indirect_dma source(%dma_start3A_593 : memref<10000xf32, #tpu.memory_space<hbm>>) target(%arg22 : memref<80xf32, #tpu.memory_space<vmem>>) offsets(%arg11 : memref<80xi32, #tpu.memory_space<vmem>>) semaphore(%arg35 : memref<!tpu.dma_semaphore, #tpu.memory_space<semaphore_mem>>)
      %dma_start3A_594 = arith.constant 0 : i32
      %dma_start3A_595 = tpu.memref_slice %arg4[%dma_start3A_594] : memref<10000xf32, #tpu.memory_space<hbm>> -> memref<10000xf32, #tpu.memory_space<hbm>>
      tpu.enqueue_indirect_dma source(%dma_start3A_595 : memref<10000xf32, #tpu.memory_space<hbm>>) target(%arg23 : memref<80xf32, #tpu.memory_space<vmem>>) offsets(%arg11 : memref<80xi32, #tpu.memory_space<vmem>>) semaphore(%arg35 : memref<!tpu.dma_semaphore, #tpu.memory_space<semaphore_mem>>)
      %dma_start3A_596 = arith.constant 0 : i32
      %dma_start3A_597 = tpu.memref_slice %arg5[%dma_start3A_596] : memref<10000xf32, #tpu.memory_space<hbm>> -> memref<10000xf32, #tpu.memory_space<hbm>>
      tpu.enqueue_indirect_dma source(%dma_start3A_597 : memref<10000xf32, #tpu.memory_space<hbm>>) target(%arg24 : memref<80xf32, #tpu.memory_space<vmem>>) offsets(%arg11 : memref<80xi32, #tpu.memory_space<vmem>>) semaphore(%arg35 : memref<!tpu.dma_semaphore, #tpu.memory_space<semaphore_mem>>)
      %dma_start3A_598 = arith.constant 0 : i32
      %dma_start3A_599 = tpu.memref_slice %arg3[%dma_start3A_598] : memref<10000xf32, #tpu.memory_space<hbm>> -> memref<10000xf32, #tpu.memory_space<hbm>>
      tpu.enqueue_indirect_dma source(%dma_start3A_599 : memref<10000xf32, #tpu.memory_space<hbm>>) target(%arg25 : memref<80xf32, #tpu.memory_space<vmem>>) offsets(%arg13 : memref<80xi32, #tpu.memory_space<vmem>>) semaphore(%arg35 : memref<!tpu.dma_semaphore, #tpu.memory_space<semaphore_mem>>)
      %dma_start3A_600 = arith.constant 0 : i32
      %dma_start3A_601 = tpu.memref_slice %arg4[%dma_start3A_600] : memref<10000xf32, #tpu.memory_space<hbm>> -> memref<10000xf32, #tpu.memory_space<hbm>>
      tpu.enqueue_indirect_dma source(%dma_start3A_601 : memref<10000xf32, #tpu.memory_space<hbm>>) target(%arg26 : memref<80xf32, #tpu.memory_space<vmem>>) offsets(%arg13 : memref<80xi32, #tpu.memory_space<vmem>>) semaphore(%arg35 : memref<!tpu.dma_semaphore, #tpu.memory_space<semaphore_mem>>)
      %dma_start3A_602 = arith.constant 0 : i32
      %dma_start3A_603 = tpu.memref_slice %arg5[%dma_start3A_602] : memref<10000xf32, #tpu.memory_space<hbm>> -> memref<10000xf32, #tpu.memory_space<hbm>>
      tpu.enqueue_indirect_dma source(%dma_start3A_603 : memref<10000xf32, #tpu.memory_space<hbm>>) target(%arg27 : memref<80xf32, #tpu.memory_space<vmem>>) offsets(%arg13 : memref<80xi32, #tpu.memory_space<vmem>>) semaphore(%arg35 : memref<!tpu.dma_semaphore, #tpu.memory_space<semaphore_mem>>)
      %dma_start3A_604 = arith.constant 0 : i32
      %dma_start3A_605 = arith.constant 0 : i32
      %dma_start3A_606 = tpu.memref_slice %arg2[%dma_start3A_604, %dma_start3A_605] : memref<10000x128xf32, #tpu.memory_space<hbm>> -> memref<10000x128xf32, #tpu.memory_space<hbm>>
      tpu.enqueue_indirect_dma source(%dma_start3A_606 : memref<10000x128xf32, #tpu.memory_space<hbm>>) target(%arg30 : memref<80x128xf32, #tpu.memory_space<vmem>>) offsets(%arg11 : memref<80xi32, #tpu.memory_space<vmem>>) semaphore(%arg35 : memref<!tpu.dma_semaphore, #tpu.memory_space<semaphore_mem>>)
      %dma_start3A_607 = arith.constant 0 : i32
      %dma_start3A_608 = arith.constant 0 : i32
      %dma_start3A_609 = tpu.memref_slice %arg31[%dma_start3A_607, %dma_start3A_608] : memref<10000x128xf32, #tpu.memory_space<vmem_shared>> -> memref<10000x128xf32, #tpu.memory_space<vmem_shared>>
      tpu.enqueue_indirect_dma source(%arg29 : memref<80x128xf32, #tpu.memory_space<vmem>>) target(%dma_start3A_609 : memref<10000x128xf32, #tpu.memory_space<vmem_shared>>) offsets(%arg14 : memref<80xi32, #tpu.memory_space<vmem>>) semaphore(%arg36 : memref<!tpu.dma_semaphore, #tpu.memory_space<semaphore_mem>>) {add = true}
      %dma_wait3A_610 = arith.constant 0 : i32
      %dma_wait3A_611 = tpu.memref_slice %arg3[%dma_wait3A_610] : memref<10000xf32, #tpu.memory_space<hbm>> -> memref<10000xf32, #tpu.memory_space<hbm>>
      tpu.wait_indirect_dma semaphore(%arg35 : memref<!tpu.dma_semaphore, #tpu.memory_space<semaphore_mem>>) src(%dma_wait3A_611 : memref<10000xf32, #tpu.memory_space<hbm>>) dst(%arg22 : memref<80xf32, #tpu.memory_space<vmem>>)
      %dma_wait3A_612 = arith.constant 0 : i32
      %dma_wait3A_613 = tpu.memref_slice %arg3[%dma_wait3A_612] : memref<10000xf32, #tpu.memory_space<hbm>> -> memref<10000xf32, #tpu.memory_space<hbm>>
      tpu.wait_indirect_dma semaphore(%arg35 : memref<!tpu.dma_semaphore, #tpu.memory_space<semaphore_mem>>) src(%dma_wait3A_613 : memref<10000xf32, #tpu.memory_space<hbm>>) dst(%arg23 : memref<80xf32, #tpu.memory_space<vmem>>)
      %dma_wait3A_614 = arith.constant 0 : i32
      %dma_wait3A_615 = tpu.memref_slice %arg3[%dma_wait3A_614] : memref<10000xf32, #tpu.memory_space<hbm>> -> memref<10000xf32, #tpu.memory_space<hbm>>
      tpu.wait_indirect_dma semaphore(%arg35 : memref<!tpu.dma_semaphore, #tpu.memory_space<semaphore_mem>>) src(%dma_wait3A_615 : memref<10000xf32, #tpu.memory_space<hbm>>) dst(%arg24 : memref<80xf32, #tpu.memory_space<vmem>>)
      %dma_wait3A_616 = arith.constant 0 : i32
      %dma_wait3A_617 = tpu.memref_slice %arg3[%dma_wait3A_616] : memref<10000xf32, #tpu.memory_space<hbm>> -> memref<10000xf32, #tpu.memory_space<hbm>>
      tpu.wait_indirect_dma semaphore(%arg35 : memref<!tpu.dma_semaphore, #tpu.memory_space<semaphore_mem>>) src(%dma_wait3A_617 : memref<10000xf32, #tpu.memory_space<hbm>>) dst(%arg25 : memref<80xf32, #tpu.memory_space<vmem>>)
      %dma_wait3A_618 = arith.constant 0 : i32
      %dma_wait3A_619 = tpu.memref_slice %arg3[%dma_wait3A_618] : memref<10000xf32, #tpu.memory_space<hbm>> -> memref<10000xf32, #tpu.memory_space<hbm>>
      tpu.wait_indirect_dma semaphore(%arg35 : memref<!tpu.dma_semaphore, #tpu.memory_space<semaphore_mem>>) src(%dma_wait3A_619 : memref<10000xf32, #tpu.memory_space<hbm>>) dst(%arg26 : memref<80xf32, #tpu.memory_space<vmem>>)
      %dma_wait3A_620 = arith.constant 0 : i32
      %dma_wait3A_621 = tpu.memref_slice %arg3[%dma_wait3A_620] : memref<10000xf32, #tpu.memory_space<hbm>> -> memref<10000xf32, #tpu.memory_space<hbm>>
      tpu.wait_indirect_dma semaphore(%arg35 : memref<!tpu.dma_semaphore, #tpu.memory_space<semaphore_mem>>) src(%dma_wait3A_621 : memref<10000xf32, #tpu.memory_space<hbm>>) dst(%arg27 : memref<80xf32, #tpu.memory_space<vmem>>)
      %dma_wait3A_622 = arith.constant 0 : i32
      %dma_wait3A_623 = arith.constant 0 : i32
      %dma_wait3A_624 = tpu.memref_slice %arg2[%dma_wait3A_622, %dma_wait3A_623] : memref<10000x128xf32, #tpu.memory_space<hbm>> -> memref<10000x128xf32, #tpu.memory_space<hbm>>
      tpu.wait_indirect_dma semaphore(%arg35 : memref<!tpu.dma_semaphore, #tpu.memory_space<semaphore_mem>>) src(%dma_wait3A_624 : memref<10000x128xf32, #tpu.memory_space<hbm>>) dst(%arg30 : memref<80x128xf32, #tpu.memory_space<vmem>>)
      %scan3A_625 = arith.constant 0 : i32
      %scan3A_626 = arith.constant 0 : i32
      %scan3A_627 = arith.constant 5 : i32
      %scan3A_628 = arith.addi %scan3A_626, %scan3A_627 : i32
      %scan3A_629 = arith.constant 1 : i32
      scf.for %scan3A_680 = %scan3A_626 to %scan3A_628 step %scan3A_629  : i32 {
        %mul3A_681 = arith.constant 16 : i32
        %mul3A_682 = arith.muli %scan3A_680, %mul3A_681 : i32
        %get3A = arith.index_cast %mul3A_682 : i32 to index
        %get3A_683 = tpu.vector_load %arg13[%get3A] {strides = array<i32>} : memref<80xi32, #tpu.memory_space<vmem>>, vector<16xi32>,
        %get3A_684 = vector.shape_cast %get3A_683 : vector<16xi32> to vector<16xi32>
        %swap3A = arith.index_cast %mul3A_682 : i32 to index
        %swap3A_685 = tpu.vector_load %arg15[%swap3A] {strides = array<i32>} : memref<80xi32, #tpu.memory_space<vmem>>, vector<16xi32>,
        %swap3A_686 = vector.shape_cast %swap3A_685 : vector<16xi32> to vector<16xi32>
        %swap3A_687 = vector.shape_cast %get3A_684 : vector<16xi32> to vector<16xi32>
        tpu.vector_store %arg15[%swap3A], %swap3A_687 {strides = array<i32>} : memref<80xi32, #tpu.memory_space<vmem>>, vector<16xi32>,
      }
      %scan3A_630 = arith.constant 5 : i32
      %add3A_631 = arith.constant 3 : i32
      %add3A_632 = arith.addi %mul3A_539, %add3A_631 : i32
      %dma_start3A_633 = arith.constant 0 : i32
      %dma_start3A_634 = tpu.memref_slice %arg6[%arg1, %add3A_632, %dma_start3A_633] : memref<16x126x80xi32, #tpu.memory_space<hbm>> -> memref<1x1x80xi32, #tpu.memory_space<hbm>>
      %dma_start3A_635 = tpu.memref_squeeze %dma_start3A_634 : memref<1x1x80xi32, #tpu.memory_space<hbm>> -> memref<80xi32, #tpu.memory_space<hbm>>
      %dma_start3A_636 = arith.constant 0 : i32
      %dma_start3A_637 = tpu.memref_slice %arg6[%arg1, %add3A_632, %dma_start3A_636] : memref<16x126x80xi32, #tpu.memory_space<hbm>> -> memref<1x1x80xi32, #tpu.memory_space<hbm>>
      %dma_start3A_638 = tpu.memref_squeeze %dma_start3A_637 : memref<1x1x80xi32, #tpu.memory_space<hbm>> -> memref<80xi32, #tpu.memory_space<hbm>>
      tpu.enqueue_dma source(%dma_start3A_638 : memref<80xi32, #tpu.memory_space<hbm>>) target(%arg11 : memref<80xi32, #tpu.memory_space<vmem>>) target_semaphore(%arg33 : memref<!tpu.dma_semaphore, #tpu.memory_space<semaphore_mem>>)
      %dma_start3A_639 = arith.constant 0 : i32
      %dma_start3A_640 = tpu.memref_slice %arg7[%arg1, %add3A_632, %dma_start3A_639] : memref<16x126x80xi32, #tpu.memory_space<hbm>> -> memref<1x1x80xi32, #tpu.memory_space<hbm>>
      %dma_start3A_641 = tpu.memref_squeeze %dma_start3A_640 : memref<1x1x80xi32, #tpu.memory_space<hbm>> -> memref<80xi32, #tpu.memory_space<hbm>>
      %dma_start3A_642 = arith.constant 0 : i32
      %dma_start3A_643 = tpu.memref_slice %arg7[%arg1, %add3A_632, %dma_start3A_642] : memref<16x126x80xi32, #tpu.memory_space<hbm>> -> memref<1x1x80xi32, #tpu.memory_space<hbm>>
      %dma_start3A_644 = tpu.memref_squeeze %dma_start3A_643 : memref<1x1x80xi32, #tpu.memory_space<hbm>> -> memref<80xi32, #tpu.memory_space<hbm>>
      tpu.enqueue_dma source(%dma_start3A_644 : memref<80xi32, #tpu.memory_space<hbm>>) target(%arg13 : memref<80xi32, #tpu.memory_space<vmem>>) target_semaphore(%arg33 : memref<!tpu.dma_semaphore, #tpu.memory_space<semaphore_mem>>)
      %dma_wait3A_645 = arith.constant 0 : i32
      %dma_wait3A_646 = arith.constant 0 : i32
      %dma_wait3A_647 = tpu.memref_slice %arg6[%arg1, %dma_wait3A_645, %dma_wait3A_646] : memref<16x126x80xi32, #tpu.memory_space<hbm>> -> memref<1x1x80xi32, #tpu.memory_space<hbm>>
      %dma_wait3A_648 = tpu.memref_squeeze %dma_wait3A_647 : memref<1x1x80xi32, #tpu.memory_space<hbm>> -> memref<80xi32, #tpu.memory_space<hbm>>
      %dma_wait3A_649 = arith.constant 0 : i32
      %dma_wait3A_650 = tpu.memref_slice %arg6[%arg1, %dma_wait3A_645, %dma_wait3A_649] : memref<16x126x80xi32, #tpu.memory_space<hbm>> -> memref<1x1x80xi32, #tpu.memory_space<hbm>>
      %dma_wait3A_651 = tpu.memref_squeeze %dma_wait3A_650 : memref<1x1x80xi32, #tpu.memory_space<hbm>> -> memref<80xi32, #tpu.memory_space<hbm>>
      tpu.wait_dma2 semaphore(%arg32 : memref<!tpu.dma_semaphore, #tpu.memory_space<semaphore_mem>>) src(%dma_wait3A_651 : memref<80xi32, #tpu.memory_space<hbm>>) dst(%arg10 : memref<80xi32, #tpu.memory_space<vmem>>)
      %dma_wait3A_652 = arith.constant 0 : i32
      %dma_wait3A_653 = arith.constant 0 : i32
      %dma_wait3A_654 = tpu.memref_slice %arg7[%arg1, %dma_wait3A_652, %dma_wait3A_653] : memref<16x126x80xi32, #tpu.memory_space<hbm>> -> memref<1x1x80xi32, #tpu.memory_space<hbm>>
      %dma_wait3A_655 = tpu.memref_squeeze %dma_wait3A_654 : memref<1x1x80xi32, #tpu.memory_space<hbm>> -> memref<80xi32, #tpu.memory_space<hbm>>
      %dma_wait3A_656 = arith.constant 0 : i32
      %dma_wait3A_657 = tpu.memref_slice %arg7[%arg1, %dma_wait3A_652, %dma_wait3A_656] : memref<16x126x80xi32, #tpu.memory_space<hbm>> -> memref<1x1x80xi32, #tpu.memory_space<hbm>>
      %dma_wait3A_658 = tpu.memref_squeeze %dma_wait3A_657 : memref<1x1x80xi32, #tpu.memory_space<hbm>> -> memref<80xi32, #tpu.memory_space<hbm>>
      tpu.wait_dma2 semaphore(%arg32 : memref<!tpu.dma_semaphore, #tpu.memory_space<semaphore_mem>>) src(%dma_wait3A_658 : memref<80xi32, #tpu.memory_space<hbm>>) dst(%arg12 : memref<80xi32, #tpu.memory_space<vmem>>)
      %dma_wait3A_659 = arith.constant 0 : i32
      %dma_wait3A_660 = arith.constant 0 : i32
      %dma_wait3A_661 = tpu.memref_slice %arg31[%dma_wait3A_659, %dma_wait3A_660] : memref<10000x128xf32, #tpu.memory_space<vmem_shared>> -> memref<10000x128xf32, #tpu.memory_space<vmem_shared>>
      tpu.wait_indirect_dma semaphore(%arg36 : memref<!tpu.dma_semaphore, #tpu.memory_space<semaphore_mem>>) src(%arg29 : memref<80x128xf32, #tpu.memory_space<vmem>>) dst(%dma_wait3A_661 : memref<10000x128xf32, #tpu.memory_space<vmem_shared>>)
      %dma_start3A_662 = arith.constant 0 : i32
      %dma_start3A_663 = tpu.memref_slice %arg3[%dma_start3A_662] : memref<10000xf32, #tpu.memory_space<hbm>> -> memref<10000xf32, #tpu.memory_space<hbm>>
      tpu.enqueue_indirect_dma source(%dma_start3A_663 : memref<10000xf32, #tpu.memory_space<hbm>>) target(%arg16 : memref<80xf32, #tpu.memory_space<vmem>>) offsets(%arg10 : memref<80xi32, #tpu.memory_space<vmem>>) semaphore(%arg34 : memref<!tpu.dma_semaphore, #tpu.memory_space<semaphore_mem>>)
      %dma_start3A_664 = arith.constant 0 : i32
      %dma_start3A_665 = tpu.memref_slice %arg4[%dma_start3A_664] : memref<10000xf32, #tpu.memory_space<hbm>> -> memref<10000xf32, #tpu.memory_space<hbm>>
      tpu.enqueue_indirect_dma source(%dma_start3A_665 : memref<10000xf32, #tpu.memory_space<hbm>>) target(%arg17 : memref<80xf32, #tpu.memory_space<vmem>>) offsets(%arg10 : memref<80xi32, #tpu.memory_space<vmem>>) semaphore(%arg34 : memref<!tpu.dma_semaphore, #tpu.memory_space<semaphore_mem>>)
      %dma_start3A_666 = arith.constant 0 : i32
      %dma_start3A_667 = tpu.memref_slice %arg5[%dma_start3A_666] : memref<10000xf32, #tpu.memory_space<hbm>> -> memref<10000xf32, #tpu.memory_space<hbm>>
      tpu.enqueue_indirect_dma source(%dma_start3A_667 : memref<10000xf32, #tpu.memory_space<hbm>>) target(%arg18 : memref<80xf32, #tpu.memory_space<vmem>>) offsets(%arg10 : memref<80xi32, #tpu.memory_space<vmem>>) semaphore(%arg34 : memref<!tpu.dma_semaphore, #tpu.memory_space<semaphore_mem>>)
      %dma_start3A_668 = arith.constant 0 : i32
      %dma_start3A_669 = tpu.memref_slice %arg3[%dma_start3A_668] : memref<10000xf32, #tpu.memory_space<hbm>> -> memref<10000xf32, #tpu.memory_space<hbm>>
      tpu.enqueue_indirect_dma source(%dma_start3A_669 : memref<10000xf32, #tpu.memory_space<hbm>>) target(%arg19 : memref<80xf32, #tpu.memory_space<vmem>>) offsets(%arg12 : memref<80xi32, #tpu.memory_space<vmem>>) semaphore(%arg34 : memref<!tpu.dma_semaphore, #tpu.memory_space<semaphore_mem>>)
      %dma_start3A_670 = arith.constant 0 : i32
      %dma_start3A_671 = tpu.memref_slice %arg4[%dma_start3A_670] : memref<10000xf32, #tpu.memory_space<hbm>> -> memref<10000xf32, #tpu.memory_space<hbm>>
      tpu.enqueue_indirect_dma source(%dma_start3A_671 : memref<10000xf32, #tpu.memory_space<hbm>>) target(%arg20 : memref<80xf32, #tpu.memory_space<vmem>>) offsets(%arg12 : memref<80xi32, #tpu.memory_space<vmem>>) semaphore(%arg34 : memref<!tpu.dma_semaphore, #tpu.memory_space<semaphore_mem>>)
      %dma_start3A_672 = arith.constant 0 : i32
      %dma_start3A_673 = tpu.memref_slice %arg5[%dma_start3A_672] : memref<10000xf32, #tpu.memory_space<hbm>> -> memref<10000xf32, #tpu.memory_space<hbm>>
      tpu.enqueue_indirect_dma source(%dma_start3A_673 : memref<10000xf32, #tpu.memory_space<hbm>>) target(%arg21 : memref<80xf32, #tpu.memory_space<vmem>>) offsets(%arg12 : memref<80xi32, #tpu.memory_space<vmem>>) semaphore(%arg34 : memref<!tpu.dma_semaphore, #tpu.memory_space<semaphore_mem>>)
      %dma_start3A_674 = arith.constant 0 : i32
      %dma_start3A_675 = arith.constant 0 : i32
      %dma_start3A_676 = tpu.memref_slice %arg2[%dma_start3A_674, %dma_start3A_675] : memref<10000x128xf32, #tpu.memory_space<hbm>> -> memref<10000x128xf32, #tpu.memory_space<hbm>>
      tpu.enqueue_indirect_dma source(%dma_start3A_676 : memref<10000x128xf32, #tpu.memory_space<hbm>>) target(%arg29 : memref<80x128xf32, #tpu.memory_space<vmem>>) offsets(%arg10 : memref<80xi32, #tpu.memory_space<vmem>>) semaphore(%arg34 : memref<!tpu.dma_semaphore, #tpu.memory_space<semaphore_mem>>)
      %dma_start3A_677 = arith.constant 0 : i32
      %dma_start3A_678 = arith.constant 0 : i32
      %dma_start3A_679 = tpu.memref_slice %arg31[%dma_start3A_677, %dma_start3A_678] : memref<10000x128xf32, #tpu.memory_space<vmem_shared>> -> memref<10000x128xf32, #tpu.memory_space<vmem_shared>>
      tpu.enqueue_indirect_dma source(%arg30 : memref<80x128xf32, #tpu.memory_space<vmem>>) target(%dma_start3A_679 : memref<10000x128xf32, #tpu.memory_space<vmem_shared>>) offsets(%arg15 : memref<80xi32, #tpu.memory_space<vmem>>) semaphore(%arg37 : memref<!tpu.dma_semaphore, #tpu.memory_space<semaphore_mem>>) {add = true}
    }
    %scan3A_202 = arith.constant 61 : i32
    %dma_wait3A_203 = arith.constant 0 : i32
    %dma_wait3A_204 = tpu.memref_slice %arg3[%dma_wait3A_203] : memref<10000xf32, #tpu.memory_space<hbm>> -> memref<10000xf32, #tpu.memory_space<hbm>>
    tpu.wait_indirect_dma semaphore(%arg34 : memref<!tpu.dma_semaphore, #tpu.memory_space<semaphore_mem>>) src(%dma_wait3A_204 : memref<10000xf32, #tpu.memory_space<hbm>>) dst(%arg16 : memref<80xf32, #tpu.memory_space<vmem>>)
    %dma_wait3A_205 = arith.constant 0 : i32
    %dma_wait3A_206 = tpu.memref_slice %arg3[%dma_wait3A_205] : memref<10000xf32, #tpu.memory_space<hbm>> -> memref<10000xf32, #tpu.memory_space<hbm>>
    tpu.wait_indirect_dma semaphore(%arg34 : memref<!tpu.dma_semaphore, #tpu.memory_space<semaphore_mem>>) src(%dma_wait3A_206 : memref<10000xf32, #tpu.memory_space<hbm>>) dst(%arg17 : memref<80xf32, #tpu.memory_space<vmem>>)
    %dma_wait3A_207 = arith.constant 0 : i32
    %dma_wait3A_208 = tpu.memref_slice %arg3[%dma_wait3A_207] : memref<10000xf32, #tpu.memory_space<hbm>> -> memref<10000xf32, #tpu.memory_space<hbm>>
    tpu.wait_indirect_dma semaphore(%arg34 : memref<!tpu.dma_semaphore, #tpu.memory_space<semaphore_mem>>) src(%dma_wait3A_208 : memref<10000xf32, #tpu.memory_space<hbm>>) dst(%arg18 : memref<80xf32, #tpu.memory_space<vmem>>)
    %dma_wait3A_209 = arith.constant 0 : i32
    %dma_wait3A_210 = tpu.memref_slice %arg3[%dma_wait3A_209] : memref<10000xf32, #tpu.memory_space<hbm>> -> memref<10000xf32, #tpu.memory_space<hbm>>
    tpu.wait_indirect_dma semaphore(%arg34 : memref<!tpu.dma_semaphore, #tpu.memory_space<semaphore_mem>>) src(%dma_wait3A_210 : memref<10000xf32, #tpu.memory_space<hbm>>) dst(%arg19 : memref<80xf32, #tpu.memory_space<vmem>>)
    %dma_wait3A_211 = arith.constant 0 : i32
    %dma_wait3A_212 = tpu.memref_slice %arg3[%dma_wait3A_211] : memref<10000xf32, #tpu.memory_space<hbm>> -> memref<10000xf32, #tpu.memory_space<hbm>>
    tpu.wait_indirect_dma semaphore(%arg34 : memref<!tpu.dma_semaphore, #tpu.memory_space<semaphore_mem>>) src(%dma_wait3A_212 : memref<10000xf32, #tpu.memory_space<hbm>>) dst(%arg20 : memref<80xf32, #tpu.memory_space<vmem>>)
    %dma_wait3A_213 = arith.constant 0 : i32
    %dma_wait3A_214 = tpu.memref_slice %arg3[%dma_wait3A_213] : memref<10000xf32, #tpu.memory_space<hbm>> -> memref<10000xf32, #tpu.memory_space<hbm>>
    tpu.wait_indirect_dma semaphore(%arg34 : memref<!tpu.dma_semaphore, #tpu.memory_space<semaphore_mem>>) src(%dma_wait3A_214 : memref<10000xf32, #tpu.memory_space<hbm>>) dst(%arg21 : memref<80xf32, #tpu.memory_space<vmem>>)
    %dma_wait3A_215 = arith.constant 0 : i32
    %dma_wait3A_216 = arith.constant 0 : i32
    %dma_wait3A_217 = tpu.memref_slice %arg2[%dma_wait3A_215, %dma_wait3A_216] : memref<10000x128xf32, #tpu.memory_space<hbm>> -> memref<10000x128xf32, #tpu.memory_space<hbm>>
    tpu.wait_indirect_dma semaphore(%arg34 : memref<!tpu.dma_semaphore, #tpu.memory_space<semaphore_mem>>) src(%dma_wait3A_217 : memref<10000x128xf32, #tpu.memory_space<hbm>>) dst(%arg29 : memref<80x128xf32, #tpu.memory_space<vmem>>)
    %scan3A_218 = arith.constant 0 : i32
    %scan3A_219 = arith.constant 0 : i32
    %scan3A_220 = arith.constant 5 : i32
    %scan3A_221 = arith.addi %scan3A_219, %scan3A_220 : i32
    %scan3A_222 = arith.constant 1 : i32
    scf.for %scan3A_537 = %scan3A_219 to %scan3A_221 step %scan3A_222  : i32 {
      %mul3A_538 = arith.constant 16 : i32
      %mul3A_539 = arith.muli %scan3A_537, %mul3A_538 : i32
      %get3A = arith.index_cast %mul3A_539 : i32 to index
      %get3A_540 = tpu.vector_load %arg12[%get3A] {strides = array<i32>} : memref<80xi32, #tpu.memory_space<vmem>>, vector<16xi32>,
      %get3A_541 = vector.shape_cast %get3A_540 : vector<16xi32> to vector<16xi32>
      %swap3A = arith.index_cast %mul3A_539 : i32 to index
      %swap3A_542 = tpu.vector_load %arg14[%swap3A] {strides = array<i32>} : memref<80xi32, #tpu.memory_space<vmem>>, vector<16xi32>,
      %swap3A_543 = vector.shape_cast %swap3A_542 : vector<16xi32> to vector<16xi32>
      %swap3A_544 = vector.shape_cast %get3A_541 : vector<16xi32> to vector<16xi32>
      tpu.vector_store %arg14[%swap3A], %swap3A_544 {strides = array<i32>} : memref<80xi32, #tpu.memory_space<vmem>>, vector<16xi32>,
    }
    %scan3A_223 = arith.constant 5 : i32
    %dma_start3A_224 = arith.constant 0 : i32
    %dma_start3A_225 = arith.constant 0 : i32
    %dma_start3A_226 = tpu.memref_slice %arg31[%dma_start3A_224, %dma_start3A_225] : memref<10000x128xf32, #tpu.memory_space<vmem_shared>> -> memref<10000x128xf32, #tpu.memory_space<vmem_shared>>
    tpu.enqueue_indirect_dma source(%arg29 : memref<80x128xf32, #tpu.memory_space<vmem>>) target(%dma_start3A_226 : memref<10000x128xf32, #tpu.memory_space<vmem_shared>>) offsets(%arg14 : memref<80xi32, #tpu.memory_space<vmem>>) semaphore(%arg36 : memref<!tpu.dma_semaphore, #tpu.memory_space<semaphore_mem>>) {add = true}
    %dma_wait3A_227 = arith.constant 0 : i32
    %dma_wait3A_228 = arith.constant 0 : i32
    %dma_wait3A_229 = tpu.memref_slice %arg31[%dma_wait3A_227, %dma_wait3A_228] : memref<10000x128xf32, #tpu.memory_space<vmem_shared>> -> memref<10000x128xf32, #tpu.memory_space<vmem_shared>>
    tpu.wait_indirect_dma semaphore(%arg37 : memref<!tpu.dma_semaphore, #tpu.memory_space<semaphore_mem>>) src(%arg30 : memref<80x128xf32, #tpu.memory_space<vmem>>) dst(%dma_wait3A_229 : memref<10000x128xf32, #tpu.memory_space<vmem_shared>>)
    %dma_wait3A_230 = arith.constant 0 : i32
    %dma_wait3A_231 = arith.constant 0 : i32
    %dma_wait3A_232 = tpu.memref_slice %arg31[%dma_wait3A_230, %dma_wait3A_231] : memref<10000x128xf32, #tpu.memory_space<vmem_shared>> -> memref<10000x128xf32, #tpu.memory_space<vmem_shared>>
    tpu.wait_indirect_dma semaphore(%arg36 : memref<!tpu.dma_semaphore, #tpu.memory_space<semaphore_mem>>) src(%arg29 : memref<80x128xf32, #tpu.memory_space<vmem>>) dst(%dma_wait3A_232 : memref<10000x128xf32, #tpu.memory_space<vmem_shared>>)
    %dma_wait3A_233 = arith.constant 0 : i32
    %dma_wait3A_234 = arith.constant 0 : i32
    %dma_wait3A_235 = tpu.memref_slice %arg6[%arg1, %dma_wait3A_233, %dma_wait3A_234] : memref<16x126x80xi32, #tpu.memory_space<hbm>> -> memref<1x1x80xi32, #tpu.memory_space<hbm>>
    %dma_wait3A_236 = tpu.memref_squeeze %dma_wait3A_235 : memref<1x1x80xi32, #tpu.memory_space<hbm>> -> memref<80xi32, #tpu.memory_space<hbm>>
    %dma_wait3A_237 = arith.constant 0 : i32
    %dma_wait3A_238 = tpu.memref_slice %arg6[%arg1, %dma_wait3A_233, %dma_wait3A_237] : memref<16x126x80xi32, #tpu.memory_space<hbm>> -> memref<1x1x80xi32, #tpu.memory_space<hbm>>
    %dma_wait3A_239 = tpu.memref_squeeze %dma_wait3A_238 : memref<1x1x80xi32, #tpu.memory_space<hbm>> -> memref<80xi32, #tpu.memory_space<hbm>>
    tpu.wait_dma2 semaphore(%arg33 : memref<!tpu.dma_semaphore, #tpu.memory_space<semaphore_mem>>) src(%dma_wait3A_239 : memref<80xi32, #tpu.memory_space<hbm>>) dst(%arg11 : memref<80xi32, #tpu.memory_space<vmem>>)
    %dma_wait3A_240 = arith.constant 0 : i32
    %dma_wait3A_241 = arith.constant 0 : i32
    %dma_wait3A_242 = tpu.memref_slice %arg7[%arg1, %dma_wait3A_240, %dma_wait3A_241] : memref<16x126x80xi32, #tpu.memory_space<hbm>> -> memref<1x1x80xi32, #tpu.memory_space<hbm>>
    %dma_wait3A_243 = tpu.memref_squeeze %dma_wait3A_242 : memref<1x1x80xi32, #tpu.memory_space<hbm>> -> memref<80xi32, #tpu.memory_space<hbm>>
    %dma_wait3A_244 = arith.constant 0 : i32
    %dma_wait3A_245 = tpu.memref_slice %arg7[%arg1, %dma_wait3A_240, %dma_wait3A_244] : memref<16x126x80xi32, #tpu.memory_space<hbm>> -> memref<1x1x80xi32, #tpu.memory_space<hbm>>
    %dma_wait3A_246 = tpu.memref_squeeze %dma_wait3A_245 : memref<1x1x80xi32, #tpu.memory_space<hbm>> -> memref<80xi32, #tpu.memory_space<hbm>>
    tpu.wait_dma2 semaphore(%arg33 : memref<!tpu.dma_semaphore, #tpu.memory_space<semaphore_mem>>) src(%dma_wait3A_246 : memref<80xi32, #tpu.memory_space<hbm>>) dst(%arg13 : memref<80xi32, #tpu.memory_space<vmem>>)
    %barrier3A_247 = arith.constant 0 : index
    tpu.barrier barrier_id(%barrier3A_247)
    %add3A_248 = arith.constant 0 : i32
    %add3A_249 = arith.addi %mul3A_0, %add3A_248 : i32
    "tpu.region"() ({
      %run_scoped3A = tpu.sem_alloc : memref<!tpu.dma_semaphore, #tpu.memory_space<semaphore_mem>>
      %dma_start3A_537 = arith.constant 0 : i32
      %dma_start3A_538 = tpu.memref_slice %arg9[%add3A_3, %add3A_249, %dma_start3A_537] : memref<4x10000x128xf32, #tpu.memory_space<hbm>> -> memref<1x104x128xf32, #tpu.memory_space<hbm>>
      %dma_start3A_539 = tpu.memref_squeeze %dma_start3A_538 : memref<1x104x128xf32, #tpu.memory_space<hbm>> -> memref<104x128xf32, #tpu.memory_space<hbm>>
      %dma_start3A_540 = arith.constant 0 : i32
      %dma_start3A_541 = tpu.memref_slice %arg31[%add3A_249, %dma_start3A_540] : memref<10000x128xf32, #tpu.memory_space<vmem_shared>> -> memref<104x128xf32, #tpu.memory_space<vmem_shared>>
      tpu.enqueue_dma source(%dma_start3A_541 : memref<104x128xf32, #tpu.memory_space<vmem_shared>>) target(%dma_start3A_539 : memref<104x128xf32, #tpu.memory_space<hbm>>) target_semaphore(%run_scoped3A : memref<!tpu.dma_semaphore, #tpu.memory_space<semaphore_mem>>)
      %dma_wait3A_542 = arith.constant 0 : i32
      %dma_wait3A_543 = tpu.memref_slice %arg9[%add3A_3, %add3A_249, %dma_wait3A_542] : memref<4x10000x128xf32, #tpu.memory_space<hbm>> -> memref<1x104x128xf32, #tpu.memory_space<hbm>>
      %dma_wait3A_544 = tpu.memref_squeeze %dma_wait3A_543 : memref<1x104x128xf32, #tpu.memory_space<hbm>> -> memref<104x128xf32, #tpu.memory_space<hbm>>
      %dma_wait3A_545 = arith.constant 0 : i32
      %dma_wait3A_546 = tpu.memref_slice %arg31[%add3A_249, %dma_wait3A_545] : memref<10000x128xf32, #tpu.memory_space<vmem_shared>> -> memref<104x128xf32, #tpu.memory_space<vmem_shared>>
      tpu.wait_dma2 semaphore(%run_scoped3A : memref<!tpu.dma_semaphore, #tpu.memory_space<semaphore_mem>>) src(%dma_wait3A_546 : memref<104x128xf32, #tpu.memory_space<vmem_shared>>) dst(%dma_wait3A_544 : memref<104x128xf32, #tpu.memory_space<hbm>>)
      tpu.yield
    }) : () -> ()
    %add3A_250 = arith.constant 104 : i32
    %add3A_251 = arith.addi %mul3A_0, %add3A_250 : i32
    "tpu.region"() ({
      %run_scoped3A = tpu.sem_alloc : memref<!tpu.dma_semaphore, #tpu.memory_space<semaphore_mem>>
      %dma_start3A_537 = arith.constant 0 : i32
      %dma_start3A_538 = tpu.memref_slice %arg9[%add3A_3, %add3A_251, %dma_start3A_537] : memref<4x10000x128xf32, #tpu.memory_space<hbm>> -> memref<1x104x128xf32, #tpu.memory_space<hbm>>
      %dma_start3A_539 = tpu.memref_squeeze %dma_start3A_538 : memref<1x104x128xf32, #tpu.memory_space<hbm>> -> memref<104x128xf32, #tpu.memory_space<hbm>>
      %dma_start3A_540 = arith.constant 0 : i32
      %dma_start3A_541 = tpu.memref_slice %arg31[%add3A_251, %dma_start3A_540] : memref<10000x128xf32, #tpu.memory_space<vmem_shared>> -> memref<104x128xf32, #tpu.memory_space<vmem_shared>>
      tpu.enqueue_dma source(%dma_start3A_541 : memref<104x128xf32, #tpu.memory_space<vmem_shared>>) target(%dma_start3A_539 : memref<104x128xf32, #tpu.memory_space<hbm>>) target_semaphore(%run_scoped3A : memref<!tpu.dma_semaphore, #tpu.memory_space<semaphore_mem>>)
      %dma_wait3A_542 = arith.constant 0 : i32
      %dma_wait3A_543 = tpu.memref_slice %arg9[%add3A_3, %add3A_251, %dma_wait3A_542] : memref<4x10000x128xf32, #tpu.memory_space<hbm>> -> memref<1x104x128xf32, #tpu.memory_space<hbm>>
      %dma_wait3A_544 = tpu.memref_squeeze %dma_wait3A_543 : memref<1x104x128xf32, #tpu.memory_space<hbm>> -> memref<104x128xf32, #tpu.memory_space<hbm>>
      %dma_wait3A_545 = arith.constant 0 : i32
      %dma_wait3A_546 = tpu.memref_slice %arg31[%add3A_251, %dma_wait3A_545] : memref<10000x128xf32, #tpu.memory_space<vmem_shared>> -> memref<104x128xf32, #tpu.memory_space<vmem_shared>>
      tpu.wait_dma2 semaphore(%run_scoped3A : memref<!tpu.dma_semaphore, #tpu.memory_space<semaphore_mem>>) src(%dma_wait3A_546 : memref<104x128xf32, #tpu.memory_space<vmem_shared>>) dst(%dma_wait3A_544 : memref<104x128xf32, #tpu.memory_space<hbm>>)
      tpu.yield
    }) : () -> ()
    %add3A_252 = arith.constant 208 : i32
    %add3A_253 = arith.addi %mul3A_0, %add3A_252 : i32
    "tpu.region"() ({
      %run_scoped3A = tpu.sem_alloc : memref<!tpu.dma_semaphore, #tpu.memory_space<semaphore_mem>>
      %dma_start3A_537 = arith.constant 0 : i32
      %dma_start3A_538 = tpu.memref_slice %arg9[%add3A_3, %add3A_253, %dma_start3A_537] : memref<4x10000x128xf32, #tpu.memory_space<hbm>> -> memref<1x104x128xf32, #tpu.memory_space<hbm>>
      %dma_start3A_539 = tpu.memref_squeeze %dma_start3A_538 : memref<1x104x128xf32, #tpu.memory_space<hbm>> -> memref<104x128xf32, #tpu.memory_space<hbm>>
      %dma_start3A_540 = arith.constant 0 : i32
      %dma_start3A_541 = tpu.memref_slice %arg31[%add3A_253, %dma_start3A_540] : memref<10000x128xf32, #tpu.memory_space<vmem_shared>> -> memref<104x128xf32, #tpu.memory_space<vmem_shared>>
      tpu.enqueue_dma source(%dma_start3A_541 : memref<104x128xf32, #tpu.memory_space<vmem_shared>>) target(%dma_start3A_539 : memref<104x128xf32, #tpu.memory_space<hbm>>) target_semaphore(%run_scoped3A : memref<!tpu.dma_semaphore, #tpu.memory_space<semaphore_mem>>)
      %dma_wait3A_542 = arith.constant 0 : i32
      %dma_wait3A_543 = tpu.memref_slice %arg9[%add3A_3, %add3A_253, %dma_wait3A_542] : memref<4x10000x128xf32, #tpu.memory_space<hbm>> -> memref<1x104x128xf32, #tpu.memory_space<hbm>>
      %dma_wait3A_544 = tpu.memref_squeeze %dma_wait3A_543 : memref<1x104x128xf32, #tpu.memory_space<hbm>> -> memref<104x128xf32, #tpu.memory_space<hbm>>
      %dma_wait3A_545 = arith.constant 0 : i32
      %dma_wait3A_546 = tpu.memref_slice %arg31[%add3A_253, %dma_wait3A_545] : memref<10000x128xf32, #tpu.memory_space<vmem_shared>> -> memref<104x128xf32, #tpu.memory_space<vmem_shared>>
      tpu.wait_dma2 semaphore(%run_scoped3A : memref<!tpu.dma_semaphore, #tpu.memory_space<semaphore_mem>>) src(%dma_wait3A_546 : memref<104x128xf32, #tpu.memory_space<vmem_shared>>) dst(%dma_wait3A_544 : memref<104x128xf32, #tpu.memory_space<hbm>>)
      tpu.yield
    }) : () -> ()
    %add3A_254 = arith.constant 312 : i32
    %add3A_255 = arith.addi %mul3A_0, %add3A_254 : i32
    "tpu.region"() ({
      %run_scoped3A = tpu.sem_alloc : memref<!tpu.dma_semaphore, #tpu.memory_space<semaphore_mem>>
      %dma_start3A_537 = arith.constant 0 : i32
      %dma_start3A_538 = tpu.memref_slice %arg9[%add3A_3, %add3A_255, %dma_start3A_537] : memref<4x10000x128xf32, #tpu.memory_space<hbm>> -> memref<1x104x128xf32, #tpu.memory_space<hbm>>
      %dma_start3A_539 = tpu.memref_squeeze %dma_start3A_538 : memref<1x104x128xf32, #tpu.memory_space<hbm>> -> memref<104x128xf32, #tpu.memory_space<hbm>>
      %dma_start3A_540 = arith.constant 0 : i32
      %dma_start3A_541 = tpu.memref_slice %arg31[%add3A_255, %dma_start3A_540] : memref<10000x128xf32, #tpu.memory_space<vmem_shared>> -> memref<104x128xf32, #tpu.memory_space<vmem_shared>>
      tpu.enqueue_dma source(%dma_start3A_541 : memref<104x128xf32, #tpu.memory_space<vmem_shared>>) target(%dma_start3A_539 : memref<104x128xf32, #tpu.memory_space<hbm>>) target_semaphore(%run_scoped3A : memref<!tpu.dma_semaphore, #tpu.memory_space<semaphore_mem>>)
      %dma_wait3A_542 = arith.constant 0 : i32
      %dma_wait3A_543 = tpu.memref_slice %arg9[%add3A_3, %add3A_255, %dma_wait3A_542] : memref<4x10000x128xf32, #tpu.memory_space<hbm>> -> memref<1x104x128xf32, #tpu.memory_space<hbm>>
      %dma_wait3A_544 = tpu.memref_squeeze %dma_wait3A_543 : memref<1x104x128xf32, #tpu.memory_space<hbm>> -> memref<104x128xf32, #tpu.memory_space<hbm>>
      %dma_wait3A_545 = arith.constant 0 : i32
      %dma_wait3A_546 = tpu.memref_slice %arg31[%add3A_255, %dma_wait3A_545] : memref<10000x128xf32, #tpu.memory_space<vmem_shared>> -> memref<104x128xf32, #tpu.memory_space<vmem_shared>>
      tpu.wait_dma2 semaphore(%run_scoped3A : memref<!tpu.dma_semaphore, #tpu.memory_space<semaphore_mem>>) src(%dma_wait3A_546 : memref<104x128xf32, #tpu.memory_space<vmem_shared>>) dst(%dma_wait3A_544 : memref<104x128xf32, #tpu.memory_space<hbm>>)
      tpu.yield
    }) : () -> ()
    %add3A_256 = arith.constant 416 : i32
    %add3A_257 = arith.addi %mul3A_0, %add3A_256 : i32
    "tpu.region"() ({
      %run_scoped3A = tpu.sem_alloc : memref<!tpu.dma_semaphore, #tpu.memory_space<semaphore_mem>>
      %dma_start3A_537 = arith.constant 0 : i32
      %dma_start3A_538 = tpu.memref_slice %arg9[%add3A_3, %add3A_257, %dma_start3A_537] : memref<4x10000x128xf32, #tpu.memory_space<hbm>> -> memref<1x104x128xf32, #tpu.memory_space<hbm>>
      %dma_start3A_539 = tpu.memref_squeeze %dma_start3A_538 : memref<1x104x128xf32, #tpu.memory_space<hbm>> -> memref<104x128xf32, #tpu.memory_space<hbm>>
      %dma_start3A_540 = arith.constant 0 : i32
      %dma_start3A_541 = tpu.memref_slice %arg31[%add3A_257, %dma_start3A_540] : memref<10000x128xf32, #tpu.memory_space<vmem_shared>> -> memref<104x128xf32, #tpu.memory_space<vmem_shared>>
      tpu.enqueue_dma source(%dma_start3A_541 : memref<104x128xf32, #tpu.memory_space<vmem_shared>>) target(%dma_start3A_539 : memref<104x128xf32, #tpu.memory_space<hbm>>) target_semaphore(%run_scoped3A : memref<!tpu.dma_semaphore, #tpu.memory_space<semaphore_mem>>)
      %dma_wait3A_542 = arith.constant 0 : i32
      %dma_wait3A_543 = tpu.memref_slice %arg9[%add3A_3, %add3A_257, %dma_wait3A_542] : memref<4x10000x128xf32, #tpu.memory_space<hbm>> -> memref<1x104x128xf32, #tpu.memory_space<hbm>>
      %dma_wait3A_544 = tpu.memref_squeeze %dma_wait3A_543 : memref<1x104x128xf32, #tpu.memory_space<hbm>> -> memref<104x128xf32, #tpu.memory_space<hbm>>
      %dma_wait3A_545 = arith.constant 0 : i32
      %dma_wait3A_546 = tpu.memref_slice %arg31[%add3A_257, %dma_wait3A_545] : memref<10000x128xf32, #tpu.memory_space<vmem_shared>> -> memref<104x128xf32, #tpu.memory_space<vmem_shared>>
      tpu.wait_dma2 semaphore(%run_scoped3A : memref<!tpu.dma_semaphore, #tpu.memory_space<semaphore_mem>>) src(%dma_wait3A_546 : memref<104x128xf32, #tpu.memory_space<vmem_shared>>) dst(%dma_wait3A_544 : memref<104x128xf32, #tpu.memory_space<hbm>>)
      tpu.yield
    }) : () -> ()
    %add3A_258 = arith.constant 520 : i32
    %add3A_259 = arith.addi %mul3A_0, %add3A_258 : i32
    "tpu.region"() ({
      %run_scoped3A = tpu.sem_alloc : memref<!tpu.dma_semaphore, #tpu.memory_space<semaphore_mem>>
      %dma_start3A_537 = arith.constant 0 : i32
      %dma_start3A_538 = tpu.memref_slice %arg9[%add3A_3, %add3A_259, %dma_start3A_537] : memref<4x10000x128xf32, #tpu.memory_space<hbm>> -> memref<1x104x128xf32, #tpu.memory_space<hbm>>
      %dma_start3A_539 = tpu.memref_squeeze %dma_start3A_538 : memref<1x104x128xf32, #tpu.memory_space<hbm>> -> memref<104x128xf32, #tpu.memory_space<hbm>>
      %dma_start3A_540 = arith.constant 0 : i32
      %dma_start3A_541 = tpu.memref_slice %arg31[%add3A_259, %dma_start3A_540] : memref<10000x128xf32, #tpu.memory_space<vmem_shared>> -> memref<104x128xf32, #tpu.memory_space<vmem_shared>>
      tpu.enqueue_dma source(%dma_start3A_541 : memref<104x128xf32, #tpu.memory_space<vmem_shared>>) target(%dma_start3A_539 : memref<104x128xf32, #tpu.memory_space<hbm>>) target_semaphore(%run_scoped3A : memref<!tpu.dma_semaphore, #tpu.memory_space<semaphore_mem>>)
      %dma_wait3A_542 = arith.constant 0 : i32
      %dma_wait3A_543 = tpu.memref_slice %arg9[%add3A_3, %add3A_259, %dma_wait3A_542] : memref<4x10000x128xf32, #tpu.memory_space<hbm>> -> memref<1x104x128xf32, #tpu.memory_space<hbm>>
      %dma_wait3A_544 = tpu.memref_squeeze %dma_wait3A_543 : memref<1x104x128xf32, #tpu.memory_space<hbm>> -> memref<104x128xf32, #tpu.memory_space<hbm>>
      %dma_wait3A_545 = arith.constant 0 : i32
      %dma_wait3A_546 = tpu.memref_slice %arg31[%add3A_259, %dma_wait3A_545] : memref<10000x128xf32, #tpu.memory_space<vmem_shared>> -> memref<104x128xf32, #tpu.memory_space<vmem_shared>>
      tpu.wait_dma2 semaphore(%run_scoped3A : memref<!tpu.dma_semaphore, #tpu.memory_space<semaphore_mem>>) src(%dma_wait3A_546 : memref<104x128xf32, #tpu.memory_space<vmem_shared>>) dst(%dma_wait3A_544 : memref<104x128xf32, #tpu.memory_space<hbm>>)
      tpu.yield
    }) : () -> ()
    %eq3A_260 = arith.constant 15 : i32
    %eq3A_261 = arith.cmpi eq, %arg1, %eq3A_260 : i32
    %convert_element_type3A_262 = arith.extui %eq3A_261 : i1 to i32
    %cond3A_263 = arith.constant 0 : i32
    %cond3A_264 = arith.cmpi ne, %convert_element_type3A_262, %cond3A_263 : i32
    scf.if %cond3A_264 {
      "tpu.region"() ({
        %run_scoped3A = tpu.sem_alloc : memref<!tpu.dma_semaphore, #tpu.memory_space<semaphore_mem>>
        %dma_start3A_537 = arith.constant 9984 : i32
        %dma_start3A_538 = arith.constant 0 : i32
        %dma_start3A_539 = tpu.memref_slice %arg9[%add3A_3, %dma_start3A_537, %dma_start3A_538] : memref<4x10000x128xf32, #tpu.memory_space<hbm>> -> memref<1x16x128xf32, #tpu.memory_space<hbm>>
        %dma_start3A_540 = tpu.memref_squeeze %dma_start3A_539 : memref<1x16x128xf32, #tpu.memory_space<hbm>> -> memref<16x128xf32, #tpu.memory_space<hbm>>
        %dma_start3A_541 = arith.constant 9984 : i32
        %dma_start3A_542 = arith.constant 0 : i32
        %dma_start3A_543 = tpu.memref_slice %arg31[%dma_start3A_541, %dma_start3A_542] : memref<10000x128xf32, #tpu.memory_space<vmem_shared>> -> memref<16x128xf32, #tpu.memory_space<vmem_shared>>
        tpu.enqueue_dma source(%dma_start3A_543 : memref<16x128xf32, #tpu.memory_space<vmem_shared>>) target(%dma_start3A_540 : memref<16x128xf32, #tpu.memory_space<hbm>>) target_semaphore(%run_scoped3A : memref<!tpu.dma_semaphore, #tpu.memory_space<semaphore_mem>>)
        %dma_wait3A_544 = arith.constant 9984 : i32
        %dma_wait3A_545 = arith.constant 0 : i32
        %dma_wait3A_546 = tpu.memref_slice %arg9[%add3A_3, %dma_wait3A_544, %dma_wait3A_545] : memref<4x10000x128xf32, #tpu.memory_space<hbm>> -> memref<1x16x128xf32, #tpu.memory_space<hbm>>
        %dma_wait3A_547 = tpu.memref_squeeze %dma_wait3A_546 : memref<1x16x128xf32, #tpu.memory_space<hbm>> -> memref<16x128xf32, #tpu.memory_space<hbm>>
        %dma_wait3A_548 = arith.constant 9984 : i32
        %dma_wait3A_549 = arith.constant 0 : i32
        %dma_wait3A_550 = tpu.memref_slice %arg31[%dma_wait3A_548, %dma_wait3A_549] : memref<10000x128xf32, #tpu.memory_space<vmem_shared>> -> memref<16x128xf32, #tpu.memory_space<vmem_shared>>
        tpu.wait_dma2 semaphore(%run_scoped3A : memref<!tpu.dma_semaphore, #tpu.memory_space<semaphore_mem>>) src(%dma_wait3A_550 : memref<16x128xf32, #tpu.memory_space<vmem_shared>>) dst(%dma_wait3A_547 : memref<16x128xf32, #tpu.memory_space<hbm>>)
        tpu.yield
      }) : () -> ()
    } else {
    }
    %mul3A_265 = arith.constant 2 : i32
    %mul3A_266 = arith.muli %mul3A_265, %arg0 : i32
    %add3A_267 = arith.constant 1 : i32
    %add3A_268 = arith.addi %mul3A_266, %add3A_267 : i32
    "tpu.region"() ({
      %run_scoped3A = tpu.sem_alloc : memref<!tpu.dma_semaphore, #tpu.memory_space<semaphore_mem>>
      %dma_start3A_537 = arith.constant 0 : i32
      %dma_start3A_538 = tpu.memref_slice %arg31[%mul3A_0, %dma_start3A_537] : memref<10000x128xf32, #tpu.memory_space<vmem_shared>> -> memref<624x128xf32, #tpu.memory_space<vmem_shared>>
      %dma_start3A_539 = arith.constant 0 : i32
      %dma_start3A_540 = tpu.memref_slice %arg8[%mul3A_0, %dma_start3A_539] : memref<10000x128xf32, #tpu.memory_space<hbm>> -> memref<624x128xf32, #tpu.memory_space<hbm>>
      tpu.enqueue_dma source(%dma_start3A_540 : memref<624x128xf32, #tpu.memory_space<hbm>>) target(%dma_start3A_538 : memref<624x128xf32, #tpu.memory_space<vmem_shared>>) target_semaphore(%run_scoped3A : memref<!tpu.dma_semaphore, #tpu.memory_space<semaphore_mem>>)
      %dma_wait3A_541 = arith.constant 0 : i32
      %dma_wait3A_542 = tpu.memref_slice %arg31[%mul3A_0, %dma_wait3A_541] : memref<10000x128xf32, #tpu.memory_space<vmem_shared>> -> memref<624x128xf32, #tpu.memory_space<vmem_shared>>
      %dma_wait3A_543 = arith.constant 0 : i32
      %dma_wait3A_544 = tpu.memref_slice %arg8[%mul3A_0, %dma_wait3A_543] : memref<10000x128xf32, #tpu.memory_space<hbm>> -> memref<624x128xf32, #tpu.memory_space<hbm>>
      tpu.wait_dma2 semaphore(%run_scoped3A : memref<!tpu.dma_semaphore, #tpu.memory_space<semaphore_mem>>) src(%dma_wait3A_544 : memref<624x128xf32, #tpu.memory_space<hbm>>) dst(%dma_wait3A_542 : memref<624x128xf32, #tpu.memory_space<vmem_shared>>)
      tpu.yield
    }) : () -> ()
    %eq3A_269 = arith.constant 15 : i32
    %eq3A_270 = arith.cmpi eq, %arg1, %eq3A_269 : i32
    %convert_element_type3A_271 = arith.extui %eq3A_270 : i1 to i32
    %cond3A_272 = arith.constant 0 : i32
    %cond3A_273 = arith.cmpi ne, %convert_element_type3A_271, %cond3A_272 : i32
    scf.if %cond3A_273 {
      "tpu.region"() ({
        %run_scoped3A = tpu.sem_alloc : memref<!tpu.dma_semaphore, #tpu.memory_space<semaphore_mem>>
        %dma_start3A_537 = arith.constant 9984 : i32
        %dma_start3A_538 = arith.constant 0 : i32
        %dma_start3A_539 = tpu.memref_slice %arg31[%dma_start3A_537, %dma_start3A_538] : memref<10000x128xf32, #tpu.memory_space<vmem_shared>> -> memref<16x128xf32, #tpu.memory_space<vmem_shared>>
        %dma_start3A_540 = arith.constant 9984 : i32
        %dma_start3A_541 = arith.constant 0 : i32
        %dma_start3A_542 = tpu.memref_slice %arg8[%dma_start3A_540, %dma_start3A_541] : memref<10000x128xf32, #tpu.memory_space<hbm>> -> memref<16x128xf32, #tpu.memory_space<hbm>>
        tpu.enqueue_dma source(%dma_start3A_542 : memref<16x128xf32, #tpu.memory_space<hbm>>) target(%dma_start3A_539 : memref<16x128xf32, #tpu.memory_space<vmem_shared>>) target_semaphore(%run_scoped3A : memref<!tpu.dma_semaphore, #tpu.memory_space<semaphore_mem>>)
        %dma_wait3A_543 = arith.constant 9984 : i32
        %dma_wait3A_544 = arith.constant 0 : i32
        %dma_wait3A_545 = tpu.memref_slice %arg31[%dma_wait3A_543, %dma_wait3A_544] : memref<10000x128xf32, #tpu.memory_space<vmem_shared>> -> memref<16x128xf32, #tpu.memory_space<vmem_shared>>
        %dma_wait3A_546 = arith.constant 9984 : i32
        %dma_wait3A_547 = arith.constant 0 : i32
        %dma_wait3A_548 = tpu.memref_slice %arg8[%dma_wait3A_546, %dma_wait3A_547] : memref<10000x128xf32, #tpu.memory_space<hbm>> -> memref<16x128xf32, #tpu.memory_space<hbm>>
        tpu.wait_dma2 semaphore(%run_scoped3A : memref<!tpu.dma_semaphore, #tpu.memory_space<semaphore_mem>>) src(%dma_wait3A_548 : memref<16x128xf32, #tpu.memory_space<hbm>>) dst(%dma_wait3A_545 : memref<16x128xf32, #tpu.memory_space<vmem_shared>>)
        tpu.yield
      }) : () -> ()
    } else {
    }
    %barrier3A_274 = arith.constant 0 : index
    tpu.barrier barrier_id(%barrier3A_274)
    %dma_start3A_275 = arith.constant 0 : i32
    %dma_start3A_276 = arith.constant 0 : i32
    %dma_start3A_277 = tpu.memref_slice %arg6[%arg1, %dma_start3A_275, %dma_start3A_276] : memref<16x126x80xi32, #tpu.memory_space<hbm>> -> memref<1x1x80xi32, #tpu.memory_space<hbm>>
    %dma_start3A_278 = tpu.memref_squeeze %dma_start3A_277 : memref<1x1x80xi32, #tpu.memory_space<hbm>> -> memref<80xi32, #tpu.memory_space<hbm>>
    %dma_start3A_279 = arith.constant 0 : i32
    %dma_start3A_280 = tpu.memref_slice %arg6[%arg1, %dma_start3A_275, %dma_start3A_279] : memref<16x126x80xi32, #tpu.memory_space<hbm>> -> memref<1x1x80xi32, #tpu.memory_space<hbm>>
    %dma_start3A_281 = tpu.memref_squeeze %dma_start3A_280 : memref<1x1x80xi32, #tpu.memory_space<hbm>> -> memref<80xi32, #tpu.memory_space<hbm>>
    tpu.enqueue_dma source(%dma_start3A_281 : memref<80xi32, #tpu.memory_space<hbm>>) target(%arg10 : memref<80xi32, #tpu.memory_space<vmem>>) target_semaphore(%arg32 : memref<!tpu.dma_semaphore, #tpu.memory_space<semaphore_mem>>)
    %dma_start3A_282 = arith.constant 0 : i32
    %dma_start3A_283 = arith.constant 0 : i32
    %dma_start3A_284 = tpu.memref_slice %arg7[%arg1, %dma_start3A_282, %dma_start3A_283] : memref<16x126x80xi32, #tpu.memory_space<hbm>> -> memref<1x1x80xi32, #tpu.memory_space<hbm>>
    %dma_start3A_285 = tpu.memref_squeeze %dma_start3A_284 : memref<1x1x80xi32, #tpu.memory_space<hbm>> -> memref<80xi32, #tpu.memory_space<hbm>>
    %dma_start3A_286 = arith.constant 0 : i32
    %dma_start3A_287 = tpu.memref_slice %arg7[%arg1, %dma_start3A_282, %dma_start3A_286] : memref<16x126x80xi32, #tpu.memory_space<hbm>> -> memref<1x1x80xi32, #tpu.memory_space<hbm>>
    %dma_start3A_288 = tpu.memref_squeeze %dma_start3A_287 : memref<1x1x80xi32, #tpu.memory_space<hbm>> -> memref<80xi32, #tpu.memory_space<hbm>>
    tpu.enqueue_dma source(%dma_start3A_288 : memref<80xi32, #tpu.memory_space<hbm>>) target(%arg12 : memref<80xi32, #tpu.memory_space<vmem>>) target_semaphore(%arg32 : memref<!tpu.dma_semaphore, #tpu.memory_space<semaphore_mem>>)
    %dma_start3A_289 = arith.constant 1 : i32
    %dma_start3A_290 = arith.constant 0 : i32
    %dma_start3A_291 = tpu.memref_slice %arg6[%arg1, %dma_start3A_289, %dma_start3A_290] : memref<16x126x80xi32, #tpu.memory_space<hbm>> -> memref<1x1x80xi32, #tpu.memory_space<hbm>>
    %dma_start3A_292 = tpu.memref_squeeze %dma_start3A_291 : memref<1x1x80xi32, #tpu.memory_space<hbm>> -> memref<80xi32, #tpu.memory_space<hbm>>
    %dma_start3A_293 = arith.constant 0 : i32
    %dma_start3A_294 = tpu.memref_slice %arg6[%arg1, %dma_start3A_289, %dma_start3A_293] : memref<16x126x80xi32, #tpu.memory_space<hbm>> -> memref<1x1x80xi32, #tpu.memory_space<hbm>>
    %dma_start3A_295 = tpu.memref_squeeze %dma_start3A_294 : memref<1x1x80xi32, #tpu.memory_space<hbm>> -> memref<80xi32, #tpu.memory_space<hbm>>
    tpu.enqueue_dma source(%dma_start3A_295 : memref<80xi32, #tpu.memory_space<hbm>>) target(%arg11 : memref<80xi32, #tpu.memory_space<vmem>>) target_semaphore(%arg33 : memref<!tpu.dma_semaphore, #tpu.memory_space<semaphore_mem>>)
    %dma_start3A_296 = arith.constant 1 : i32
    %dma_start3A_297 = arith.constant 0 : i32
    %dma_start3A_298 = tpu.memref_slice %arg7[%arg1, %dma_start3A_296, %dma_start3A_297] : memref<16x126x80xi32, #tpu.memory_space<hbm>> -> memref<1x1x80xi32, #tpu.memory_space<hbm>>
    %dma_start3A_299 = tpu.memref_squeeze %dma_start3A_298 : memref<1x1x80xi32, #tpu.memory_space<hbm>> -> memref<80xi32, #tpu.memory_space<hbm>>
    %dma_start3A_300 = arith.constant 0 : i32
    %dma_start3A_301 = tpu.memref_slice %arg7[%arg1, %dma_start3A_296, %dma_start3A_300] : memref<16x126x80xi32, #tpu.memory_space<hbm>> -> memref<1x1x80xi32, #tpu.memory_space<hbm>>
    %dma_start3A_302 = tpu.memref_squeeze %dma_start3A_301 : memref<1x1x80xi32, #tpu.memory_space<hbm>> -> memref<80xi32, #tpu.memory_space<hbm>>
    tpu.enqueue_dma source(%dma_start3A_302 : memref<80xi32, #tpu.memory_space<hbm>>) target(%arg13 : memref<80xi32, #tpu.memory_space<vmem>>) target_semaphore(%arg33 : memref<!tpu.dma_semaphore, #tpu.memory_space<semaphore_mem>>)
    %dma_wait3A_303 = arith.constant 0 : i32
    %dma_wait3A_304 = arith.constant 0 : i32
    %dma_wait3A_305 = tpu.memref_slice %arg6[%arg1, %dma_wait3A_303, %dma_wait3A_304] : memref<16x126x80xi32, #tpu.memory_space<hbm>> -> memref<1x1x80xi32, #tpu.memory_space<hbm>>
    %dma_wait3A_306 = tpu.memref_squeeze %dma_wait3A_305 : memref<1x1x80xi32, #tpu.memory_space<hbm>> -> memref<80xi32, #tpu.memory_space<hbm>>
    %dma_wait3A_307 = arith.constant 0 : i32
    %dma_wait3A_308 = tpu.memref_slice %arg6[%arg1, %dma_wait3A_303, %dma_wait3A_307] : memref<16x126x80xi32, #tpu.memory_space<hbm>> -> memref<1x1x80xi32, #tpu.memory_space<hbm>>
    %dma_wait3A_309 = tpu.memref_squeeze %dma_wait3A_308 : memref<1x1x80xi32, #tpu.memory_space<hbm>> -> memref<80xi32, #tpu.memory_space<hbm>>
    tpu.wait_dma2 semaphore(%arg32 : memref<!tpu.dma_semaphore, #tpu.memory_space<semaphore_mem>>) src(%dma_wait3A_309 : memref<80xi32, #tpu.memory_space<hbm>>) dst(%arg10 : memref<80xi32, #tpu.memory_space<vmem>>)
    %dma_wait3A_310 = arith.constant 0 : i32
    %dma_wait3A_311 = arith.constant 0 : i32
    %dma_wait3A_312 = tpu.memref_slice %arg7[%arg1, %dma_wait3A_310, %dma_wait3A_311] : memref<16x126x80xi32, #tpu.memory_space<hbm>> -> memref<1x1x80xi32, #tpu.memory_space<hbm>>
    %dma_wait3A_313 = tpu.memref_squeeze %dma_wait3A_312 : memref<1x1x80xi32, #tpu.memory_space<hbm>> -> memref<80xi32, #tpu.memory_space<hbm>>
    %dma_wait3A_314 = arith.constant 0 : i32
    %dma_wait3A_315 = tpu.memref_slice %arg7[%arg1, %dma_wait3A_310, %dma_wait3A_314] : memref<16x126x80xi32, #tpu.memory_space<hbm>> -> memref<1x1x80xi32, #tpu.memory_space<hbm>>
    %dma_wait3A_316 = tpu.memref_squeeze %dma_wait3A_315 : memref<1x1x80xi32, #tpu.memory_space<hbm>> -> memref<80xi32, #tpu.memory_space<hbm>>
    tpu.wait_dma2 semaphore(%arg32 : memref<!tpu.dma_semaphore, #tpu.memory_space<semaphore_mem>>) src(%dma_wait3A_316 : memref<80xi32, #tpu.memory_space<hbm>>) dst(%arg12 : memref<80xi32, #tpu.memory_space<vmem>>)
    %dma_start3A_317 = arith.constant 0 : i32
    %dma_start3A_318 = tpu.memref_slice %arg3[%dma_start3A_317] : memref<10000xf32, #tpu.memory_space<hbm>> -> memref<10000xf32, #tpu.memory_space<hbm>>
    tpu.enqueue_indirect_dma source(%dma_start3A_318 : memref<10000xf32, #tpu.memory_space<hbm>>) target(%arg16 : memref<80xf32, #tpu.memory_space<vmem>>) offsets(%arg10 : memref<80xi32, #tpu.memory_space<vmem>>) semaphore(%arg34 : memref<!tpu.dma_semaphore, #tpu.memory_space<semaphore_mem>>)
    %dma_start3A_319 = arith.constant 0 : i32
    %dma_start3A_320 = tpu.memref_slice %arg4[%dma_start3A_319] : memref<10000xf32, #tpu.memory_space<hbm>> -> memref<10000xf32, #tpu.memory_space<hbm>>
    tpu.enqueue_indirect_dma source(%dma_start3A_320 : memref<10000xf32, #tpu.memory_space<hbm>>) target(%arg17 : memref<80xf32, #tpu.memory_space<vmem>>) offsets(%arg10 : memref<80xi32, #tpu.memory_space<vmem>>) semaphore(%arg34 : memref<!tpu.dma_semaphore, #tpu.memory_space<semaphore_mem>>)
    %dma_start3A_321 = arith.constant 0 : i32
    %dma_start3A_322 = tpu.memref_slice %arg5[%dma_start3A_321] : memref<10000xf32, #tpu.memory_space<hbm>> -> memref<10000xf32, #tpu.memory_space<hbm>>
    tpu.enqueue_indirect_dma source(%dma_start3A_322 : memref<10000xf32, #tpu.memory_space<hbm>>) target(%arg18 : memref<80xf32, #tpu.memory_space<vmem>>) offsets(%arg10 : memref<80xi32, #tpu.memory_space<vmem>>) semaphore(%arg34 : memref<!tpu.dma_semaphore, #tpu.memory_space<semaphore_mem>>)
    %dma_start3A_323 = arith.constant 0 : i32
    %dma_start3A_324 = tpu.memref_slice %arg3[%dma_start3A_323] : memref<10000xf32, #tpu.memory_space<hbm>> -> memref<10000xf32, #tpu.memory_space<hbm>>
    tpu.enqueue_indirect_dma source(%dma_start3A_324 : memref<10000xf32, #tpu.memory_space<hbm>>) target(%arg19 : memref<80xf32, #tpu.memory_space<vmem>>) offsets(%arg12 : memref<80xi32, #tpu.memory_space<vmem>>) semaphore(%arg34 : memref<!tpu.dma_semaphore, #tpu.memory_space<semaphore_mem>>)
    %dma_start3A_325 = arith.constant 0 : i32
    %dma_start3A_326 = tpu.memref_slice %arg4[%dma_start3A_325] : memref<10000xf32, #tpu.memory_space<hbm>> -> memref<10000xf32, #tpu.memory_space<hbm>>
    tpu.enqueue_indirect_dma source(%dma_start3A_326 : memref<10000xf32, #tpu.memory_space<hbm>>) target(%arg20 : memref<80xf32, #tpu.memory_space<vmem>>) offsets(%arg12 : memref<80xi32, #tpu.memory_space<vmem>>) semaphore(%arg34 : memref<!tpu.dma_semaphore, #tpu.memory_space<semaphore_mem>>)
    %dma_start3A_327 = arith.constant 0 : i32
    %dma_start3A_328 = tpu.memref_slice %arg5[%dma_start3A_327] : memref<10000xf32, #tpu.memory_space<hbm>> -> memref<10000xf32, #tpu.memory_space<hbm>>
    tpu.enqueue_indirect_dma source(%dma_start3A_328 : memref<10000xf32, #tpu.memory_space<hbm>>) target(%arg21 : memref<80xf32, #tpu.memory_space<vmem>>) offsets(%arg12 : memref<80xi32, #tpu.memory_space<vmem>>) semaphore(%arg34 : memref<!tpu.dma_semaphore, #tpu.memory_space<semaphore_mem>>)
    %dma_start3A_329 = arith.constant 0 : i32
    %dma_start3A_330 = arith.constant 0 : i32
    %dma_start3A_331 = tpu.memref_slice %arg2[%dma_start3A_329, %dma_start3A_330] : memref<10000x128xf32, #tpu.memory_space<hbm>> -> memref<10000x128xf32, #tpu.memory_space<hbm>>
    tpu.enqueue_indirect_dma source(%dma_start3A_331 : memref<10000x128xf32, #tpu.memory_space<hbm>>) target(%arg29 : memref<80x128xf32, #tpu.memory_space<vmem>>) offsets(%arg10 : memref<80xi32, #tpu.memory_space<vmem>>) semaphore(%arg34 : memref<!tpu.dma_semaphore, #tpu.memory_space<semaphore_mem>>)
    %dma_wait3A_332 = arith.constant 0 : i32
    %dma_wait3A_333 = tpu.memref_slice %arg3[%dma_wait3A_332] : memref<10000xf32, #tpu.memory_space<hbm>> -> memref<10000xf32, #tpu.memory_space<hbm>>
    tpu.wait_indirect_dma semaphore(%arg34 : memref<!tpu.dma_semaphore, #tpu.memory_space<semaphore_mem>>) src(%dma_wait3A_333 : memref<10000xf32, #tpu.memory_space<hbm>>) dst(%arg16 : memref<80xf32, #tpu.memory_space<vmem>>)
    %dma_wait3A_334 = arith.constant 0 : i32
    %dma_wait3A_335 = tpu.memref_slice %arg3[%dma_wait3A_334] : memref<10000xf32, #tpu.memory_space<hbm>> -> memref<10000xf32, #tpu.memory_space<hbm>>
    tpu.wait_indirect_dma semaphore(%arg34 : memref<!tpu.dma_semaphore, #tpu.memory_space<semaphore_mem>>) src(%dma_wait3A_335 : memref<10000xf32, #tpu.memory_space<hbm>>) dst(%arg17 : memref<80xf32, #tpu.memory_space<vmem>>)
    %dma_wait3A_336 = arith.constant 0 : i32
    %dma_wait3A_337 = tpu.memref_slice %arg3[%dma_wait3A_336] : memref<10000xf32, #tpu.memory_space<hbm>> -> memref<10000xf32, #tpu.memory_space<hbm>>
    tpu.wait_indirect_dma semaphore(%arg34 : memref<!tpu.dma_semaphore, #tpu.memory_space<semaphore_mem>>) src(%dma_wait3A_337 : memref<10000xf32, #tpu.memory_space<hbm>>) dst(%arg18 : memref<80xf32, #tpu.memory_space<vmem>>)
    %dma_wait3A_338 = arith.constant 0 : i32
    %dma_wait3A_339 = tpu.memref_slice %arg3[%dma_wait3A_338] : memref<10000xf32, #tpu.memory_space<hbm>> -> memref<10000xf32, #tpu.memory_space<hbm>>
    tpu.wait_indirect_dma semaphore(%arg34 : memref<!tpu.dma_semaphore, #tpu.memory_space<semaphore_mem>>) src(%dma_wait3A_339 : memref<10000xf32, #tpu.memory_space<hbm>>) dst(%arg19 : memref<80xf32, #tpu.memory_space<vmem>>)
    %dma_wait3A_340 = arith.constant 0 : i32
    %dma_wait3A_341 = tpu.memref_slice %arg3[%dma_wait3A_340] : memref<10000xf32, #tpu.memory_space<hbm>> -> memref<10000xf32, #tpu.memory_space<hbm>>
    tpu.wait_indirect_dma semaphore(%arg34 : memref<!tpu.dma_semaphore, #tpu.memory_space<semaphore_mem>>) src(%dma_wait3A_341 : memref<10000xf32, #tpu.memory_space<hbm>>) dst(%arg20 : memref<80xf32, #tpu.memory_space<vmem>>)
    %dma_wait3A_342 = arith.constant 0 : i32
    %dma_wait3A_343 = tpu.memref_slice %arg3[%dma_wait3A_342] : memref<10000xf32, #tpu.memory_space<hbm>> -> memref<10000xf32, #tpu.memory_space<hbm>>
    tpu.wait_indirect_dma semaphore(%arg34 : memref<!tpu.dma_semaphore, #tpu.memory_space<semaphore_mem>>) src(%dma_wait3A_343 : memref<10000xf32, #tpu.memory_space<hbm>>) dst(%arg21 : memref<80xf32, #tpu.memory_space<vmem>>)
    %dma_wait3A_344 = arith.constant 0 : i32
    %dma_wait3A_345 = arith.constant 0 : i32
    %dma_wait3A_346 = tpu.memref_slice %arg2[%dma_wait3A_344, %dma_wait3A_345] : memref<10000x128xf32, #tpu.memory_space<hbm>> -> memref<10000x128xf32, #tpu.memory_space<hbm>>
    tpu.wait_indirect_dma semaphore(%arg34 : memref<!tpu.dma_semaphore, #tpu.memory_space<semaphore_mem>>) src(%dma_wait3A_346 : memref<10000x128xf32, #tpu.memory_space<hbm>>) dst(%arg29 : memref<80x128xf32, #tpu.memory_space<vmem>>)
    %scan3A_347 = arith.constant 0 : i32
    %scan3A_348 = arith.constant 0 : i32
    %scan3A_349 = arith.constant 5 : i32
    %scan3A_350 = arith.addi %scan3A_348, %scan3A_349 : i32
    %scan3A_351 = arith.constant 1 : i32
    scf.for %scan3A_537 = %scan3A_348 to %scan3A_350 step %scan3A_351  : i32 {
      %mul3A_538 = arith.constant 16 : i32
      %mul3A_539 = arith.muli %scan3A_537, %mul3A_538 : i32
      %get3A = arith.index_cast %mul3A_539 : i32 to index
      %get3A_540 = tpu.vector_load %arg12[%get3A] {strides = array<i32>} : memref<80xi32, #tpu.memory_space<vmem>>, vector<16xi32>,
      %get3A_541 = vector.shape_cast %get3A_540 : vector<16xi32> to vector<16xi32>
      %swap3A = arith.index_cast %mul3A_539 : i32 to index
      %swap3A_542 = tpu.vector_load %arg14[%swap3A] {strides = array<i32>} : memref<80xi32, #tpu.memory_space<vmem>>, vector<16xi32>,
      %swap3A_543 = vector.shape_cast %swap3A_542 : vector<16xi32> to vector<16xi32>
      %swap3A_544 = vector.shape_cast %get3A_541 : vector<16xi32> to vector<16xi32>
      tpu.vector_store %arg14[%swap3A], %swap3A_544 {strides = array<i32>} : memref<80xi32, #tpu.memory_space<vmem>>, vector<16xi32>,
    }
    %scan3A_352 = arith.constant 5 : i32
    %dma_start3A_353 = arith.constant 2 : i32
    %dma_start3A_354 = arith.constant 0 : i32
    %dma_start3A_355 = tpu.memref_slice %arg6[%arg1, %dma_start3A_353, %dma_start3A_354] : memref<16x126x80xi32, #tpu.memory_space<hbm>> -> memref<1x1x80xi32, #tpu.memory_space<hbm>>
    %dma_start3A_356 = tpu.memref_squeeze %dma_start3A_355 : memref<1x1x80xi32, #tpu.memory_space<hbm>> -> memref<80xi32, #tpu.memory_space<hbm>>
    %dma_start3A_357 = arith.constant 0 : i32
    %dma_start3A_358 = tpu.memref_slice %arg6[%arg1, %dma_start3A_353, %dma_start3A_357] : memref<16x126x80xi32, #tpu.memory_space<hbm>> -> memref<1x1x80xi32, #tpu.memory_space<hbm>>
    %dma_start3A_359 = tpu.memref_squeeze %dma_start3A_358 : memref<1x1x80xi32, #tpu.memory_space<hbm>> -> memref<80xi32, #tpu.memory_space<hbm>>
    tpu.enqueue_dma source(%dma_start3A_359 : memref<80xi32, #tpu.memory_space<hbm>>) target(%arg10 : memref<80xi32, #tpu.memory_space<vmem>>) target_semaphore(%arg32 : memref<!tpu.dma_semaphore, #tpu.memory_space<semaphore_mem>>)
    %dma_start3A_360 = arith.constant 2 : i32
    %dma_start3A_361 = arith.constant 0 : i32
    %dma_start3A_362 = tpu.memref_slice %arg7[%arg1, %dma_start3A_360, %dma_start3A_361] : memref<16x126x80xi32, #tpu.memory_space<hbm>> -> memref<1x1x80xi32, #tpu.memory_space<hbm>>
    %dma_start3A_363 = tpu.memref_squeeze %dma_start3A_362 : memref<1x1x80xi32, #tpu.memory_space<hbm>> -> memref<80xi32, #tpu.memory_space<hbm>>
    %dma_start3A_364 = arith.constant 0 : i32
    %dma_start3A_365 = tpu.memref_slice %arg7[%arg1, %dma_start3A_360, %dma_start3A_364] : memref<16x126x80xi32, #tpu.memory_space<hbm>> -> memref<1x1x80xi32, #tpu.memory_space<hbm>>
    %dma_start3A_366 = tpu.memref_squeeze %dma_start3A_365 : memref<1x1x80xi32, #tpu.memory_space<hbm>> -> memref<80xi32, #tpu.memory_space<hbm>>
    tpu.enqueue_dma source(%dma_start3A_366 : memref<80xi32, #tpu.memory_space<hbm>>) target(%arg12 : memref<80xi32, #tpu.memory_space<vmem>>) target_semaphore(%arg32 : memref<!tpu.dma_semaphore, #tpu.memory_space<semaphore_mem>>)
    %dma_wait3A_367 = arith.constant 0 : i32
    %dma_wait3A_368 = arith.constant 0 : i32
    %dma_wait3A_369 = tpu.memref_slice %arg6[%arg1, %dma_wait3A_367, %dma_wait3A_368] : memref<16x126x80xi32, #tpu.memory_space<hbm>> -> memref<1x1x80xi32, #tpu.memory_space<hbm>>
    %dma_wait3A_370 = tpu.memref_squeeze %dma_wait3A_369 : memref<1x1x80xi32, #tpu.memory_space<hbm>> -> memref<80xi32, #tpu.memory_space<hbm>>
    %dma_wait3A_371 = arith.constant 0 : i32
    %dma_wait3A_372 = tpu.memref_slice %arg6[%arg1, %dma_wait3A_367, %dma_wait3A_371] : memref<16x126x80xi32, #tpu.memory_space<hbm>> -> memref<1x1x80xi32, #tpu.memory_space<hbm>>
    %dma_wait3A_373 = tpu.memref_squeeze %dma_wait3A_372 : memref<1x1x80xi32, #tpu.memory_space<hbm>> -> memref<80xi32, #tpu.memory_space<hbm>>
    tpu.wait_dma2 semaphore(%arg33 : memref<!tpu.dma_semaphore, #tpu.memory_space<semaphore_mem>>) src(%dma_wait3A_373 : memref<80xi32, #tpu.memory_space<hbm>>) dst(%arg11 : memref<80xi32, #tpu.memory_space<vmem>>)
    %dma_wait3A_374 = arith.constant 0 : i32
    %dma_wait3A_375 = arith.constant 0 : i32
    %dma_wait3A_376 = tpu.memref_slice %arg7[%arg1, %dma_wait3A_374, %dma_wait3A_375] : memref<16x126x80xi32, #tpu.memory_space<hbm>> -> memref<1x1x80xi32, #tpu.memory_space<hbm>>
    %dma_wait3A_377 = tpu.memref_squeeze %dma_wait3A_376 : memref<1x1x80xi32, #tpu.memory_space<hbm>> -> memref<80xi32, #tpu.memory_space<hbm>>
    %dma_wait3A_378 = arith.constant 0 : i32
    %dma_wait3A_379 = tpu.memref_slice %arg7[%arg1, %dma_wait3A_374, %dma_wait3A_378] : memref<16x126x80xi32, #tpu.memory_space<hbm>> -> memref<1x1x80xi32, #tpu.memory_space<hbm>>
    %dma_wait3A_380 = tpu.memref_squeeze %dma_wait3A_379 : memref<1x1x80xi32, #tpu.memory_space<hbm>> -> memref<80xi32, #tpu.memory_space<hbm>>
    tpu.wait_dma2 semaphore(%arg33 : memref<!tpu.dma_semaphore, #tpu.memory_space<semaphore_mem>>) src(%dma_wait3A_380 : memref<80xi32, #tpu.memory_space<hbm>>) dst(%arg13 : memref<80xi32, #tpu.memory_space<vmem>>)
    %dma_start3A_381 = arith.constant 0 : i32
    %dma_start3A_382 = tpu.memref_slice %arg3[%dma_start3A_381] : memref<10000xf32, #tpu.memory_space<hbm>> -> memref<10000xf32, #tpu.memory_space<hbm>>
    tpu.enqueue_indirect_dma source(%dma_start3A_382 : memref<10000xf32, #tpu.memory_space<hbm>>) target(%arg22 : memref<80xf32, #tpu.memory_space<vmem>>) offsets(%arg11 : memref<80xi32, #tpu.memory_space<vmem>>) semaphore(%arg35 : memref<!tpu.dma_semaphore, #tpu.memory_space<semaphore_mem>>)
    %dma_start3A_383 = arith.constant 0 : i32
    %dma_start3A_384 = tpu.memref_slice %arg4[%dma_start3A_383] : memref<10000xf32, #tpu.memory_space<hbm>> -> memref<10000xf32, #tpu.memory_space<hbm>>
    tpu.enqueue_indirect_dma source(%dma_start3A_384 : memref<10000xf32, #tpu.memory_space<hbm>>) target(%arg23 : memref<80xf32, #tpu.memory_space<vmem>>) offsets(%arg11 : memref<80xi32, #tpu.memory_space<vmem>>) semaphore(%arg35 : memref<!tpu.dma_semaphore, #tpu.memory_space<semaphore_mem>>)
    %dma_start3A_385 = arith.constant 0 : i32
    %dma_start3A_386 = tpu.memref_slice %arg5[%dma_start3A_385] : memref<10000xf32, #tpu.memory_space<hbm>> -> memref<10000xf32, #tpu.memory_space<hbm>>
    tpu.enqueue_indirect_dma source(%dma_start3A_386 : memref<10000xf32, #tpu.memory_space<hbm>>) target(%arg24 : memref<80xf32, #tpu.memory_space<vmem>>) offsets(%arg11 : memref<80xi32, #tpu.memory_space<vmem>>) semaphore(%arg35 : memref<!tpu.dma_semaphore, #tpu.memory_space<semaphore_mem>>)
    %dma_start3A_387 = arith.constant 0 : i32
    %dma_start3A_388 = tpu.memref_slice %arg3[%dma_start3A_387] : memref<10000xf32, #tpu.memory_space<hbm>> -> memref<10000xf32, #tpu.memory_space<hbm>>
    tpu.enqueue_indirect_dma source(%dma_start3A_388 : memref<10000xf32, #tpu.memory_space<hbm>>) target(%arg25 : memref<80xf32, #tpu.memory_space<vmem>>) offsets(%arg13 : memref<80xi32, #tpu.memory_space<vmem>>) semaphore(%arg35 : memref<!tpu.dma_semaphore, #tpu.memory_space<semaphore_mem>>)
    %dma_start3A_389 = arith.constant 0 : i32
    %dma_start3A_390 = tpu.memref_slice %arg4[%dma_start3A_389] : memref<10000xf32, #tpu.memory_space<hbm>> -> memref<10000xf32, #tpu.memory_space<hbm>>
    tpu.enqueue_indirect_dma source(%dma_start3A_390 : memref<10000xf32, #tpu.memory_space<hbm>>) target(%arg26 : memref<80xf32, #tpu.memory_space<vmem>>) offsets(%arg13 : memref<80xi32, #tpu.memory_space<vmem>>) semaphore(%arg35 : memref<!tpu.dma_semaphore, #tpu.memory_space<semaphore_mem>>)
    %dma_start3A_391 = arith.constant 0 : i32
    %dma_start3A_392 = tpu.memref_slice %arg5[%dma_start3A_391] : memref<10000xf32, #tpu.memory_space<hbm>> -> memref<10000xf32, #tpu.memory_space<hbm>>
    tpu.enqueue_indirect_dma source(%dma_start3A_392 : memref<10000xf32, #tpu.memory_space<hbm>>) target(%arg27 : memref<80xf32, #tpu.memory_space<vmem>>) offsets(%arg13 : memref<80xi32, #tpu.memory_space<vmem>>) semaphore(%arg35 : memref<!tpu.dma_semaphore, #tpu.memory_space<semaphore_mem>>)
    %dma_start3A_393 = arith.constant 0 : i32
    %dma_start3A_394 = arith.constant 0 : i32
    %dma_start3A_395 = tpu.memref_slice %arg2[%dma_start3A_393, %dma_start3A_394] : memref<10000x128xf32, #tpu.memory_space<hbm>> -> memref<10000x128xf32, #tpu.memory_space<hbm>>
    tpu.enqueue_indirect_dma source(%dma_start3A_395 : memref<10000x128xf32, #tpu.memory_space<hbm>>) target(%arg30 : memref<80x128xf32, #tpu.memory_space<vmem>>) offsets(%arg11 : memref<80xi32, #tpu.memory_space<vmem>>) semaphore(%arg35 : memref<!tpu.dma_semaphore, #tpu.memory_space<semaphore_mem>>)
    %dma_start3A_396 = arith.constant 0 : i32
    %dma_start3A_397 = arith.constant 0 : i32
    %dma_start3A_398 = tpu.memref_slice %arg31[%dma_start3A_396, %dma_start3A_397] : memref<10000x128xf32, #tpu.memory_space<vmem_shared>> -> memref<10000x128xf32, #tpu.memory_space<vmem_shared>>
    tpu.enqueue_indirect_dma source(%arg29 : memref<80x128xf32, #tpu.memory_space<vmem>>) target(%dma_start3A_398 : memref<10000x128xf32, #tpu.memory_space<vmem_shared>>) offsets(%arg14 : memref<80xi32, #tpu.memory_space<vmem>>) semaphore(%arg36 : memref<!tpu.dma_semaphore, #tpu.memory_space<semaphore_mem>>) {add = true}
    %dma_wait3A_399 = arith.constant 0 : i32
    %dma_wait3A_400 = tpu.memref_slice %arg3[%dma_wait3A_399] : memref<10000xf32, #tpu.memory_space<hbm>> -> memref<10000xf32, #tpu.memory_space<hbm>>
    tpu.wait_indirect_dma semaphore(%arg35 : memref<!tpu.dma_semaphore, #tpu.memory_space<semaphore_mem>>) src(%dma_wait3A_400 : memref<10000xf32, #tpu.memory_space<hbm>>) dst(%arg22 : memref<80xf32, #tpu.memory_space<vmem>>)
    %dma_wait3A_401 = arith.constant 0 : i32
    %dma_wait3A_402 = tpu.memref_slice %arg3[%dma_wait3A_401] : memref<10000xf32, #tpu.memory_space<hbm>> -> memref<10000xf32, #tpu.memory_space<hbm>>
    tpu.wait_indirect_dma semaphore(%arg35 : memref<!tpu.dma_semaphore, #tpu.memory_space<semaphore_mem>>) src(%dma_wait3A_402 : memref<10000xf32, #tpu.memory_space<hbm>>) dst(%arg23 : memref<80xf32, #tpu.memory_space<vmem>>)
    %dma_wait3A_403 = arith.constant 0 : i32
    %dma_wait3A_404 = tpu.memref_slice %arg3[%dma_wait3A_403] : memref<10000xf32, #tpu.memory_space<hbm>> -> memref<10000xf32, #tpu.memory_space<hbm>>
    tpu.wait_indirect_dma semaphore(%arg35 : memref<!tpu.dma_semaphore, #tpu.memory_space<semaphore_mem>>) src(%dma_wait3A_404 : memref<10000xf32, #tpu.memory_space<hbm>>) dst(%arg24 : memref<80xf32, #tpu.memory_space<vmem>>)
    %dma_wait3A_405 = arith.constant 0 : i32
    %dma_wait3A_406 = tpu.memref_slice %arg3[%dma_wait3A_405] : memref<10000xf32, #tpu.memory_space<hbm>> -> memref<10000xf32, #tpu.memory_space<hbm>>
    tpu.wait_indirect_dma semaphore(%arg35 : memref<!tpu.dma_semaphore, #tpu.memory_space<semaphore_mem>>) src(%dma_wait3A_406 : memref<10000xf32, #tpu.memory_space<hbm>>) dst(%arg25 : memref<80xf32, #tpu.memory_space<vmem>>)
    %dma_wait3A_407 = arith.constant 0 : i32
    %dma_wait3A_408 = tpu.memref_slice %arg3[%dma_wait3A_407] : memref<10000xf32, #tpu.memory_space<hbm>> -> memref<10000xf32, #tpu.memory_space<hbm>>
    tpu.wait_indirect_dma semaphore(%arg35 : memref<!tpu.dma_semaphore, #tpu.memory_space<semaphore_mem>>) src(%dma_wait3A_408 : memref<10000xf32, #tpu.memory_space<hbm>>) dst(%arg26 : memref<80xf32, #tpu.memory_space<vmem>>)
    %dma_wait3A_409 = arith.constant 0 : i32
    %dma_wait3A_410 = tpu.memref_slice %arg3[%dma_wait3A_409] : memref<10000xf32, #tpu.memory_space<hbm>> -> memref<10000xf32, #tpu.memory_space<hbm>>
    tpu.wait_indirect_dma semaphore(%arg35 : memref<!tpu.dma_semaphore, #tpu.memory_space<semaphore_mem>>) src(%dma_wait3A_410 : memref<10000xf32, #tpu.memory_space<hbm>>) dst(%arg27 : memref<80xf32, #tpu.memory_space<vmem>>)
    %dma_wait3A_411 = arith.constant 0 : i32
    %dma_wait3A_412 = arith.constant 0 : i32
    %dma_wait3A_413 = tpu.memref_slice %arg2[%dma_wait3A_411, %dma_wait3A_412] : memref<10000x128xf32, #tpu.memory_space<hbm>> -> memref<10000x128xf32, #tpu.memory_space<hbm>>
    tpu.wait_indirect_dma semaphore(%arg35 : memref<!tpu.dma_semaphore, #tpu.memory_space<semaphore_mem>>) src(%dma_wait3A_413 : memref<10000x128xf32, #tpu.memory_space<hbm>>) dst(%arg30 : memref<80x128xf32, #tpu.memory_space<vmem>>)
    %scan3A_414 = arith.constant 0 : i32
    %scan3A_415 = arith.constant 0 : i32
    %scan3A_416 = arith.constant 5 : i32
    %scan3A_417 = arith.addi %scan3A_415, %scan3A_416 : i32
    %scan3A_418 = arith.constant 1 : i32
    scf.for %scan3A_537 = %scan3A_415 to %scan3A_417 step %scan3A_418  : i32 {
      %mul3A_538 = arith.constant 16 : i32
      %mul3A_539 = arith.muli %scan3A_537, %mul3A_538 : i32
      %get3A = arith.index_cast %mul3A_539 : i32 to index
      %get3A_540 = tpu.vector_load %arg13[%get3A] {strides = array<i32>} : memref<80xi32, #tpu.memory_space<vmem>>, vector<16xi32>,
      %get3A_541 = vector.shape_cast %get3A_540 : vector<16xi32> to vector<16xi32>
      %swap3A = arith.index_cast %mul3A_539 : i32 to index
      %swap3A_542 = tpu.vector_load %arg15[%swap3A] {strides = array<i32>} : memref<80xi32, #tpu.memory_space<vmem>>, vector<16xi32>,
      %swap3A_543 = vector.shape_cast %swap3A_542 : vector<16xi32> to vector<16xi32>
      %swap3A_544 = vector.shape_cast %get3A_541 : vector<16xi32> to vector<16xi32>
      tpu.vector_store %arg15[%swap3A], %swap3A_544 {strides = array<i32>} : memref<80xi32, #tpu.memory_space<vmem>>, vector<16xi32>,
    }
    %scan3A_419 = arith.constant 5 : i32
    %dma_start3A_420 = arith.constant 3 : i32
    %dma_start3A_421 = arith.constant 0 : i32
    %dma_start3A_422 = tpu.memref_slice %arg6[%arg1, %dma_start3A_420, %dma_start3A_421] : memref<16x126x80xi32, #tpu.memory_space<hbm>> -> memref<1x1x80xi32, #tpu.memory_space<hbm>>
    %dma_start3A_423 = tpu.memref_squeeze %dma_start3A_422 : memref<1x1x80xi32, #tpu.memory_space<hbm>> -> memref<80xi32, #tpu.memory_space<hbm>>
    %dma_start3A_424 = arith.constant 0 : i32
    %dma_start3A_425 = tpu.memref_slice %arg6[%arg1, %dma_start3A_420, %dma_start3A_424] : memref<16x126x80xi32, #tpu.memory_space<hbm>> -> memref<1x1x80xi32, #tpu.memory_space<hbm>>
    %dma_start3A_426 = tpu.memref_squeeze %dma_start3A_425 : memref<1x1x80xi32, #tpu.memory_space<hbm>> -> memref<80xi32, #tpu.memory_space<hbm>>
    tpu.enqueue_dma source(%dma_start3A_426 : memref<80xi32, #tpu.memory_space<hbm>>) target(%arg11 : memref<80xi32, #tpu.memory_space<vmem>>) target_semaphore(%arg33 : memref<!tpu.dma_semaphore, #tpu.memory_space<semaphore_mem>>)
    %dma_start3A_427 = arith.constant 3 : i32
    %dma_start3A_428 = arith.constant 0 : i32
    %dma_start3A_429 = tpu.memref_slice %arg7[%arg1, %dma_start3A_427, %dma_start3A_428] : memref<16x126x80xi32, #tpu.memory_space<hbm>> -> memref<1x1x80xi32, #tpu.memory_space<hbm>>
    %dma_start3A_430 = tpu.memref_squeeze %dma_start3A_429 : memref<1x1x80xi32, #tpu.memory_space<hbm>> -> memref<80xi32, #tpu.memory_space<hbm>>
    %dma_start3A_431 = arith.constant 0 : i32
    %dma_start3A_432 = tpu.memref_slice %arg7[%arg1, %dma_start3A_427, %dma_start3A_431] : memref<16x126x80xi32, #tpu.memory_space<hbm>> -> memref<1x1x80xi32, #tpu.memory_space<hbm>>
    %dma_start3A_433 = tpu.memref_squeeze %dma_start3A_432 : memref<1x1x80xi32, #tpu.memory_space<hbm>> -> memref<80xi32, #tpu.memory_space<hbm>>
    tpu.enqueue_dma source(%dma_start3A_433 : memref<80xi32, #tpu.memory_space<hbm>>) target(%arg13 : memref<80xi32, #tpu.memory_space<vmem>>) target_semaphore(%arg33 : memref<!tpu.dma_semaphore, #tpu.memory_space<semaphore_mem>>)
    %dma_wait3A_434 = arith.constant 0 : i32
    %dma_wait3A_435 = arith.constant 0 : i32
    %dma_wait3A_436 = tpu.memref_slice %arg6[%arg1, %dma_wait3A_434, %dma_wait3A_435] : memref<16x126x80xi32, #tpu.memory_space<hbm>> -> memref<1x1x80xi32, #tpu.memory_space<hbm>>
    %dma_wait3A_437 = tpu.memref_squeeze %dma_wait3A_436 : memref<1x1x80xi32, #tpu.memory_space<hbm>> -> memref<80xi32, #tpu.memory_space<hbm>>
    %dma_wait3A_438 = arith.constant 0 : i32
    %dma_wait3A_439 = tpu.memref_slice %arg6[%arg1, %dma_wait3A_434, %dma_wait3A_438] : memref<16x126x80xi32, #tpu.memory_space<hbm>> -> memref<1x1x80xi32, #tpu.memory_space<hbm>>
    %dma_wait3A_440 = tpu.memref_squeeze %dma_wait3A_439 : memref<1x1x80xi32, #tpu.memory_space<hbm>> -> memref<80xi32, #tpu.memory_space<hbm>>
    tpu.wait_dma2 semaphore(%arg32 : memref<!tpu.dma_semaphore, #tpu.memory_space<semaphore_mem>>) src(%dma_wait3A_440 : memref<80xi32, #tpu.memory_space<hbm>>) dst(%arg10 : memref<80xi32, #tpu.memory_space<vmem>>)
    %dma_wait3A_441 = arith.constant 0 : i32
    %dma_wait3A_442 = arith.constant 0 : i32
    %dma_wait3A_443 = tpu.memref_slice %arg7[%arg1, %dma_wait3A_441, %dma_wait3A_442] : memref<16x126x80xi32, #tpu.memory_space<hbm>> -> memref<1x1x80xi32, #tpu.memory_space<hbm>>
    %dma_wait3A_444 = tpu.memref_squeeze %dma_wait3A_443 : memref<1x1x80xi32, #tpu.memory_space<hbm>> -> memref<80xi32, #tpu.memory_space<hbm>>
    %dma_wait3A_445 = arith.constant 0 : i32
    %dma_wait3A_446 = tpu.memref_slice %arg7[%arg1, %dma_wait3A_441, %dma_wait3A_445] : memref<16x126x80xi32, #tpu.memory_space<hbm>> -> memref<1x1x80xi32, #tpu.memory_space<hbm>>
    %dma_wait3A_447 = tpu.memref_squeeze %dma_wait3A_446 : memref<1x1x80xi32, #tpu.memory_space<hbm>> -> memref<80xi32, #tpu.memory_space<hbm>>
    tpu.wait_dma2 semaphore(%arg32 : memref<!tpu.dma_semaphore, #tpu.memory_space<semaphore_mem>>) src(%dma_wait3A_447 : memref<80xi32, #tpu.memory_space<hbm>>) dst(%arg12 : memref<80xi32, #tpu.memory_space<vmem>>)
    %dma_wait3A_448 = arith.constant 0 : i32
    %dma_wait3A_449 = arith.constant 0 : i32
    %dma_wait3A_450 = tpu.memref_slice %arg31[%dma_wait3A_448, %dma_wait3A_449] : memref<10000x128xf32, #tpu.memory_space<vmem_shared>> -> memref<10000x128xf32, #tpu.memory_space<vmem_shared>>
    tpu.wait_indirect_dma semaphore(%arg36 : memref<!tpu.dma_semaphore, #tpu.memory_space<semaphore_mem>>) src(%arg29 : memref<80x128xf32, #tpu.memory_space<vmem>>) dst(%dma_wait3A_450 : memref<10000x128xf32, #tpu.memory_space<vmem_shared>>)
    %dma_start3A_451 = arith.constant 0 : i32
    %dma_start3A_452 = tpu.memref_slice %arg3[%dma_start3A_451] : memref<10000xf32, #tpu.memory_space<hbm>> -> memref<10000xf32, #tpu.memory_space<hbm>>
    tpu.enqueue_indirect_dma source(%dma_start3A_452 : memref<10000xf32, #tpu.memory_space<hbm>>) target(%arg16 : memref<80xf32, #tpu.memory_space<vmem>>) offsets(%arg10 : memref<80xi32, #tpu.memory_space<vmem>>) semaphore(%arg34 : memref<!tpu.dma_semaphore, #tpu.memory_space<semaphore_mem>>)
    %dma_start3A_453 = arith.constant 0 : i32
    %dma_start3A_454 = tpu.memref_slice %arg4[%dma_start3A_453] : memref<10000xf32, #tpu.memory_space<hbm>> -> memref<10000xf32, #tpu.memory_space<hbm>>
    tpu.enqueue_indirect_dma source(%dma_start3A_454 : memref<10000xf32, #tpu.memory_space<hbm>>) target(%arg17 : memref<80xf32, #tpu.memory_space<vmem>>) offsets(%arg10 : memref<80xi32, #tpu.memory_space<vmem>>) semaphore(%arg34 : memref<!tpu.dma_semaphore, #tpu.memory_space<semaphore_mem>>)
    %dma_start3A_455 = arith.constant 0 : i32
    %dma_start3A_456 = tpu.memref_slice %arg5[%dma_start3A_455] : memref<10000xf32, #tpu.memory_space<hbm>> -> memref<10000xf32, #tpu.memory_space<hbm>>
    tpu.enqueue_indirect_dma source(%dma_start3A_456 : memref<10000xf32, #tpu.memory_space<hbm>>) target(%arg18 : memref<80xf32, #tpu.memory_space<vmem>>) offsets(%arg10 : memref<80xi32, #tpu.memory_space<vmem>>) semaphore(%arg34 : memref<!tpu.dma_semaphore, #tpu.memory_space<semaphore_mem>>)
    %dma_start3A_457 = arith.constant 0 : i32
    %dma_start3A_458 = tpu.memref_slice %arg3[%dma_start3A_457] : memref<10000xf32, #tpu.memory_space<hbm>> -> memref<10000xf32, #tpu.memory_space<hbm>>
    tpu.enqueue_indirect_dma source(%dma_start3A_458 : memref<10000xf32, #tpu.memory_space<hbm>>) target(%arg19 : memref<80xf32, #tpu.memory_space<vmem>>) offsets(%arg12 : memref<80xi32, #tpu.memory_space<vmem>>) semaphore(%arg34 : memref<!tpu.dma_semaphore, #tpu.memory_space<semaphore_mem>>)
    %dma_start3A_459 = arith.constant 0 : i32
    %dma_start3A_460 = tpu.memref_slice %arg4[%dma_start3A_459] : memref<10000xf32, #tpu.memory_space<hbm>> -> memref<10000xf32, #tpu.memory_space<hbm>>
    tpu.enqueue_indirect_dma source(%dma_start3A_460 : memref<10000xf32, #tpu.memory_space<hbm>>) target(%arg20 : memref<80xf32, #tpu.memory_space<vmem>>) offsets(%arg12 : memref<80xi32, #tpu.memory_space<vmem>>) semaphore(%arg34 : memref<!tpu.dma_semaphore, #tpu.memory_space<semaphore_mem>>)
    %dma_start3A_461 = arith.constant 0 : i32
    %dma_start3A_462 = tpu.memref_slice %arg5[%dma_start3A_461] : memref<10000xf32, #tpu.memory_space<hbm>> -> memref<10000xf32, #tpu.memory_space<hbm>>
    tpu.enqueue_indirect_dma source(%dma_start3A_462 : memref<10000xf32, #tpu.memory_space<hbm>>) target(%arg21 : memref<80xf32, #tpu.memory_space<vmem>>) offsets(%arg12 : memref<80xi32, #tpu.memory_space<vmem>>) semaphore(%arg34 : memref<!tpu.dma_semaphore, #tpu.memory_space<semaphore_mem>>)
    %dma_start3A_463 = arith.constant 0 : i32
    %dma_start3A_464 = arith.constant 0 : i32
    %dma_start3A_465 = tpu.memref_slice %arg2[%dma_start3A_463, %dma_start3A_464] : memref<10000x128xf32, #tpu.memory_space<hbm>> -> memref<10000x128xf32, #tpu.memory_space<hbm>>
    tpu.enqueue_indirect_dma source(%dma_start3A_465 : memref<10000x128xf32, #tpu.memory_space<hbm>>) target(%arg29 : memref<80x128xf32, #tpu.memory_space<vmem>>) offsets(%arg10 : memref<80xi32, #tpu.memory_space<vmem>>) semaphore(%arg34 : memref<!tpu.dma_semaphore, #tpu.memory_space<semaphore_mem>>)
    %dma_start3A_466 = arith.constant 0 : i32
    %dma_start3A_467 = arith.constant 0 : i32
    %dma_start3A_468 = tpu.memref_slice %arg31[%dma_start3A_466, %dma_start3A_467] : memref<10000x128xf32, #tpu.memory_space<vmem_shared>> -> memref<10000x128xf32, #tpu.memory_space<vmem_shared>>
    tpu.enqueue_indirect_dma source(%arg30 : memref<80x128xf32, #tpu.memory_space<vmem>>) target(%dma_start3A_468 : memref<10000x128xf32, #tpu.memory_space<vmem_shared>>) offsets(%arg15 : memref<80xi32, #tpu.memory_space<vmem>>) semaphore(%arg37 : memref<!tpu.dma_semaphore, #tpu.memory_space<semaphore_mem>>) {add = true}
    %scan3A_469 = arith.constant 0 : i32
    %scan3A_470 = arith.constant 1 : i32
    %scan3A_471 = arith.constant 61 : i32
    %scan3A_472 = arith.addi %scan3A_470, %scan3A_471 : i32
    %scan3A_473 = arith.constant 1 : i32
    scf.for %scan3A_537 = %scan3A_470 to %scan3A_472 step %scan3A_473  : i32 {
      %mul3A_538 = arith.constant 2 : i32
      %mul3A_539 = arith.muli %mul3A_538, %scan3A_537 : i32
      %dma_wait3A_540 = arith.constant 0 : i32
      %dma_wait3A_541 = tpu.memref_slice %arg3[%dma_wait3A_540] : memref<10000xf32, #tpu.memory_space<hbm>> -> memref<10000xf32, #tpu.memory_space<hbm>>
      tpu.wait_indirect_dma semaphore(%arg34 : memref<!tpu.dma_semaphore, #tpu.memory_space<semaphore_mem>>) src(%dma_wait3A_541 : memref<10000xf32, #tpu.memory_space<hbm>>) dst(%arg16 : memref<80xf32, #tpu.memory_space<vmem>>)
      %dma_wait3A_542 = arith.constant 0 : i32
      %dma_wait3A_543 = tpu.memref_slice %arg3[%dma_wait3A_542] : memref<10000xf32, #tpu.memory_space<hbm>> -> memref<10000xf32, #tpu.memory_space<hbm>>
      tpu.wait_indirect_dma semaphore(%arg34 : memref<!tpu.dma_semaphore, #tpu.memory_space<semaphore_mem>>) src(%dma_wait3A_543 : memref<10000xf32, #tpu.memory_space<hbm>>) dst(%arg17 : memref<80xf32, #tpu.memory_space<vmem>>)
      %dma_wait3A_544 = arith.constant 0 : i32
      %dma_wait3A_545 = tpu.memref_slice %arg3[%dma_wait3A_544] : memref<10000xf32, #tpu.memory_space<hbm>> -> memref<10000xf32, #tpu.memory_space<hbm>>
      tpu.wait_indirect_dma semaphore(%arg34 : memref<!tpu.dma_semaphore, #tpu.memory_space<semaphore_mem>>) src(%dma_wait3A_545 : memref<10000xf32, #tpu.memory_space<hbm>>) dst(%arg18 : memref<80xf32, #tpu.memory_space<vmem>>)
      %dma_wait3A_546 = arith.constant 0 : i32
      %dma_wait3A_547 = tpu.memref_slice %arg3[%dma_wait3A_546] : memref<10000xf32, #tpu.memory_space<hbm>> -> memref<10000xf32, #tpu.memory_space<hbm>>
      tpu.wait_indirect_dma semaphore(%arg34 : memref<!tpu.dma_semaphore, #tpu.memory_space<semaphore_mem>>) src(%dma_wait3A_547 : memref<10000xf32, #tpu.memory_space<hbm>>) dst(%arg19 : memref<80xf32, #tpu.memory_space<vmem>>)
      %dma_wait3A_548 = arith.constant 0 : i32
      %dma_wait3A_549 = tpu.memref_slice %arg3[%dma_wait3A_548] : memref<10000xf32, #tpu.memory_space<hbm>> -> memref<10000xf32, #tpu.memory_space<hbm>>
      tpu.wait_indirect_dma semaphore(%arg34 : memref<!tpu.dma_semaphore, #tpu.memory_space<semaphore_mem>>) src(%dma_wait3A_549 : memref<10000xf32, #tpu.memory_space<hbm>>) dst(%arg20 : memref<80xf32, #tpu.memory_space<vmem>>)
      %dma_wait3A_550 = arith.constant 0 : i32
      %dma_wait3A_551 = tpu.memref_slice %arg3[%dma_wait3A_550] : memref<10000xf32, #tpu.memory_space<hbm>> -> memref<10000xf32, #tpu.memory_space<hbm>>
      tpu.wait_indirect_dma semaphore(%arg34 : memref<!tpu.dma_semaphore, #tpu.memory_space<semaphore_mem>>) src(%dma_wait3A_551 : memref<10000xf32, #tpu.memory_space<hbm>>) dst(%arg21 : memref<80xf32, #tpu.memory_space<vmem>>)
      %dma_wait3A_552 = arith.constant 0 : i32
      %dma_wait3A_553 = arith.constant 0 : i32
      %dma_wait3A_554 = tpu.memref_slice %arg2[%dma_wait3A_552, %dma_wait3A_553] : memref<10000x128xf32, #tpu.memory_space<hbm>> -> memref<10000x128xf32, #tpu.memory_space<hbm>>
      tpu.wait_indirect_dma semaphore(%arg34 : memref<!tpu.dma_semaphore, #tpu.memory_space<semaphore_mem>>) src(%dma_wait3A_554 : memref<10000x128xf32, #tpu.memory_space<hbm>>) dst(%arg29 : memref<80x128xf32, #tpu.memory_space<vmem>>)
      %scan3A_555 = arith.constant 0 : i32
      %scan3A_556 = arith.constant 0 : i32
      %scan3A_557 = arith.constant 5 : i32
      %scan3A_558 = arith.addi %scan3A_556, %scan3A_557 : i32
      %scan3A_559 = arith.constant 1 : i32
      scf.for %scan3A_680 = %scan3A_556 to %scan3A_558 step %scan3A_559  : i32 {
        %mul3A_681 = arith.constant 16 : i32
        %mul3A_682 = arith.muli %scan3A_680, %mul3A_681 : i32
        %get3A = arith.index_cast %mul3A_682 : i32 to index
        %get3A_683 = tpu.vector_load %arg12[%get3A] {strides = array<i32>} : memref<80xi32, #tpu.memory_space<vmem>>, vector<16xi32>,
        %get3A_684 = vector.shape_cast %get3A_683 : vector<16xi32> to vector<16xi32>
        %swap3A = arith.index_cast %mul3A_682 : i32 to index
        %swap3A_685 = tpu.vector_load %arg14[%swap3A] {strides = array<i32>} : memref<80xi32, #tpu.memory_space<vmem>>, vector<16xi32>,
        %swap3A_686 = vector.shape_cast %swap3A_685 : vector<16xi32> to vector<16xi32>
        %swap3A_687 = vector.shape_cast %get3A_684 : vector<16xi32> to vector<16xi32>
        tpu.vector_store %arg14[%swap3A], %swap3A_687 {strides = array<i32>} : memref<80xi32, #tpu.memory_space<vmem>>, vector<16xi32>,
      }
      %scan3A_560 = arith.constant 5 : i32
      %add3A_561 = arith.constant 2 : i32
      %add3A_562 = arith.addi %mul3A_539, %add3A_561 : i32
      %dma_start3A_563 = arith.constant 0 : i32
      %dma_start3A_564 = tpu.memref_slice %arg6[%arg1, %add3A_562, %dma_start3A_563] : memref<16x126x80xi32, #tpu.memory_space<hbm>> -> memref<1x1x80xi32, #tpu.memory_space<hbm>>
      %dma_start3A_565 = tpu.memref_squeeze %dma_start3A_564 : memref<1x1x80xi32, #tpu.memory_space<hbm>> -> memref<80xi32, #tpu.memory_space<hbm>>
      %dma_start3A_566 = arith.constant 0 : i32
      %dma_start3A_567 = tpu.memref_slice %arg6[%arg1, %add3A_562, %dma_start3A_566] : memref<16x126x80xi32, #tpu.memory_space<hbm>> -> memref<1x1x80xi32, #tpu.memory_space<hbm>>
      %dma_start3A_568 = tpu.memref_squeeze %dma_start3A_567 : memref<1x1x80xi32, #tpu.memory_space<hbm>> -> memref<80xi32, #tpu.memory_space<hbm>>
      tpu.enqueue_dma source(%dma_start3A_568 : memref<80xi32, #tpu.memory_space<hbm>>) target(%arg10 : memref<80xi32, #tpu.memory_space<vmem>>) target_semaphore(%arg32 : memref<!tpu.dma_semaphore, #tpu.memory_space<semaphore_mem>>)
      %dma_start3A_569 = arith.constant 0 : i32
      %dma_start3A_570 = tpu.memref_slice %arg7[%arg1, %add3A_562, %dma_start3A_569] : memref<16x126x80xi32, #tpu.memory_space<hbm>> -> memref<1x1x80xi32, #tpu.memory_space<hbm>>
      %dma_start3A_571 = tpu.memref_squeeze %dma_start3A_570 : memref<1x1x80xi32, #tpu.memory_space<hbm>> -> memref<80xi32, #tpu.memory_space<hbm>>
      %dma_start3A_572 = arith.constant 0 : i32
      %dma_start3A_573 = tpu.memref_slice %arg7[%arg1, %add3A_562, %dma_start3A_572] : memref<16x126x80xi32, #tpu.memory_space<hbm>> -> memref<1x1x80xi32, #tpu.memory_space<hbm>>
      %dma_start3A_574 = tpu.memref_squeeze %dma_start3A_573 : memref<1x1x80xi32, #tpu.memory_space<hbm>> -> memref<80xi32, #tpu.memory_space<hbm>>
      tpu.enqueue_dma source(%dma_start3A_574 : memref<80xi32, #tpu.memory_space<hbm>>) target(%arg12 : memref<80xi32, #tpu.memory_space<vmem>>) target_semaphore(%arg32 : memref<!tpu.dma_semaphore, #tpu.memory_space<semaphore_mem>>)
      %dma_wait3A_575 = arith.constant 0 : i32
      %dma_wait3A_576 = arith.constant 0 : i32
      %dma_wait3A_577 = tpu.memref_slice %arg6[%arg1, %dma_wait3A_575, %dma_wait3A_576] : memref<16x126x80xi32, #tpu.memory_space<hbm>> -> memref<1x1x80xi32, #tpu.memory_space<hbm>>
      %dma_wait3A_578 = tpu.memref_squeeze %dma_wait3A_577 : memref<1x1x80xi32, #tpu.memory_space<hbm>> -> memref<80xi32, #tpu.memory_space<hbm>>
      %dma_wait3A_579 = arith.constant 0 : i32
      %dma_wait3A_580 = tpu.memref_slice %arg6[%arg1, %dma_wait3A_575, %dma_wait3A_579] : memref<16x126x80xi32, #tpu.memory_space<hbm>> -> memref<1x1x80xi32, #tpu.memory_space<hbm>>
      %dma_wait3A_581 = tpu.memref_squeeze %dma_wait3A_580 : memref<1x1x80xi32, #tpu.memory_space<hbm>> -> memref<80xi32, #tpu.memory_space<hbm>>
      tpu.wait_dma2 semaphore(%arg33 : memref<!tpu.dma_semaphore, #tpu.memory_space<semaphore_mem>>) src(%dma_wait3A_581 : memref<80xi32, #tpu.memory_space<hbm>>) dst(%arg11 : memref<80xi32, #tpu.memory_space<vmem>>)
      %dma_wait3A_582 = arith.constant 0 : i32
      %dma_wait3A_583 = arith.constant 0 : i32
      %dma_wait3A_584 = tpu.memref_slice %arg7[%arg1, %dma_wait3A_582, %dma_wait3A_583] : memref<16x126x80xi32, #tpu.memory_space<hbm>> -> memref<1x1x80xi32, #tpu.memory_space<hbm>>
      %dma_wait3A_585 = tpu.memref_squeeze %dma_wait3A_584 : memref<1x1x80xi32, #tpu.memory_space<hbm>> -> memref<80xi32, #tpu.memory_space<hbm>>
      %dma_wait3A_586 = arith.constant 0 : i32
      %dma_wait3A_587 = tpu.memref_slice %arg7[%arg1, %dma_wait3A_582, %dma_wait3A_586] : memref<16x126x80xi32, #tpu.memory_space<hbm>> -> memref<1x1x80xi32, #tpu.memory_space<hbm>>
      %dma_wait3A_588 = tpu.memref_squeeze %dma_wait3A_587 : memref<1x1x80xi32, #tpu.memory_space<hbm>> -> memref<80xi32, #tpu.memory_space<hbm>>
      tpu.wait_dma2 semaphore(%arg33 : memref<!tpu.dma_semaphore, #tpu.memory_space<semaphore_mem>>) src(%dma_wait3A_588 : memref<80xi32, #tpu.memory_space<hbm>>) dst(%arg13 : memref<80xi32, #tpu.memory_space<vmem>>)
      %dma_wait3A_589 = arith.constant 0 : i32
      %dma_wait3A_590 = arith.constant 0 : i32
      %dma_wait3A_591 = tpu.memref_slice %arg31[%dma_wait3A_589, %dma_wait3A_590] : memref<10000x128xf32, #tpu.memory_space<vmem_shared>> -> memref<10000x128xf32, #tpu.memory_space<vmem_shared>>
      tpu.wait_indirect_dma semaphore(%arg37 : memref<!tpu.dma_semaphore, #tpu.memory_space<semaphore_mem>>) src(%arg30 : memref<80x128xf32, #tpu.memory_space<vmem>>) dst(%dma_wait3A_591 : memref<10000x128xf32, #tpu.memory_space<vmem_shared>>)
      %dma_start3A_592 = arith.constant 0 : i32
      %dma_start3A_593 = tpu.memref_slice %arg3[%dma_start3A_592] : memref<10000xf32, #tpu.memory_space<hbm>> -> memref<10000xf32, #tpu.memory_space<hbm>>
      tpu.enqueue_indirect_dma source(%dma_start3A_593 : memref<10000xf32, #tpu.memory_space<hbm>>) target(%arg22 : memref<80xf32, #tpu.memory_space<vmem>>) offsets(%arg11 : memref<80xi32, #tpu.memory_space<vmem>>) semaphore(%arg35 : memref<!tpu.dma_semaphore, #tpu.memory_space<semaphore_mem>>)
      %dma_start3A_594 = arith.constant 0 : i32
      %dma_start3A_595 = tpu.memref_slice %arg4[%dma_start3A_594] : memref<10000xf32, #tpu.memory_space<hbm>> -> memref<10000xf32, #tpu.memory_space<hbm>>
      tpu.enqueue_indirect_dma source(%dma_start3A_595 : memref<10000xf32, #tpu.memory_space<hbm>>) target(%arg23 : memref<80xf32, #tpu.memory_space<vmem>>) offsets(%arg11 : memref<80xi32, #tpu.memory_space<vmem>>) semaphore(%arg35 : memref<!tpu.dma_semaphore, #tpu.memory_space<semaphore_mem>>)
      %dma_start3A_596 = arith.constant 0 : i32
      %dma_start3A_597 = tpu.memref_slice %arg5[%dma_start3A_596] : memref<10000xf32, #tpu.memory_space<hbm>> -> memref<10000xf32, #tpu.memory_space<hbm>>
      tpu.enqueue_indirect_dma source(%dma_start3A_597 : memref<10000xf32, #tpu.memory_space<hbm>>) target(%arg24 : memref<80xf32, #tpu.memory_space<vmem>>) offsets(%arg11 : memref<80xi32, #tpu.memory_space<vmem>>) semaphore(%arg35 : memref<!tpu.dma_semaphore, #tpu.memory_space<semaphore_mem>>)
      %dma_start3A_598 = arith.constant 0 : i32
      %dma_start3A_599 = tpu.memref_slice %arg3[%dma_start3A_598] : memref<10000xf32, #tpu.memory_space<hbm>> -> memref<10000xf32, #tpu.memory_space<hbm>>
      tpu.enqueue_indirect_dma source(%dma_start3A_599 : memref<10000xf32, #tpu.memory_space<hbm>>) target(%arg25 : memref<80xf32, #tpu.memory_space<vmem>>) offsets(%arg13 : memref<80xi32, #tpu.memory_space<vmem>>) semaphore(%arg35 : memref<!tpu.dma_semaphore, #tpu.memory_space<semaphore_mem>>)
      %dma_start3A_600 = arith.constant 0 : i32
      %dma_start3A_601 = tpu.memref_slice %arg4[%dma_start3A_600] : memref<10000xf32, #tpu.memory_space<hbm>> -> memref<10000xf32, #tpu.memory_space<hbm>>
      tpu.enqueue_indirect_dma source(%dma_start3A_601 : memref<10000xf32, #tpu.memory_space<hbm>>) target(%arg26 : memref<80xf32, #tpu.memory_space<vmem>>) offsets(%arg13 : memref<80xi32, #tpu.memory_space<vmem>>) semaphore(%arg35 : memref<!tpu.dma_semaphore, #tpu.memory_space<semaphore_mem>>)
      %dma_start3A_602 = arith.constant 0 : i32
      %dma_start3A_603 = tpu.memref_slice %arg5[%dma_start3A_602] : memref<10000xf32, #tpu.memory_space<hbm>> -> memref<10000xf32, #tpu.memory_space<hbm>>
      tpu.enqueue_indirect_dma source(%dma_start3A_603 : memref<10000xf32, #tpu.memory_space<hbm>>) target(%arg27 : memref<80xf32, #tpu.memory_space<vmem>>) offsets(%arg13 : memref<80xi32, #tpu.memory_space<vmem>>) semaphore(%arg35 : memref<!tpu.dma_semaphore, #tpu.memory_space<semaphore_mem>>)
      %dma_start3A_604 = arith.constant 0 : i32
      %dma_start3A_605 = arith.constant 0 : i32
      %dma_start3A_606 = tpu.memref_slice %arg2[%dma_start3A_604, %dma_start3A_605] : memref<10000x128xf32, #tpu.memory_space<hbm>> -> memref<10000x128xf32, #tpu.memory_space<hbm>>
      tpu.enqueue_indirect_dma source(%dma_start3A_606 : memref<10000x128xf32, #tpu.memory_space<hbm>>) target(%arg30 : memref<80x128xf32, #tpu.memory_space<vmem>>) offsets(%arg11 : memref<80xi32, #tpu.memory_space<vmem>>) semaphore(%arg35 : memref<!tpu.dma_semaphore, #tpu.memory_space<semaphore_mem>>)
      %dma_start3A_607 = arith.constant 0 : i32
      %dma_start3A_608 = arith.constant 0 : i32
      %dma_start3A_609 = tpu.memref_slice %arg31[%dma_start3A_607, %dma_start3A_608] : memref<10000x128xf32, #tpu.memory_space<vmem_shared>> -> memref<10000x128xf32, #tpu.memory_space<vmem_shared>>
      tpu.enqueue_indirect_dma source(%arg29 : memref<80x128xf32, #tpu.memory_space<vmem>>) target(%dma_start3A_609 : memref<10000x128xf32, #tpu.memory_space<vmem_shared>>) offsets(%arg14 : memref<80xi32, #tpu.memory_space<vmem>>) semaphore(%arg36 : memref<!tpu.dma_semaphore, #tpu.memory_space<semaphore_mem>>) {add = true}
      %dma_wait3A_610 = arith.constant 0 : i32
      %dma_wait3A_611 = tpu.memref_slice %arg3[%dma_wait3A_610] : memref<10000xf32, #tpu.memory_space<hbm>> -> memref<10000xf32, #tpu.memory_space<hbm>>
      tpu.wait_indirect_dma semaphore(%arg35 : memref<!tpu.dma_semaphore, #tpu.memory_space<semaphore_mem>>) src(%dma_wait3A_611 : memref<10000xf32, #tpu.memory_space<hbm>>) dst(%arg22 : memref<80xf32, #tpu.memory_space<vmem>>)
      %dma_wait3A_612 = arith.constant 0 : i32
      %dma_wait3A_613 = tpu.memref_slice %arg3[%dma_wait3A_612] : memref<10000xf32, #tpu.memory_space<hbm>> -> memref<10000xf32, #tpu.memory_space<hbm>>
      tpu.wait_indirect_dma semaphore(%arg35 : memref<!tpu.dma_semaphore, #tpu.memory_space<semaphore_mem>>) src(%dma_wait3A_613 : memref<10000xf32, #tpu.memory_space<hbm>>) dst(%arg23 : memref<80xf32, #tpu.memory_space<vmem>>)
      %dma_wait3A_614 = arith.constant 0 : i32
      %dma_wait3A_615 = tpu.memref_slice %arg3[%dma_wait3A_614] : memref<10000xf32, #tpu.memory_space<hbm>> -> memref<10000xf32, #tpu.memory_space<hbm>>
      tpu.wait_indirect_dma semaphore(%arg35 : memref<!tpu.dma_semaphore, #tpu.memory_space<semaphore_mem>>) src(%dma_wait3A_615 : memref<10000xf32, #tpu.memory_space<hbm>>) dst(%arg24 : memref<80xf32, #tpu.memory_space<vmem>>)
      %dma_wait3A_616 = arith.constant 0 : i32
      %dma_wait3A_617 = tpu.memref_slice %arg3[%dma_wait3A_616] : memref<10000xf32, #tpu.memory_space<hbm>> -> memref<10000xf32, #tpu.memory_space<hbm>>
      tpu.wait_indirect_dma semaphore(%arg35 : memref<!tpu.dma_semaphore, #tpu.memory_space<semaphore_mem>>) src(%dma_wait3A_617 : memref<10000xf32, #tpu.memory_space<hbm>>) dst(%arg25 : memref<80xf32, #tpu.memory_space<vmem>>)
      %dma_wait3A_618 = arith.constant 0 : i32
      %dma_wait3A_619 = tpu.memref_slice %arg3[%dma_wait3A_618] : memref<10000xf32, #tpu.memory_space<hbm>> -> memref<10000xf32, #tpu.memory_space<hbm>>
      tpu.wait_indirect_dma semaphore(%arg35 : memref<!tpu.dma_semaphore, #tpu.memory_space<semaphore_mem>>) src(%dma_wait3A_619 : memref<10000xf32, #tpu.memory_space<hbm>>) dst(%arg26 : memref<80xf32, #tpu.memory_space<vmem>>)
      %dma_wait3A_620 = arith.constant 0 : i32
      %dma_wait3A_621 = tpu.memref_slice %arg3[%dma_wait3A_620] : memref<10000xf32, #tpu.memory_space<hbm>> -> memref<10000xf32, #tpu.memory_space<hbm>>
      tpu.wait_indirect_dma semaphore(%arg35 : memref<!tpu.dma_semaphore, #tpu.memory_space<semaphore_mem>>) src(%dma_wait3A_621 : memref<10000xf32, #tpu.memory_space<hbm>>) dst(%arg27 : memref<80xf32, #tpu.memory_space<vmem>>)
      %dma_wait3A_622 = arith.constant 0 : i32
      %dma_wait3A_623 = arith.constant 0 : i32
      %dma_wait3A_624 = tpu.memref_slice %arg2[%dma_wait3A_622, %dma_wait3A_623] : memref<10000x128xf32, #tpu.memory_space<hbm>> -> memref<10000x128xf32, #tpu.memory_space<hbm>>
      tpu.wait_indirect_dma semaphore(%arg35 : memref<!tpu.dma_semaphore, #tpu.memory_space<semaphore_mem>>) src(%dma_wait3A_624 : memref<10000x128xf32, #tpu.memory_space<hbm>>) dst(%arg30 : memref<80x128xf32, #tpu.memory_space<vmem>>)
      %scan3A_625 = arith.constant 0 : i32
      %scan3A_626 = arith.constant 0 : i32
      %scan3A_627 = arith.constant 5 : i32
      %scan3A_628 = arith.addi %scan3A_626, %scan3A_627 : i32
      %scan3A_629 = arith.constant 1 : i32
      scf.for %scan3A_680 = %scan3A_626 to %scan3A_628 step %scan3A_629  : i32 {
        %mul3A_681 = arith.constant 16 : i32
        %mul3A_682 = arith.muli %scan3A_680, %mul3A_681 : i32
        %get3A = arith.index_cast %mul3A_682 : i32 to index
        %get3A_683 = tpu.vector_load %arg13[%get3A] {strides = array<i32>} : memref<80xi32, #tpu.memory_space<vmem>>, vector<16xi32>,
        %get3A_684 = vector.shape_cast %get3A_683 : vector<16xi32> to vector<16xi32>
        %swap3A = arith.index_cast %mul3A_682 : i32 to index
        %swap3A_685 = tpu.vector_load %arg15[%swap3A] {strides = array<i32>} : memref<80xi32, #tpu.memory_space<vmem>>, vector<16xi32>,
        %swap3A_686 = vector.shape_cast %swap3A_685 : vector<16xi32> to vector<16xi32>
        %swap3A_687 = vector.shape_cast %get3A_684 : vector<16xi32> to vector<16xi32>
        tpu.vector_store %arg15[%swap3A], %swap3A_687 {strides = array<i32>} : memref<80xi32, #tpu.memory_space<vmem>>, vector<16xi32>,
      }
      %scan3A_630 = arith.constant 5 : i32
      %add3A_631 = arith.constant 3 : i32
      %add3A_632 = arith.addi %mul3A_539, %add3A_631 : i32
      %dma_start3A_633 = arith.constant 0 : i32
      %dma_start3A_634 = tpu.memref_slice %arg6[%arg1, %add3A_632, %dma_start3A_633] : memref<16x126x80xi32, #tpu.memory_space<hbm>> -> memref<1x1x80xi32, #tpu.memory_space<hbm>>
      %dma_start3A_635 = tpu.memref_squeeze %dma_start3A_634 : memref<1x1x80xi32, #tpu.memory_space<hbm>> -> memref<80xi32, #tpu.memory_space<hbm>>
      %dma_start3A_636 = arith.constant 0 : i32
      %dma_start3A_637 = tpu.memref_slice %arg6[%arg1, %add3A_632, %dma_start3A_636] : memref<16x126x80xi32, #tpu.memory_space<hbm>> -> memref<1x1x80xi32, #tpu.memory_space<hbm>>
      %dma_start3A_638 = tpu.memref_squeeze %dma_start3A_637 : memref<1x1x80xi32, #tpu.memory_space<hbm>> -> memref<80xi32, #tpu.memory_space<hbm>>
      tpu.enqueue_dma source(%dma_start3A_638 : memref<80xi32, #tpu.memory_space<hbm>>) target(%arg11 : memref<80xi32, #tpu.memory_space<vmem>>) target_semaphore(%arg33 : memref<!tpu.dma_semaphore, #tpu.memory_space<semaphore_mem>>)
      %dma_start3A_639 = arith.constant 0 : i32
      %dma_start3A_640 = tpu.memref_slice %arg7[%arg1, %add3A_632, %dma_start3A_639] : memref<16x126x80xi32, #tpu.memory_space<hbm>> -> memref<1x1x80xi32, #tpu.memory_space<hbm>>
      %dma_start3A_641 = tpu.memref_squeeze %dma_start3A_640 : memref<1x1x80xi32, #tpu.memory_space<hbm>> -> memref<80xi32, #tpu.memory_space<hbm>>
      %dma_start3A_642 = arith.constant 0 : i32
      %dma_start3A_643 = tpu.memref_slice %arg7[%arg1, %add3A_632, %dma_start3A_642] : memref<16x126x80xi32, #tpu.memory_space<hbm>> -> memref<1x1x80xi32, #tpu.memory_space<hbm>>
      %dma_start3A_644 = tpu.memref_squeeze %dma_start3A_643 : memref<1x1x80xi32, #tpu.memory_space<hbm>> -> memref<80xi32, #tpu.memory_space<hbm>>
      tpu.enqueue_dma source(%dma_start3A_644 : memref<80xi32, #tpu.memory_space<hbm>>) target(%arg13 : memref<80xi32, #tpu.memory_space<vmem>>) target_semaphore(%arg33 : memref<!tpu.dma_semaphore, #tpu.memory_space<semaphore_mem>>)
      %dma_wait3A_645 = arith.constant 0 : i32
      %dma_wait3A_646 = arith.constant 0 : i32
      %dma_wait3A_647 = tpu.memref_slice %arg6[%arg1, %dma_wait3A_645, %dma_wait3A_646] : memref<16x126x80xi32, #tpu.memory_space<hbm>> -> memref<1x1x80xi32, #tpu.memory_space<hbm>>
      %dma_wait3A_648 = tpu.memref_squeeze %dma_wait3A_647 : memref<1x1x80xi32, #tpu.memory_space<hbm>> -> memref<80xi32, #tpu.memory_space<hbm>>
      %dma_wait3A_649 = arith.constant 0 : i32
      %dma_wait3A_650 = tpu.memref_slice %arg6[%arg1, %dma_wait3A_645, %dma_wait3A_649] : memref<16x126x80xi32, #tpu.memory_space<hbm>> -> memref<1x1x80xi32, #tpu.memory_space<hbm>>
      %dma_wait3A_651 = tpu.memref_squeeze %dma_wait3A_650 : memref<1x1x80xi32, #tpu.memory_space<hbm>> -> memref<80xi32, #tpu.memory_space<hbm>>
      tpu.wait_dma2 semaphore(%arg32 : memref<!tpu.dma_semaphore, #tpu.memory_space<semaphore_mem>>) src(%dma_wait3A_651 : memref<80xi32, #tpu.memory_space<hbm>>) dst(%arg10 : memref<80xi32, #tpu.memory_space<vmem>>)
      %dma_wait3A_652 = arith.constant 0 : i32
      %dma_wait3A_653 = arith.constant 0 : i32
      %dma_wait3A_654 = tpu.memref_slice %arg7[%arg1, %dma_wait3A_652, %dma_wait3A_653] : memref<16x126x80xi32, #tpu.memory_space<hbm>> -> memref<1x1x80xi32, #tpu.memory_space<hbm>>
      %dma_wait3A_655 = tpu.memref_squeeze %dma_wait3A_654 : memref<1x1x80xi32, #tpu.memory_space<hbm>> -> memref<80xi32, #tpu.memory_space<hbm>>
      %dma_wait3A_656 = arith.constant 0 : i32
      %dma_wait3A_657 = tpu.memref_slice %arg7[%arg1, %dma_wait3A_652, %dma_wait3A_656] : memref<16x126x80xi32, #tpu.memory_space<hbm>> -> memref<1x1x80xi32, #tpu.memory_space<hbm>>
      %dma_wait3A_658 = tpu.memref_squeeze %dma_wait3A_657 : memref<1x1x80xi32, #tpu.memory_space<hbm>> -> memref<80xi32, #tpu.memory_space<hbm>>
      tpu.wait_dma2 semaphore(%arg32 : memref<!tpu.dma_semaphore, #tpu.memory_space<semaphore_mem>>) src(%dma_wait3A_658 : memref<80xi32, #tpu.memory_space<hbm>>) dst(%arg12 : memref<80xi32, #tpu.memory_space<vmem>>)
      %dma_wait3A_659 = arith.constant 0 : i32
      %dma_wait3A_660 = arith.constant 0 : i32
      %dma_wait3A_661 = tpu.memref_slice %arg31[%dma_wait3A_659, %dma_wait3A_660] : memref<10000x128xf32, #tpu.memory_space<vmem_shared>> -> memref<10000x128xf32, #tpu.memory_space<vmem_shared>>
      tpu.wait_indirect_dma semaphore(%arg36 : memref<!tpu.dma_semaphore, #tpu.memory_space<semaphore_mem>>) src(%arg29 : memref<80x128xf32, #tpu.memory_space<vmem>>) dst(%dma_wait3A_661 : memref<10000x128xf32, #tpu.memory_space<vmem_shared>>)
      %dma_start3A_662 = arith.constant 0 : i32
      %dma_start3A_663 = tpu.memref_slice %arg3[%dma_start3A_662] : memref<10000xf32, #tpu.memory_space<hbm>> -> memref<10000xf32, #tpu.memory_space<hbm>>
      tpu.enqueue_indirect_dma source(%dma_start3A_663 : memref<10000xf32, #tpu.memory_space<hbm>>) target(%arg16 : memref<80xf32, #tpu.memory_space<vmem>>) offsets(%arg10 : memref<80xi32, #tpu.memory_space<vmem>>) semaphore(%arg34 : memref<!tpu.dma_semaphore, #tpu.memory_space<semaphore_mem>>)
      %dma_start3A_664 = arith.constant 0 : i32
      %dma_start3A_665 = tpu.memref_slice %arg4[%dma_start3A_664] : memref<10000xf32, #tpu.memory_space<hbm>> -> memref<10000xf32, #tpu.memory_space<hbm>>
      tpu.enqueue_indirect_dma source(%dma_start3A_665 : memref<10000xf32, #tpu.memory_space<hbm>>) target(%arg17 : memref<80xf32, #tpu.memory_space<vmem>>) offsets(%arg10 : memref<80xi32, #tpu.memory_space<vmem>>) semaphore(%arg34 : memref<!tpu.dma_semaphore, #tpu.memory_space<semaphore_mem>>)
      %dma_start3A_666 = arith.constant 0 : i32
      %dma_start3A_667 = tpu.memref_slice %arg5[%dma_start3A_666] : memref<10000xf32, #tpu.memory_space<hbm>> -> memref<10000xf32, #tpu.memory_space<hbm>>
      tpu.enqueue_indirect_dma source(%dma_start3A_667 : memref<10000xf32, #tpu.memory_space<hbm>>) target(%arg18 : memref<80xf32, #tpu.memory_space<vmem>>) offsets(%arg10 : memref<80xi32, #tpu.memory_space<vmem>>) semaphore(%arg34 : memref<!tpu.dma_semaphore, #tpu.memory_space<semaphore_mem>>)
      %dma_start3A_668 = arith.constant 0 : i32
      %dma_start3A_669 = tpu.memref_slice %arg3[%dma_start3A_668] : memref<10000xf32, #tpu.memory_space<hbm>> -> memref<10000xf32, #tpu.memory_space<hbm>>
      tpu.enqueue_indirect_dma source(%dma_start3A_669 : memref<10000xf32, #tpu.memory_space<hbm>>) target(%arg19 : memref<80xf32, #tpu.memory_space<vmem>>) offsets(%arg12 : memref<80xi32, #tpu.memory_space<vmem>>) semaphore(%arg34 : memref<!tpu.dma_semaphore, #tpu.memory_space<semaphore_mem>>)
      %dma_start3A_670 = arith.constant 0 : i32
      %dma_start3A_671 = tpu.memref_slice %arg4[%dma_start3A_670] : memref<10000xf32, #tpu.memory_space<hbm>> -> memref<10000xf32, #tpu.memory_space<hbm>>
      tpu.enqueue_indirect_dma source(%dma_start3A_671 : memref<10000xf32, #tpu.memory_space<hbm>>) target(%arg20 : memref<80xf32, #tpu.memory_space<vmem>>) offsets(%arg12 : memref<80xi32, #tpu.memory_space<vmem>>) semaphore(%arg34 : memref<!tpu.dma_semaphore, #tpu.memory_space<semaphore_mem>>)
      %dma_start3A_672 = arith.constant 0 : i32
      %dma_start3A_673 = tpu.memref_slice %arg5[%dma_start3A_672] : memref<10000xf32, #tpu.memory_space<hbm>> -> memref<10000xf32, #tpu.memory_space<hbm>>
      tpu.enqueue_indirect_dma source(%dma_start3A_673 : memref<10000xf32, #tpu.memory_space<hbm>>) target(%arg21 : memref<80xf32, #tpu.memory_space<vmem>>) offsets(%arg12 : memref<80xi32, #tpu.memory_space<vmem>>) semaphore(%arg34 : memref<!tpu.dma_semaphore, #tpu.memory_space<semaphore_mem>>)
      %dma_start3A_674 = arith.constant 0 : i32
      %dma_start3A_675 = arith.constant 0 : i32
      %dma_start3A_676 = tpu.memref_slice %arg2[%dma_start3A_674, %dma_start3A_675] : memref<10000x128xf32, #tpu.memory_space<hbm>> -> memref<10000x128xf32, #tpu.memory_space<hbm>>
      tpu.enqueue_indirect_dma source(%dma_start3A_676 : memref<10000x128xf32, #tpu.memory_space<hbm>>) target(%arg29 : memref<80x128xf32, #tpu.memory_space<vmem>>) offsets(%arg10 : memref<80xi32, #tpu.memory_space<vmem>>) semaphore(%arg34 : memref<!tpu.dma_semaphore, #tpu.memory_space<semaphore_mem>>)
      %dma_start3A_677 = arith.constant 0 : i32
      %dma_start3A_678 = arith.constant 0 : i32
      %dma_start3A_679 = tpu.memref_slice %arg31[%dma_start3A_677, %dma_start3A_678] : memref<10000x128xf32, #tpu.memory_space<vmem_shared>> -> memref<10000x128xf32, #tpu.memory_space<vmem_shared>>
      tpu.enqueue_indirect_dma source(%arg30 : memref<80x128xf32, #tpu.memory_space<vmem>>) target(%dma_start3A_679 : memref<10000x128xf32, #tpu.memory_space<vmem_shared>>) offsets(%arg15 : memref<80xi32, #tpu.memory_space<vmem>>) semaphore(%arg37 : memref<!tpu.dma_semaphore, #tpu.memory_space<semaphore_mem>>) {add = true}
    }
    %scan3A_474 = arith.constant 61 : i32
    %dma_wait3A_475 = arith.constant 0 : i32
    %dma_wait3A_476 = tpu.memref_slice %arg3[%dma_wait3A_475] : memref<10000xf32, #tpu.memory_space<hbm>> -> memref<10000xf32, #tpu.memory_space<hbm>>
    tpu.wait_indirect_dma semaphore(%arg34 : memref<!tpu.dma_semaphore, #tpu.memory_space<semaphore_mem>>) src(%dma_wait3A_476 : memref<10000xf32, #tpu.memory_space<hbm>>) dst(%arg16 : memref<80xf32, #tpu.memory_space<vmem>>)
    %dma_wait3A_477 = arith.constant 0 : i32
    %dma_wait3A_478 = tpu.memref_slice %arg3[%dma_wait3A_477] : memref<10000xf32, #tpu.memory_space<hbm>> -> memref<10000xf32, #tpu.memory_space<hbm>>
    tpu.wait_indirect_dma semaphore(%arg34 : memref<!tpu.dma_semaphore, #tpu.memory_space<semaphore_mem>>) src(%dma_wait3A_478 : memref<10000xf32, #tpu.memory_space<hbm>>) dst(%arg17 : memref<80xf32, #tpu.memory_space<vmem>>)
    %dma_wait3A_479 = arith.constant 0 : i32
    %dma_wait3A_480 = tpu.memref_slice %arg3[%dma_wait3A_479] : memref<10000xf32, #tpu.memory_space<hbm>> -> memref<10000xf32, #tpu.memory_space<hbm>>
    tpu.wait_indirect_dma semaphore(%arg34 : memref<!tpu.dma_semaphore, #tpu.memory_space<semaphore_mem>>) src(%dma_wait3A_480 : memref<10000xf32, #tpu.memory_space<hbm>>) dst(%arg18 : memref<80xf32, #tpu.memory_space<vmem>>)
    %dma_wait3A_481 = arith.constant 0 : i32
    %dma_wait3A_482 = tpu.memref_slice %arg3[%dma_wait3A_481] : memref<10000xf32, #tpu.memory_space<hbm>> -> memref<10000xf32, #tpu.memory_space<hbm>>
    tpu.wait_indirect_dma semaphore(%arg34 : memref<!tpu.dma_semaphore, #tpu.memory_space<semaphore_mem>>) src(%dma_wait3A_482 : memref<10000xf32, #tpu.memory_space<hbm>>) dst(%arg19 : memref<80xf32, #tpu.memory_space<vmem>>)
    %dma_wait3A_483 = arith.constant 0 : i32
    %dma_wait3A_484 = tpu.memref_slice %arg3[%dma_wait3A_483] : memref<10000xf32, #tpu.memory_space<hbm>> -> memref<10000xf32, #tpu.memory_space<hbm>>
    tpu.wait_indirect_dma semaphore(%arg34 : memref<!tpu.dma_semaphore, #tpu.memory_space<semaphore_mem>>) src(%dma_wait3A_484 : memref<10000xf32, #tpu.memory_space<hbm>>) dst(%arg20 : memref<80xf32, #tpu.memory_space<vmem>>)
    %dma_wait3A_485 = arith.constant 0 : i32
    %dma_wait3A_486 = tpu.memref_slice %arg3[%dma_wait3A_485] : memref<10000xf32, #tpu.memory_space<hbm>> -> memref<10000xf32, #tpu.memory_space<hbm>>
    tpu.wait_indirect_dma semaphore(%arg34 : memref<!tpu.dma_semaphore, #tpu.memory_space<semaphore_mem>>) src(%dma_wait3A_486 : memref<10000xf32, #tpu.memory_space<hbm>>) dst(%arg21 : memref<80xf32, #tpu.memory_space<vmem>>)
    %dma_wait3A_487 = arith.constant 0 : i32
    %dma_wait3A_488 = arith.constant 0 : i32
    %dma_wait3A_489 = tpu.memref_slice %arg2[%dma_wait3A_487, %dma_wait3A_488] : memref<10000x128xf32, #tpu.memory_space<hbm>> -> memref<10000x128xf32, #tpu.memory_space<hbm>>
    tpu.wait_indirect_dma semaphore(%arg34 : memref<!tpu.dma_semaphore, #tpu.memory_space<semaphore_mem>>) src(%dma_wait3A_489 : memref<10000x128xf32, #tpu.memory_space<hbm>>) dst(%arg29 : memref<80x128xf32, #tpu.memory_space<vmem>>)
    %scan3A_490 = arith.constant 0 : i32
    %scan3A_491 = arith.constant 0 : i32
    %scan3A_492 = arith.constant 5 : i32
    %scan3A_493 = arith.addi %scan3A_491, %scan3A_492 : i32
    %scan3A_494 = arith.constant 1 : i32
    scf.for %scan3A_537 = %scan3A_491 to %scan3A_493 step %scan3A_494  : i32 {
      %mul3A_538 = arith.constant 16 : i32
      %mul3A_539 = arith.muli %scan3A_537, %mul3A_538 : i32
      %get3A = arith.index_cast %mul3A_539 : i32 to index
      %get3A_540 = tpu.vector_load %arg12[%get3A] {strides = array<i32>} : memref<80xi32, #tpu.memory_space<vmem>>, vector<16xi32>,
      %get3A_541 = vector.shape_cast %get3A_540 : vector<16xi32> to vector<16xi32>
      %swap3A = arith.index_cast %mul3A_539 : i32 to index
      %swap3A_542 = tpu.vector_load %arg14[%swap3A] {strides = array<i32>} : memref<80xi32, #tpu.memory_space<vmem>>, vector<16xi32>,
      %swap3A_543 = vector.shape_cast %swap3A_542 : vector<16xi32> to vector<16xi32>
      %swap3A_544 = vector.shape_cast %get3A_541 : vector<16xi32> to vector<16xi32>
      tpu.vector_store %arg14[%swap3A], %swap3A_544 {strides = array<i32>} : memref<80xi32, #tpu.memory_space<vmem>>, vector<16xi32>,
    }
    %scan3A_495 = arith.constant 5 : i32
    %dma_start3A_496 = arith.constant 0 : i32
    %dma_start3A_497 = arith.constant 0 : i32
    %dma_start3A_498 = tpu.memref_slice %arg31[%dma_start3A_496, %dma_start3A_497] : memref<10000x128xf32, #tpu.memory_space<vmem_shared>> -> memref<10000x128xf32, #tpu.memory_space<vmem_shared>>
    tpu.enqueue_indirect_dma source(%arg29 : memref<80x128xf32, #tpu.memory_space<vmem>>) target(%dma_start3A_498 : memref<10000x128xf32, #tpu.memory_space<vmem_shared>>) offsets(%arg14 : memref<80xi32, #tpu.memory_space<vmem>>) semaphore(%arg36 : memref<!tpu.dma_semaphore, #tpu.memory_space<semaphore_mem>>) {add = true}
    %dma_wait3A_499 = arith.constant 0 : i32
    %dma_wait3A_500 = arith.constant 0 : i32
    %dma_wait3A_501 = tpu.memref_slice %arg31[%dma_wait3A_499, %dma_wait3A_500] : memref<10000x128xf32, #tpu.memory_space<vmem_shared>> -> memref<10000x128xf32, #tpu.memory_space<vmem_shared>>
    tpu.wait_indirect_dma semaphore(%arg37 : memref<!tpu.dma_semaphore, #tpu.memory_space<semaphore_mem>>) src(%arg30 : memref<80x128xf32, #tpu.memory_space<vmem>>) dst(%dma_wait3A_501 : memref<10000x128xf32, #tpu.memory_space<vmem_shared>>)
    %dma_wait3A_502 = arith.constant 0 : i32
    %dma_wait3A_503 = arith.constant 0 : i32
    %dma_wait3A_504 = tpu.memref_slice %arg31[%dma_wait3A_502, %dma_wait3A_503] : memref<10000x128xf32, #tpu.memory_space<vmem_shared>> -> memref<10000x128xf32, #tpu.memory_space<vmem_shared>>
    tpu.wait_indirect_dma semaphore(%arg36 : memref<!tpu.dma_semaphore, #tpu.memory_space<semaphore_mem>>) src(%arg29 : memref<80x128xf32, #tpu.memory_space<vmem>>) dst(%dma_wait3A_504 : memref<10000x128xf32, #tpu.memory_space<vmem_shared>>)
    %dma_wait3A_505 = arith.constant 0 : i32
    %dma_wait3A_506 = arith.constant 0 : i32
    %dma_wait3A_507 = tpu.memref_slice %arg6[%arg1, %dma_wait3A_505, %dma_wait3A_506] : memref<16x126x80xi32, #tpu.memory_space<hbm>> -> memref<1x1x80xi32, #tpu.memory_space<hbm>>
    %dma_wait3A_508 = tpu.memref_squeeze %dma_wait3A_507 : memref<1x1x80xi32, #tpu.memory_space<hbm>> -> memref<80xi32, #tpu.memory_space<hbm>>
    %dma_wait3A_509 = arith.constant 0 : i32
    %dma_wait3A_510 = tpu.memref_slice %arg6[%arg1, %dma_wait3A_505, %dma_wait3A_509] : memref<16x126x80xi32, #tpu.memory_space<hbm>> -> memref<1x1x80xi32, #tpu.memory_space<hbm>>
    %dma_wait3A_511 = tpu.memref_squeeze %dma_wait3A_510 : memref<1x1x80xi32, #tpu.memory_space<hbm>> -> memref<80xi32, #tpu.memory_space<hbm>>
    tpu.wait_dma2 semaphore(%arg33 : memref<!tpu.dma_semaphore, #tpu.memory_space<semaphore_mem>>) src(%dma_wait3A_511 : memref<80xi32, #tpu.memory_space<hbm>>) dst(%arg11 : memref<80xi32, #tpu.memory_space<vmem>>)
    %dma_wait3A_512 = arith.constant 0 : i32
    %dma_wait3A_513 = arith.constant 0 : i32
    %dma_wait3A_514 = tpu.memref_slice %arg7[%arg1, %dma_wait3A_512, %dma_wait3A_513] : memref<16x126x80xi32, #tpu.memory_space<hbm>> -> memref<1x1x80xi32, #tpu.memory_space<hbm>>
    %dma_wait3A_515 = tpu.memref_squeeze %dma_wait3A_514 : memref<1x1x80xi32, #tpu.memory_space<hbm>> -> memref<80xi32, #tpu.memory_space<hbm>>
    %dma_wait3A_516 = arith.constant 0 : i32
    %dma_wait3A_517 = tpu.memref_slice %arg7[%arg1, %dma_wait3A_512, %dma_wait3A_516] : memref<16x126x80xi32, #tpu.memory_space<hbm>> -> memref<1x1x80xi32, #tpu.memory_space<hbm>>
    %dma_wait3A_518 = tpu.memref_squeeze %dma_wait3A_517 : memref<1x1x80xi32, #tpu.memory_space<hbm>> -> memref<80xi32, #tpu.memory_space<hbm>>
    tpu.wait_dma2 semaphore(%arg33 : memref<!tpu.dma_semaphore, #tpu.memory_space<semaphore_mem>>) src(%dma_wait3A_518 : memref<80xi32, #tpu.memory_space<hbm>>) dst(%arg13 : memref<80xi32, #tpu.memory_space<vmem>>)
    %barrier3A_519 = arith.constant 0 : index
    tpu.barrier barrier_id(%barrier3A_519)
    %add3A_520 = arith.constant 0 : i32
    %add3A_521 = arith.addi %mul3A_0, %add3A_520 : i32
    "tpu.region"() ({
      %run_scoped3A = tpu.sem_alloc : memref<!tpu.dma_semaphore, #tpu.memory_space<semaphore_mem>>
      %dma_start3A_537 = arith.constant 0 : i32
      %dma_start3A_538 = tpu.memref_slice %arg9[%add3A_268, %add3A_521, %dma_start3A_537] : memref<4x10000x128xf32, #tpu.memory_space<hbm>> -> memref<1x104x128xf32, #tpu.memory_space<hbm>>
      %dma_start3A_539 = tpu.memref_squeeze %dma_start3A_538 : memref<1x104x128xf32, #tpu.memory_space<hbm>> -> memref<104x128xf32, #tpu.memory_space<hbm>>
      %dma_start3A_540 = arith.constant 0 : i32
      %dma_start3A_541 = tpu.memref_slice %arg31[%add3A_521, %dma_start3A_540] : memref<10000x128xf32, #tpu.memory_space<vmem_shared>> -> memref<104x128xf32, #tpu.memory_space<vmem_shared>>
      tpu.enqueue_dma source(%dma_start3A_541 : memref<104x128xf32, #tpu.memory_space<vmem_shared>>) target(%dma_start3A_539 : memref<104x128xf32, #tpu.memory_space<hbm>>) target_semaphore(%run_scoped3A : memref<!tpu.dma_semaphore, #tpu.memory_space<semaphore_mem>>)
      %dma_wait3A_542 = arith.constant 0 : i32
      %dma_wait3A_543 = tpu.memref_slice %arg9[%add3A_268, %add3A_521, %dma_wait3A_542] : memref<4x10000x128xf32, #tpu.memory_space<hbm>> -> memref<1x104x128xf32, #tpu.memory_space<hbm>>
      %dma_wait3A_544 = tpu.memref_squeeze %dma_wait3A_543 : memref<1x104x128xf32, #tpu.memory_space<hbm>> -> memref<104x128xf32, #tpu.memory_space<hbm>>
      %dma_wait3A_545 = arith.constant 0 : i32
      %dma_wait3A_546 = tpu.memref_slice %arg31[%add3A_521, %dma_wait3A_545] : memref<10000x128xf32, #tpu.memory_space<vmem_shared>> -> memref<104x128xf32, #tpu.memory_space<vmem_shared>>
      tpu.wait_dma2 semaphore(%run_scoped3A : memref<!tpu.dma_semaphore, #tpu.memory_space<semaphore_mem>>) src(%dma_wait3A_546 : memref<104x128xf32, #tpu.memory_space<vmem_shared>>) dst(%dma_wait3A_544 : memref<104x128xf32, #tpu.memory_space<hbm>>)
      tpu.yield
    }) : () -> ()
    %add3A_522 = arith.constant 104 : i32
    %add3A_523 = arith.addi %mul3A_0, %add3A_522 : i32
    "tpu.region"() ({
      %run_scoped3A = tpu.sem_alloc : memref<!tpu.dma_semaphore, #tpu.memory_space<semaphore_mem>>
      %dma_start3A_537 = arith.constant 0 : i32
      %dma_start3A_538 = tpu.memref_slice %arg9[%add3A_268, %add3A_523, %dma_start3A_537] : memref<4x10000x128xf32, #tpu.memory_space<hbm>> -> memref<1x104x128xf32, #tpu.memory_space<hbm>>
      %dma_start3A_539 = tpu.memref_squeeze %dma_start3A_538 : memref<1x104x128xf32, #tpu.memory_space<hbm>> -> memref<104x128xf32, #tpu.memory_space<hbm>>
      %dma_start3A_540 = arith.constant 0 : i32
      %dma_start3A_541 = tpu.memref_slice %arg31[%add3A_523, %dma_start3A_540] : memref<10000x128xf32, #tpu.memory_space<vmem_shared>> -> memref<104x128xf32, #tpu.memory_space<vmem_shared>>
      tpu.enqueue_dma source(%dma_start3A_541 : memref<104x128xf32, #tpu.memory_space<vmem_shared>>) target(%dma_start3A_539 : memref<104x128xf32, #tpu.memory_space<hbm>>) target_semaphore(%run_scoped3A : memref<!tpu.dma_semaphore, #tpu.memory_space<semaphore_mem>>)
      %dma_wait3A_542 = arith.constant 0 : i32
      %dma_wait3A_543 = tpu.memref_slice %arg9[%add3A_268, %add3A_523, %dma_wait3A_542] : memref<4x10000x128xf32, #tpu.memory_space<hbm>> -> memref<1x104x128xf32, #tpu.memory_space<hbm>>
      %dma_wait3A_544 = tpu.memref_squeeze %dma_wait3A_543 : memref<1x104x128xf32, #tpu.memory_space<hbm>> -> memref<104x128xf32, #tpu.memory_space<hbm>>
      %dma_wait3A_545 = arith.constant 0 : i32
      %dma_wait3A_546 = tpu.memref_slice %arg31[%add3A_523, %dma_wait3A_545] : memref<10000x128xf32, #tpu.memory_space<vmem_shared>> -> memref<104x128xf32, #tpu.memory_space<vmem_shared>>
      tpu.wait_dma2 semaphore(%run_scoped3A : memref<!tpu.dma_semaphore, #tpu.memory_space<semaphore_mem>>) src(%dma_wait3A_546 : memref<104x128xf32, #tpu.memory_space<vmem_shared>>) dst(%dma_wait3A_544 : memref<104x128xf32, #tpu.memory_space<hbm>>)
      tpu.yield
    }) : () -> ()
    %add3A_524 = arith.constant 208 : i32
    %add3A_525 = arith.addi %mul3A_0, %add3A_524 : i32
    "tpu.region"() ({
      %run_scoped3A = tpu.sem_alloc : memref<!tpu.dma_semaphore, #tpu.memory_space<semaphore_mem>>
      %dma_start3A_537 = arith.constant 0 : i32
      %dma_start3A_538 = tpu.memref_slice %arg9[%add3A_268, %add3A_525, %dma_start3A_537] : memref<4x10000x128xf32, #tpu.memory_space<hbm>> -> memref<1x104x128xf32, #tpu.memory_space<hbm>>
      %dma_start3A_539 = tpu.memref_squeeze %dma_start3A_538 : memref<1x104x128xf32, #tpu.memory_space<hbm>> -> memref<104x128xf32, #tpu.memory_space<hbm>>
      %dma_start3A_540 = arith.constant 0 : i32
      %dma_start3A_541 = tpu.memref_slice %arg31[%add3A_525, %dma_start3A_540] : memref<10000x128xf32, #tpu.memory_space<vmem_shared>> -> memref<104x128xf32, #tpu.memory_space<vmem_shared>>
      tpu.enqueue_dma source(%dma_start3A_541 : memref<104x128xf32, #tpu.memory_space<vmem_shared>>) target(%dma_start3A_539 : memref<104x128xf32, #tpu.memory_space<hbm>>) target_semaphore(%run_scoped3A : memref<!tpu.dma_semaphore, #tpu.memory_space<semaphore_mem>>)
      %dma_wait3A_542 = arith.constant 0 : i32
      %dma_wait3A_543 = tpu.memref_slice %arg9[%add3A_268, %add3A_525, %dma_wait3A_542] : memref<4x10000x128xf32, #tpu.memory_space<hbm>> -> memref<1x104x128xf32, #tpu.memory_space<hbm>>
      %dma_wait3A_544 = tpu.memref_squeeze %dma_wait3A_543 : memref<1x104x128xf32, #tpu.memory_space<hbm>> -> memref<104x128xf32, #tpu.memory_space<hbm>>
      %dma_wait3A_545 = arith.constant 0 : i32
      %dma_wait3A_546 = tpu.memref_slice %arg31[%add3A_525, %dma_wait3A_545] : memref<10000x128xf32, #tpu.memory_space<vmem_shared>> -> memref<104x128xf32, #tpu.memory_space<vmem_shared>>
      tpu.wait_dma2 semaphore(%run_scoped3A : memref<!tpu.dma_semaphore, #tpu.memory_space<semaphore_mem>>) src(%dma_wait3A_546 : memref<104x128xf32, #tpu.memory_space<vmem_shared>>) dst(%dma_wait3A_544 : memref<104x128xf32, #tpu.memory_space<hbm>>)
      tpu.yield
    }) : () -> ()
    %add3A_526 = arith.constant 312 : i32
    %add3A_527 = arith.addi %mul3A_0, %add3A_526 : i32
    "tpu.region"() ({
      %run_scoped3A = tpu.sem_alloc : memref<!tpu.dma_semaphore, #tpu.memory_space<semaphore_mem>>
      %dma_start3A_537 = arith.constant 0 : i32
      %dma_start3A_538 = tpu.memref_slice %arg9[%add3A_268, %add3A_527, %dma_start3A_537] : memref<4x10000x128xf32, #tpu.memory_space<hbm>> -> memref<1x104x128xf32, #tpu.memory_space<hbm>>
      %dma_start3A_539 = tpu.memref_squeeze %dma_start3A_538 : memref<1x104x128xf32, #tpu.memory_space<hbm>> -> memref<104x128xf32, #tpu.memory_space<hbm>>
      %dma_start3A_540 = arith.constant 0 : i32
      %dma_start3A_541 = tpu.memref_slice %arg31[%add3A_527, %dma_start3A_540] : memref<10000x128xf32, #tpu.memory_space<vmem_shared>> -> memref<104x128xf32, #tpu.memory_space<vmem_shared>>
      tpu.enqueue_dma source(%dma_start3A_541 : memref<104x128xf32, #tpu.memory_space<vmem_shared>>) target(%dma_start3A_539 : memref<104x128xf32, #tpu.memory_space<hbm>>) target_semaphore(%run_scoped3A : memref<!tpu.dma_semaphore, #tpu.memory_space<semaphore_mem>>)
      %dma_wait3A_542 = arith.constant 0 : i32
      %dma_wait3A_543 = tpu.memref_slice %arg9[%add3A_268, %add3A_527, %dma_wait3A_542] : memref<4x10000x128xf32, #tpu.memory_space<hbm>> -> memref<1x104x128xf32, #tpu.memory_space<hbm>>
      %dma_wait3A_544 = tpu.memref_squeeze %dma_wait3A_543 : memref<1x104x128xf32, #tpu.memory_space<hbm>> -> memref<104x128xf32, #tpu.memory_space<hbm>>
      %dma_wait3A_545 = arith.constant 0 : i32
      %dma_wait3A_546 = tpu.memref_slice %arg31[%add3A_527, %dma_wait3A_545] : memref<10000x128xf32, #tpu.memory_space<vmem_shared>> -> memref<104x128xf32, #tpu.memory_space<vmem_shared>>
      tpu.wait_dma2 semaphore(%run_scoped3A : memref<!tpu.dma_semaphore, #tpu.memory_space<semaphore_mem>>) src(%dma_wait3A_546 : memref<104x128xf32, #tpu.memory_space<vmem_shared>>) dst(%dma_wait3A_544 : memref<104x128xf32, #tpu.memory_space<hbm>>)
      tpu.yield
    }) : () -> ()
    %add3A_528 = arith.constant 416 : i32
    %add3A_529 = arith.addi %mul3A_0, %add3A_528 : i32
    "tpu.region"() ({
      %run_scoped3A = tpu.sem_alloc : memref<!tpu.dma_semaphore, #tpu.memory_space<semaphore_mem>>
      %dma_start3A_537 = arith.constant 0 : i32
      %dma_start3A_538 = tpu.memref_slice %arg9[%add3A_268, %add3A_529, %dma_start3A_537] : memref<4x10000x128xf32, #tpu.memory_space<hbm>> -> memref<1x104x128xf32, #tpu.memory_space<hbm>>
      %dma_start3A_539 = tpu.memref_squeeze %dma_start3A_538 : memref<1x104x128xf32, #tpu.memory_space<hbm>> -> memref<104x128xf32, #tpu.memory_space<hbm>>
      %dma_start3A_540 = arith.constant 0 : i32
      %dma_start3A_541 = tpu.memref_slice %arg31[%add3A_529, %dma_start3A_540] : memref<10000x128xf32, #tpu.memory_space<vmem_shared>> -> memref<104x128xf32, #tpu.memory_space<vmem_shared>>
      tpu.enqueue_dma source(%dma_start3A_541 : memref<104x128xf32, #tpu.memory_space<vmem_shared>>) target(%dma_start3A_539 : memref<104x128xf32, #tpu.memory_space<hbm>>) target_semaphore(%run_scoped3A : memref<!tpu.dma_semaphore, #tpu.memory_space<semaphore_mem>>)
      %dma_wait3A_542 = arith.constant 0 : i32
      %dma_wait3A_543 = tpu.memref_slice %arg9[%add3A_268, %add3A_529, %dma_wait3A_542] : memref<4x10000x128xf32, #tpu.memory_space<hbm>> -> memref<1x104x128xf32, #tpu.memory_space<hbm>>
      %dma_wait3A_544 = tpu.memref_squeeze %dma_wait3A_543 : memref<1x104x128xf32, #tpu.memory_space<hbm>> -> memref<104x128xf32, #tpu.memory_space<hbm>>
      %dma_wait3A_545 = arith.constant 0 : i32
      %dma_wait3A_546 = tpu.memref_slice %arg31[%add3A_529, %dma_wait3A_545] : memref<10000x128xf32, #tpu.memory_space<vmem_shared>> -> memref<104x128xf32, #tpu.memory_space<vmem_shared>>
      tpu.wait_dma2 semaphore(%run_scoped3A : memref<!tpu.dma_semaphore, #tpu.memory_space<semaphore_mem>>) src(%dma_wait3A_546 : memref<104x128xf32, #tpu.memory_space<vmem_shared>>) dst(%dma_wait3A_544 : memref<104x128xf32, #tpu.memory_space<hbm>>)
      tpu.yield
    }) : () -> ()
    %add3A_530 = arith.constant 520 : i32
    %add3A_531 = arith.addi %mul3A_0, %add3A_530 : i32
    "tpu.region"() ({
      %run_scoped3A = tpu.sem_alloc : memref<!tpu.dma_semaphore, #tpu.memory_space<semaphore_mem>>
      %dma_start3A_537 = arith.constant 0 : i32
      %dma_start3A_538 = tpu.memref_slice %arg9[%add3A_268, %add3A_531, %dma_start3A_537] : memref<4x10000x128xf32, #tpu.memory_space<hbm>> -> memref<1x104x128xf32, #tpu.memory_space<hbm>>
      %dma_start3A_539 = tpu.memref_squeeze %dma_start3A_538 : memref<1x104x128xf32, #tpu.memory_space<hbm>> -> memref<104x128xf32, #tpu.memory_space<hbm>>
      %dma_start3A_540 = arith.constant 0 : i32
      %dma_start3A_541 = tpu.memref_slice %arg31[%add3A_531, %dma_start3A_540] : memref<10000x128xf32, #tpu.memory_space<vmem_shared>> -> memref<104x128xf32, #tpu.memory_space<vmem_shared>>
      tpu.enqueue_dma source(%dma_start3A_541 : memref<104x128xf32, #tpu.memory_space<vmem_shared>>) target(%dma_start3A_539 : memref<104x128xf32, #tpu.memory_space<hbm>>) target_semaphore(%run_scoped3A : memref<!tpu.dma_semaphore, #tpu.memory_space<semaphore_mem>>)
      %dma_wait3A_542 = arith.constant 0 : i32
      %dma_wait3A_543 = tpu.memref_slice %arg9[%add3A_268, %add3A_531, %dma_wait3A_542] : memref<4x10000x128xf32, #tpu.memory_space<hbm>> -> memref<1x104x128xf32, #tpu.memory_space<hbm>>
      %dma_wait3A_544 = tpu.memref_squeeze %dma_wait3A_543 : memref<1x104x128xf32, #tpu.memory_space<hbm>> -> memref<104x128xf32, #tpu.memory_space<hbm>>
      %dma_wait3A_545 = arith.constant 0 : i32
      %dma_wait3A_546 = tpu.memref_slice %arg31[%add3A_531, %dma_wait3A_545] : memref<10000x128xf32, #tpu.memory_space<vmem_shared>> -> memref<104x128xf32, #tpu.memory_space<vmem_shared>>
      tpu.wait_dma2 semaphore(%run_scoped3A : memref<!tpu.dma_semaphore, #tpu.memory_space<semaphore_mem>>) src(%dma_wait3A_546 : memref<104x128xf32, #tpu.memory_space<vmem_shared>>) dst(%dma_wait3A_544 : memref<104x128xf32, #tpu.memory_space<hbm>>)
      tpu.yield
    }) : () -> ()
    %eq3A_532 = arith.constant 15 : i32
    %eq3A_533 = arith.cmpi eq, %arg1, %eq3A_532 : i32
    %convert_element_type3A_534 = arith.extui %eq3A_533 : i1 to i32
    %cond3A_535 = arith.constant 0 : i32
    %cond3A_536 = arith.cmpi ne, %convert_element_type3A_534, %cond3A_535 : i32
    scf.if %cond3A_536 {
      "tpu.region"() ({
        %run_scoped3A = tpu.sem_alloc : memref<!tpu.dma_semaphore, #tpu.memory_space<semaphore_mem>>
        %dma_start3A_537 = arith.constant 9984 : i32
        %dma_start3A_538 = arith.constant 0 : i32
        %dma_start3A_539 = tpu.memref_slice %arg9[%add3A_268, %dma_start3A_537, %dma_start3A_538] : memref<4x10000x128xf32, #tpu.memory_space<hbm>> -> memref<1x16x128xf32, #tpu.memory_space<hbm>>
        %dma_start3A_540 = tpu.memref_squeeze %dma_start3A_539 : memref<1x16x128xf32, #tpu.memory_space<hbm>> -> memref<16x128xf32, #tpu.memory_space<hbm>>
        %dma_start3A_541 = arith.constant 9984 : i32
        %dma_start3A_542 = arith.constant 0 : i32
        %dma_start3A_543 = tpu.memref_slice %arg31[%dma_start3A_541, %dma_start3A_542] : memref<10000x128xf32, #tpu.memory_space<vmem_shared>> -> memref<16x128xf32, #tpu.memory_space<vmem_shared>>
        tpu.enqueue_dma source(%dma_start3A_543 : memref<16x128xf32, #tpu.memory_space<vmem_shared>>) target(%dma_start3A_540 : memref<16x128xf32, #tpu.memory_space<hbm>>) target_semaphore(%run_scoped3A : memref<!tpu.dma_semaphore, #tpu.memory_space<semaphore_mem>>)
        %dma_wait3A_544 = arith.constant 9984 : i32
        %dma_wait3A_545 = arith.constant 0 : i32
        %dma_wait3A_546 = tpu.memref_slice %arg9[%add3A_268, %dma_wait3A_544, %dma_wait3A_545] : memref<4x10000x128xf32, #tpu.memory_space<hbm>> -> memref<1x16x128xf32, #tpu.memory_space<hbm>>
        %dma_wait3A_547 = tpu.memref_squeeze %dma_wait3A_546 : memref<1x16x128xf32, #tpu.memory_space<hbm>> -> memref<16x128xf32, #tpu.memory_space<hbm>>
        %dma_wait3A_548 = arith.constant 9984 : i32
        %dma_wait3A_549 = arith.constant 0 : i32
        %dma_wait3A_550 = tpu.memref_slice %arg31[%dma_wait3A_548, %dma_wait3A_549] : memref<10000x128xf32, #tpu.memory_space<vmem_shared>> -> memref<16x128xf32, #tpu.memory_space<vmem_shared>>
        tpu.wait_dma2 semaphore(%run_scoped3A : memref<!tpu.dma_semaphore, #tpu.memory_space<semaphore_mem>>) src(%dma_wait3A_550 : memref<16x128xf32, #tpu.memory_space<vmem_shared>>) dst(%dma_wait3A_547 : memref<16x128xf32, #tpu.memory_space<hbm>>)
        tpu.yield
      }) : () -> ()
    } else {
    }
    return
  }
}

module attributes {stable_mosaic.version = 14 : i64} {
  func.func @_tc_body(%arg0: i32, %arg1: memref<200x128xf32, #tpu.memory_space<vmem>>, %arg2: memref<200x128xf32, #tpu.memory_space<vmem>>, %arg3: memref<200x128xf32, #tpu.memory_space<vmem>>, %arg4: memref<200x128xf32, #tpu.memory_space<vmem>>, %arg5: memref<200x128xf32, #tpu.memory_space<vmem>>, %arg6: memref<128x128xf32, #tpu.memory_space<vmem>>, %arg7: memref<128x128xf32, #tpu.memory_space<vmem>>, %arg8: memref<384x384xf32, #tpu.memory_space<vmem>>, %arg9: memref<200x512xf32, #tpu.memory_space<vmem>>) attributes {dimension_semantics = [#tpu.dimension_semantics<arbitrary>], iteration_bounds = array<i64: 50>, scalar_prefetch = 0 : i64, scratch_operands = 0 : i64, tpu.core_type = #tpu.core_type<tc>, window_params = [{transform_indices = @transform_0, window_bounds = array<i64: 200, 128>}, {transform_indices = @transform_1, window_bounds = array<i64: 200, 128>}, {transform_indices = @transform_2, window_bounds = array<i64: 200, 128>}, {transform_indices = @transform_3, window_bounds = array<i64: 200, 128>}, {transform_indices = @transform_4, window_bounds = array<i64: 200, 128>}, {pipeline_mode = #tpu.pipeline_mode<synchronous>, transform_indices = @transform_5, window_bounds = array<i64: 128, 128>}, {pipeline_mode = #tpu.pipeline_mode<synchronous>, transform_indices = @transform_6, window_bounds = array<i64: 128, 128>}, {pipeline_mode = #tpu.pipeline_mode<synchronous>, transform_indices = @transform_7, window_bounds = array<i64: 384, 384>}, {transform_indices = @transform_8, window_bounds = array<i64: 200, 512>}]} {
    %get3A = arith.constant 0 : index
    %get3A_0 = arith.constant 0 : index
    %get3A_1 = vector.load %arg1[%get3A, %get3A_0] : memref<200x128xf32, #tpu.memory_space<vmem>>, vector<200x128xf32>
    %get3A_2 = arith.constant 0 : index
    %get3A_3 = arith.constant 0 : index
    %get3A_4 = vector.load %arg6[%get3A_2, %get3A_3] : memref<128x128xf32, #tpu.memory_space<vmem>>, vector<128x128xf32>
    %dot_general3A = arith.constant dense<0.000000e+00> : vector<200x128xf32>
    %dot_general3A_5 = tpu.matmul %get3A_1, %get3A_4, %dot_general3A {dimension_numbers = #tpu.dot_dimension_numbers<[1], [0], [0], [1], [0, 0, 1, 1], [], []>, transpose_lhs_hint = false} : vector<200x128xf32>, vector<128x128xf32>, vector<200x128xf32> -> vector<200x128xf32>
    %get3A_6 = arith.constant 0 : index
    %get3A_7 = arith.constant 0 : index
    %get3A_8 = vector.load %arg2[%get3A_6, %get3A_7] : memref<200x128xf32, #tpu.memory_space<vmem>>, vector<200x128xf32>
    %get3A_9 = arith.constant 0 : index
    %get3A_10 = arith.constant 0 : index
    %get3A_11 = vector.load %arg7[%get3A_9, %get3A_10] : memref<128x128xf32, #tpu.memory_space<vmem>>, vector<128x128xf32>
    %dot_general3A_12 = arith.constant dense<0.000000e+00> : vector<200x128xf32>
    %dot_general3A_13 = tpu.matmul %get3A_8, %get3A_11, %dot_general3A_12 {dimension_numbers = #tpu.dot_dimension_numbers<[1], [0], [0], [1], [0, 0, 1, 1], [], []>, transpose_lhs_hint = false} : vector<200x128xf32>, vector<128x128xf32>, vector<200x128xf32> -> vector<200x128xf32>
    %add3A = arith.addf %dot_general3A_5, %dot_general3A_13 : vector<200x128xf32>
    %get3A_14 = arith.constant 0 : index
    %get3A_15 = arith.constant 0 : index
    %get3A_16 = vector.load %arg3[%get3A_14, %get3A_15] : memref<200x128xf32, #tpu.memory_space<vmem>>, vector<200x128xf32>
    %get3A_17 = arith.constant 0 : index
    %get3A_18 = arith.constant 0 : index
    %get3A_19 = vector.load %arg8[%get3A_17, %get3A_18] : memref<384x384xf32, #tpu.memory_space<vmem>>, vector<128x384xf32>
    %dot_general3A_20 = arith.constant dense<0.000000e+00> : vector<200x384xf32>
    %dot_general3A_21 = tpu.matmul %get3A_16, %get3A_19, %dot_general3A_20 {dimension_numbers = #tpu.dot_dimension_numbers<[1], [0], [0], [1], [0, 0, 1, 1], [], []>, transpose_lhs_hint = false} : vector<200x128xf32>, vector<128x384xf32>, vector<200x384xf32> -> vector<200x384xf32>
    %get3A_22 = arith.constant 0 : index
    %get3A_23 = arith.constant 0 : index
    %get3A_24 = vector.load %arg4[%get3A_22, %get3A_23] : memref<200x128xf32, #tpu.memory_space<vmem>>, vector<200x128xf32>
    %get3A_25 = arith.constant 128 : index
    %get3A_26 = arith.constant 0 : index
    %get3A_27 = vector.load %arg8[%get3A_25, %get3A_26] : memref<384x384xf32, #tpu.memory_space<vmem>>, vector<128x384xf32>
    %dot_general3A_28 = arith.constant dense<0.000000e+00> : vector<200x384xf32>
    %dot_general3A_29 = tpu.matmul %get3A_24, %get3A_27, %dot_general3A_28 {dimension_numbers = #tpu.dot_dimension_numbers<[1], [0], [0], [1], [0, 0, 1, 1], [], []>, transpose_lhs_hint = false} : vector<200x128xf32>, vector<128x384xf32>, vector<200x384xf32> -> vector<200x384xf32>
    %add3A_30 = arith.addf %dot_general3A_21, %dot_general3A_29 : vector<200x384xf32>
    %get3A_31 = arith.constant 0 : index
    %get3A_32 = arith.constant 0 : index
    %get3A_33 = vector.load %arg5[%get3A_31, %get3A_32] : memref<200x128xf32, #tpu.memory_space<vmem>>, vector<200x128xf32>
    %get3A_34 = arith.constant 256 : index
    %get3A_35 = arith.constant 0 : index
    %get3A_36 = vector.load %arg8[%get3A_34, %get3A_35] : memref<384x384xf32, #tpu.memory_space<vmem>>, vector<128x384xf32>
    %dot_general3A_37 = arith.constant dense<0.000000e+00> : vector<200x384xf32>
    %dot_general3A_38 = tpu.matmul %get3A_33, %get3A_36, %dot_general3A_37 {dimension_numbers = #tpu.dot_dimension_numbers<[1], [0], [0], [1], [0, 0, 1, 1], [], []>, transpose_lhs_hint = false} : vector<200x128xf32>, vector<128x384xf32>, vector<200x384xf32> -> vector<200x384xf32>
    %add3A_39 = arith.addf %add3A_30, %dot_general3A_38 : vector<200x384xf32>
    %concatenate3A = tpu.concatenate %add3A, %add3A_39 in 1 : vector<200x128xf32>, vector<200x384xf32> -> vector<200x512xf32>
    %swap3A = arith.constant 0 : index
    %swap3A_40 = arith.constant 0 : index
    %swap3A_41 = vector.load %arg9[%swap3A, %swap3A_40] : memref<200x512xf32, #tpu.memory_space<vmem>>, vector<200x512xf32>
    tpu.vector_store %arg9[%swap3A, %swap3A_40], %concatenate3A {strides = array<i32>} : memref<200x512xf32, #tpu.memory_space<vmem>>, vector<200x512xf32>,
    return
  }
  func.func @transform_0(%arg0: i32) -> (i32, i32) {
    %c0_i32 = arith.constant 0 : i32
    %c0_i32_0 = arith.constant 0 : i32
    return %arg0, %c0_i32 : i32, i32
  }
  func.func @transform_1(%arg0: i32) -> (i32, i32) {
    %c0_i32 = arith.constant 0 : i32
    %c0_i32_0 = arith.constant 0 : i32
    return %arg0, %c0_i32 : i32, i32
  }
  func.func @transform_2(%arg0: i32) -> (i32, i32) {
    %c0_i32 = arith.constant 0 : i32
    %c0_i32_0 = arith.constant 0 : i32
    return %arg0, %c0_i32 : i32, i32
  }
  func.func @transform_3(%arg0: i32) -> (i32, i32) {
    %c0_i32 = arith.constant 0 : i32
    %c0_i32_0 = arith.constant 0 : i32
    return %arg0, %c0_i32 : i32, i32
  }
  func.func @transform_4(%arg0: i32) -> (i32, i32) {
    %c0_i32 = arith.constant 0 : i32
    %c0_i32_0 = arith.constant 0 : i32
    return %arg0, %c0_i32 : i32, i32
  }
  func.func @transform_5(%arg0: i32) -> (i32, i32) {
    %c0_i32 = arith.constant 0 : i32
    %c0_i32_0 = arith.constant 0 : i32
    %c0_i32_1 = arith.constant 0 : i32
    return %c0_i32, %c0_i32_0 : i32, i32
  }
  func.func @transform_6(%arg0: i32) -> (i32, i32) {
    %c0_i32 = arith.constant 0 : i32
    %c0_i32_0 = arith.constant 0 : i32
    %c0_i32_1 = arith.constant 0 : i32
    return %c0_i32, %c0_i32_0 : i32, i32
  }
  func.func @transform_7(%arg0: i32) -> (i32, i32) {
    %c0_i32 = arith.constant 0 : i32
    %c0_i32_0 = arith.constant 0 : i32
    %c0_i32_1 = arith.constant 0 : i32
    return %c0_i32, %c0_i32_0 : i32, i32
  }
  func.func @transform_8(%arg0: i32) -> (i32, i32) {
    %c0_i32 = arith.constant 0 : i32
    %c0_i32_0 = arith.constant 0 : i32
    return %arg0, %c0_i32 : i32, i32
  }
}

</mosaic_0001>

<sc_bundles>
// kernel: kernel.4.cloned.1.call-start
scs
__scs_entry_jumppad:
0x0: {  	(pc) =	sbr.rel $0x88, $3  }
0x1: {  	(tag) =	ssettag $0x0;
	lr =	simm.s32 $0x1  }
0x2: {  	[smem:$0x3F9B] =	sst lr;
	_ =	strace $0xD0000000  }
0x3: {  	_ = 	snop  }
0x4: {  	_ = 	snop  }
0x5: {  	_ = 	snop  }
0x6: {  	_ = 	snop  }
0x7: {  	_ = 	snop  }
__scs_overlays_trampoline_lowered:
0x8: {  	[smem:$0x3FAA] =	sst s0  }
0x9: {  	[smem:$0x3FAB] =	sst s1  }
0xa: {  	[smem:$0x3FAC] =	sst s2  }
0xb: {  	[smem:$0x3FAD] =	sst s3  }
0xc: {  	[smem:$0x3FAE] =	sst s4  }
0xd: {  	[smem:$0x3FAF] =	sst s5  }
0xe: {  	[smem:$0x3FB0] =	sst s6  }
0xf: {  	[smem:$0x3FB1] =	sst s7  }
0x10: {  	[smem:$0x3FB2] =	sst s8  }
0x11: {  	[smem:$0x3FB3] =	sst s9;
	s0 =	simm.s32 @!p0 $0x0  }
0x12: {  	s1 =	sld [smem:$0x3F99];
	s0 =	simm.s32 @p0 $0x1  }
0x13: {  	[smem:$0x3FB4] =	sst s0;
	s0 =	simm.s32 @!p1 $0x0  }
0x14: {  	s2 =	sld [smem:$0x3F98];
	s0 =	simm.s32 @p1 $0x1  }
0x15: {  	[smem:$0x3FB5] =	sst s0;
	s0 =	simm.s32 @!p2 $0x0  }
0x16: {  	s3 =	sld [smem:$0x3FDB];
	s0 =	simm.s32 @p2 $0x1  }
0x17: {  	s4 =	simm.s32 $0x1BF5;
	[smem:$0x3FB7] =	sst s0  }
0x18: {  	s0 =	sld [smem:$0x3F9A];
	_ =	swait.ge [sflag:s4], $0x0  }
0x19: {  	s7 =	sld [smem:$0x3F9B]  }
0x1a: {  	s8 =	sadd.s32 $0xFFFFE003, lr  }
0x1b: {  	s9 =	sadd.s32 $0xFFFFFEF7, lr;
	s5 =	simm.s32 $0xFFFFFFFF;
	p2 =	slt.u32 s8, $0xFFFFF086  }
0x1c: {  	p1 =	slt.u32 s9, $0xF7A;
	s5 =	simm.s32 @!p2 $0x0  }
0x1d: {  	s5 =	simm.s32 @p1 $0x1;
	p0 =	seq.s32 s7, s2  }
0x1e: {  	s7 =	smul.u32 @!p0 $0xF7A, s2;
	p2 =	seq.s32 @!p0 s5, $0x0  }
0x1f: {  	s9 =	smul.u32 $0xF7A, s1;
	s8 =	simm.s32 @!p0 $0x1BF5;
	p2 =	por !p2, p0  }
0x20: {  	[sflag:s8] =	ssyncset.s32 @!p0 $0xFFFFF086;
	s6 =	sadd.s32 @!p0 s3, s7;
	s7 =	simm.s32 @!p0 $0x108  }
0x21: {  	s3 =	sadd.s32 s3, s9;
	s6 =	sadd.s32 @!p0 $0x88, s6;
	s7 =	simm.s32 @p2 $0x1082  }
0x22: {  	[simem:s7], [sflag:s8] =	dma.local @!p0 [hbm:s6], $0xF7A  }
0x23: {  	s9 =	sor.u32 $0xD0000000, s2;
	s6 =	simm.s32 $0x108;
	_ =	swait.ge @!p0 [sflag:s8], $0x0  }
0x24: {  	s3 =	sadd.s32 $0x88, s3;
	s6 =	simm.s32 @!p1 $0x1082;
	[sflag:s4] =	ssyncset.s32 $0xFFFFF086  }
0x25: {  	[simem:s6], [sflag:s4] =	dma.local [hbm:s3], $0xF7A  }
0x26: {  	[smem:$0x3F9B] =	sst s1;
	(tag) =	ssettag s2;
	_ =	strace s9  }
0x27: {  	s1 =	sld [smem:$0x3FAB]  }
0x28: {  	s2 =	sld [smem:$0x3FAC]  }
0x29: {  	s4 =	sld [smem:$0x3FAE]  }
0x2a: {  	p0 =	seq.s32 s5, $0x0;
	s5 =	sld [smem:$0x3FAF]  }
0x2b: {  	s6 =	sld [smem:$0x3FB0]  }
0x2c: {  	s7 =	sld [smem:$0x3FB1]  }
0x2d: {  	s3 =	simm.s32 $0x108;
	s8 =	sld [smem:$0x3FB2]  }
0x2e: {  	s3 =	simm.s32 @!p0 $0x1082;
	s9 =	sld [smem:$0x3FB3]  }
0x2f: {  	lr =	sadd.s32 s0, s3;
	s0 =	sld [smem:$0x3FAA]  }
0x30: {  	s3 =	sld [smem:$0x3FAD]  }
0x31: {  	[smem:$0x3FB6] =	sst s10  }
0x32: {  	s10 =	sld [smem:$0x3FB4];
	_ =	sdelay $0x3  }
0x33: {  	p0 =	seq.s32 s10, $0x1;
	s10 =	sld [smem:$0x3FB6];
	_ =	sdelay $0x3  }
0x34: {  	[smem:$0x3FB6] =	sst s10  }
0x35: {  	s10 =	sld [smem:$0x3FB5];
	_ =	sdelay $0x3  }
0x36: {  	p1 =	seq.s32 s10, $0x1;
	s10 =	sld [smem:$0x3FB6];
	_ =	sdelay $0x3  }
0x37: {  	[smem:$0x3FB6] =	sst s10  }
0x38: {  	s10 =	sld [smem:$0x3FB7]  }
0x39: {  	_ = 	snop;
	(pc) =	sbr.ind lr, $3  }
0x3a: {  	_ = 	snop  }
0x3b: {  	_ = 	snop  }
0x3c: {  	p2 =	seq.s32 s10, $0x1;
	s10 =	sld [smem:$0x3FB6]  }
0x3d: {  	_ =	shalt  }
0x3e: {  	_ =	shalt  }
0x3f: {  	_ =	shalt  }
0x40: {  	_ =	shalt  }
0x41: {  	_ =	shalt  }
0x42: {  	_ =	shalt  }
0x43: {  	_ =	shalt  }
0x44: {  	_ =	shalt  }
0x45: {  	_ =	shalt  }
0x46: {  	_ =	shalt  }
0x47: {  	_ =	shalt  }
0x48: {  	_ =	shalt  }
0x49: {  	_ =	shalt  }
0x4a: {  	_ =	shalt  }
0x4b: {  	_ =	shalt  }
0x4c: {  	_ =	shalt  }
0x4d: {  	_ =	shalt  }
0x4e: {  	_ =	shalt  }
0x4f: {  	_ =	shalt  }
0x50: {  	_ =	shalt  }
0x51: {  	_ =	shalt  }
0x52: {  	_ =	shalt  }
0x53: {  	_ =	shalt  }
0x54: {  	_ =	shalt  }
0x55: {  	_ =	shalt  }
0x56: {  	_ =	shalt  }
0x57: {  	_ =	shalt  }
0x58: {  	_ =	shalt  }
0x59: {  	_ =	shalt  }
0x5a: {  	_ =	shalt  }
0x5b: {  	_ =	shalt  }
0x5c: {  	_ =	shalt  }
0x5d: {  	_ =	shalt  }
0x5e: {  	_ =	shalt  }
0x5f: {  	_ =	shalt  }
0x60: {  	_ =	shalt  }
0x61: {  	_ =	shalt  }
0x62: {  	_ =	shalt  }
0x63: {  	_ =	shalt  }
0x64: {  	_ =	shalt  }
0x65: {  	_ =	shalt  }
0x66: {  	_ =	shalt  }
0x67: {  	_ =	shalt  }
0x68: {  	_ =	shalt  }
0x69: {  	_ =	shalt  }
0x6a: {  	_ =	shalt  }
0x6b: {  	_ =	shalt  }
0x6c: {  	_ =	shalt  }
0x6d: {  	_ =	shalt  }
0x6e: {  	_ =	shalt  }
0x6f: {  	_ =	shalt  }
0x70: {  	_ =	shalt  }
0x71: {  	_ =	shalt  }
0x72: {  	_ =	shalt  }
0x73: {  	_ =	shalt  }
0x74: {  	_ =	shalt  }
0x75: {  	_ =	shalt  }
0x76: {  	_ =	shalt  }
0x77: {  	_ =	shalt  }
0x78: {  	_ =	shalt  }
0x79: {  	_ =	shalt  }
0x7a: {  	_ =	shalt  }
0x7b: {  	_ =	shalt  }
0x7c: {  	_ =	shalt  }
0x7d: {  	_ =	shalt  }
0x7e: {  	_ =	shalt  }
0x7f: {  	_ =	shalt  }
0x80: {  	_ =	shalt  }
0x81: {  	_ =	shalt  }
0x82: {  	_ =	shalt  }
0x83: {  	_ =	shalt  }
0x84: {  	_ =	shalt  }
0x85: {  	_ =	shalt  }
0x86: {  	_ =	shalt  }
0x87: {  	_ =	shalt  }
.Lfunc_end0:
.L_simem_size_0:
called_computation_lowered:
.L_overlay_start_0:
0x88: {  	s2 =	sld [smem:$0x3FD9]  }
0x89: {  	s3 =	sld [smem:$0x3FFE];
	_ =	sdelay $0x1  }
0x8a: {  	s1 =	srdreg.scid  }
0x8b: {  	s0 =	sand.u32 $0x1, s1  }
0x8c: {  	s17 =	sshll.u32 s0, $0xA;
	s2 =	sadd.s32 s3, s2  }
0x8d: {  	s2 =	sadd.s32 s2, s17  }
0x8e: {  	[smem:$0x3FC2] =	sst s2  }
0x8f: {  	_ = 	snop  }
0x90: {  	s2 =	sld [smem:$0x3FC9]  }
0x91: {  	s18 =	sld [smem:$0x3FD0];
	(tm) =	ssettm $0x1  }
0x92: {  	s4 =	sld [smem:$0x3FFB];
	_ =	sdelay $0x3  }
0x93: {  	_ =	strace s4  }
0x94: {  	s4 =	sld [smem:$0x3FFC];
	_ =	sdelay $0x3  }
0x95: {  	_ =	strace s4  }
0x96: {  	s4 =	sld [smem:$0x3FFD];
	_ =	sdelay $0x3  }
0x97: {  	_ =	strace s4  }
0x98: {  	_ =	strace $0x8FFFFFFF  }
0x99: {  	s19 =	sld [smem:$0x3FDB];
	_ =	sdelay $0x1  }
0x9a: {  	s5 =	simm.s32 $_scs_section_size  }
0x9b: {  	s6 =	simm.s32 $_size__tile_overlayer_lowered;
	s7 =	simm.s32 $_tile_overlayer_lowered  }
0x9c: {  	s22 =	simm.s32 $0x1BFF;
	s21 =	sshll.u32 s7, $0x1;
	s4 =	sadd.s32 s5, s19  }
0x9d: {  	s8 =	simm.s32 $0x0;
	s20 =	sshll.u32 s6, $0x1;
	s6 =	sadd.s32 s21, s4  }
0x9e: {  	[timem:s8], [sflag:s22] =	dma.local [hbm:s6], s20  }
0x9f: {  	_ =	swait.ge [sflag:s22], s20  }
0xa0: {  	s5 =	ssub.s32 $0x0, s20;
	[sflag:s22] =	ssyncset.done $0x0  }
0xa1: {  	[sflag:s22] =	ssyncadd.s32 s5;
	_ =	sdelay $0x1  }
0xa2: {  	s23 =	simm.s32 $0x1B8B  }
0xa3: {  	_ =	swait.ge [sflag:s23], $0x1  }
0xa4: {  	[sflag:s23] =	ssyncset.done $0x0  }
0xa5: {  	s25 =	simm.s32 $0x1B8E;
	s24 =	sld [smem:$0x3FFE];
	[sflag:s23] =	ssyncadd.s32 $0xFFFFFFFF  }
0xa6: {  	s26 =	simm.s32 $execute0_lowered;
	[smem:$0x3FD2] =	sst s25  }
0xa7: {  	s6 =	sshll.u32 s26, $0x1;
	_ =	strace $0x80000046;
	[dreg:$0x1] =	wrdreg $0xFFFFFFFF  }
0xa8: {  	s28 =	simm.s32 $_size_execute0_lowered;
	s4 =	sadd.s32 s4, s6;
	[dreg:$0x0] =	wrdreg $0x0  }
0xa9: {  	s6 =	sshll.u32 s28, $0x1;
	[dreg:$0x2] =	wrdreg s4  }
0xaa: {  	[dreg:$0x3] =	wrdreg s6  }
0xab: {  	[dreg:$0x4] =	wrdreg $0xC0  }
0xac: {  	_ =	task [dreg:s8], $0x5FFFF  }
0xad: {  	[dreg:$0x1] =	wrdreg $0xFFFFFFFF  }
0xae: {  	[dreg:$0x0] =	wrdreg $0x60  }
0xaf: {  	[dreg:$0x2] =	wrdreg s2  }
0xb0: {  	[dreg:$0x3] =	wrdreg s24  }
0xb1: {  	[dreg:$0x4] =	wrdreg s18  }
0xb2: {  	[dreg:$0x5] =	wrdreg $0x59000  }
0xb3: {  	[dreg:$0x6] =	wrdreg $0x9  }
0xb4: {  	_ =	task.clear_ibuf [dreg:s8], $0x7FFFF;
	_ =	strace $0x90000046  }
0xb5: {  	s29 =	simm.s32 $0x9;
	_ =	strace $0x80000048  }
0xb6: {  	_ =	swait.ge [sflag:s29], $0x1  }
0xb7: {  	[sflag:s29] =	ssyncadd.s32 $0xFFFFFFFF  }
0xb8: {  	_ =	strace $0x90000048  }
0xb9: {  	_ =	sfence  }
0xba: {  	s30 =	sld [smem:$0x0];
	_ =	sdelay $0x2  }
0xbb: {  	s31 =	sshll.u32 s1, $0xD;
	s1 =	sshrl.u32 s1, $0x2  }
0xbc: {  	s3 =	sand.u32 $0x4000, s31;
	s1 =	sadd.s32 s1, s30  }
0xbd: {  	s0 =	sor.u32 s3, s0;
	s1 =	sshll.u32 s1, $0x11  }
0xbe: {  	s0 =	sor.u32 s1, s0  }
0xbf: {  	s0 =	sadd.s32 $0x8F2B, s0  }
0xc0: {  	[sflag:s0] =	ssyncadd.remote.s32 $0x1  }
0xc1: {  	_ =	sfence.sel $0xFFFF  }
0xc2: {  	[dreg:$0x0] =	wrdreg $0xFFFFFFFF;
	(pc) =	sbr.abs _section_cstart, $3  }
0xc3: {  	[dreg:$0x1] =	wrdreg $0xFFFFFFFF  }
0xc4: {  	_ =	task.clear_ibuf [dreg:s8], $0x2FFFF;
	_ =	strace $0x9FFFFFFF  }
0xc5: {  	(tm) =	ssettm $0x7FFFFFFF  }
tec
execute0_lowered:
.L_overlay_start_1:
0x0: {  	(tag) =	ssettag $0x1  }
0x1: {  	s1 =	rddreg [dreg:$0x0]  }
0x2: {  	s2 =	rddreg [dreg:$0x1]  }
0x3: {  	s7 =	rddreg [dreg:$0x2];
	s16 =	stileid.u32  }
0x4: {  	s0 =	srdreg.scid;
	s3 =	rddreg [dreg:$0x3];
	s4 =	simm.s32 $0x0  }
0x5: {  	s30 =	simm.s32 $0x7;
	s31 =	simm.s32 $0x300;
	s29 =	simm.s32 $0x400  }
0x6: {  	s28 =	simm.s32 $0x2;
	s8 =	smul.u32 $0x13800, s16;
	s0 =	sand.u32 $0x1, s0  }
0x7: {  	[smem:$0x7FF] =	sst s4;
	s5 =	ssub.s32 $0x2, s0;
	s9 =	smul.u32 $0x271000, s0  }
0x8: {  	p0 =	sne.s32 s16, $0xF;
	s18 =	sshrl.u32 s5, $0x1;
	s12 =	sadd.s32 $0xD000, s8  }
0x9: {  	s14 =	sadd.s32 $0x10400, s8;
	s0 =	ssub.s32 s5, s18;
	s6 =	sadd.s32 s8, s9  }
0xa: {  	s5 =	sadd.s32 $0x3400, s8;
	s13 =	sadd.s32 s9, s12;
	s24 =	sadd.s32 s9, s14  }
0xb: {  	s26 =	sadd.s32 $0x138800, s9;
	s10 =	sshrl.u32 s6, $0x3;
	s11 =	sadd.s32 s9, s5  }
0xc: {  	s6 =	sadd.s32 $0x6800, s8;
	s23 =	sshrl.u32 s13, $0x3;
	s25 =	sshrl.u32 s24, $0x3  }
0xd: {  	s17 =	sadd.s32 s8, s26;
	s15 =	sadd.s32 s26, s5;
	s13 =	sadd.s32 s26, s14  }
0xe: {  	s5 =	sadd.s32 s5, s3;
	s0 =	smax.u32 s0, $0x1;
	s10 =	sadd.s32 s7, s10  }
0xf: {  	s19 =	sshrl.u32 s11, $0x3;
	s20 =	sadd.s32 s9, s6;
	s11 =	sadd.s32 $0x9C00, s8  }
0x10: {  	[dreg:$0x5] =	wrdreg s10;
	s10 =	sadd.s32 s7, s19;
	s21 =	sshrl.u32 s20, $0x3  }
0x11: {  	s22 =	sadd.s32 s9, s11;
	[dreg:$0x6] =	wrdreg s10;
	s10 =	sadd.s32 s7, s21  }
0x12: {  	s18 =	sshrl.u32 s15, $0x3;
	[dreg:$0x7] =	wrdreg s10;
	s10 =	sshrl.u32 s22, $0x3  }
0x13: {  	s9 =	sshrl.u32 s9, $0x3;
	s19 =	sadd.s32 s26, s6;
	s10 =	sadd.s32 s7, s10  }
0x14: {  	s9 =	sadd.s32 s7, s9;
	[dreg:$0x8] =	wrdreg s10;
	s10 =	sadd.s32 s7, s23  }
0x15: {  	s20 =	sshrl.u32 s19, $0x3;
	[dreg:$0x9] =	wrdreg s10;
	s10 =	sadd.s32 s7, s25  }
0x16: {  	s21 =	sadd.s32 s26, s11;
	[dreg:$0xa] =	wrdreg s10;
	s10 =	sshrl.u32 s17, $0x3  }
0x17: {  	s22 =	sshrl.u32 s21, $0x3;
	s23 =	sadd.s32 s26, s12;
	s10 =	sadd.s32 s7, s10  }
0x18: {  	s24 =	sshrl.u32 s23, $0x3;
	[dreg:$0xb] =	wrdreg s10;
	s10 =	sadd.s32 s7, s18  }
0x19: {  	s25 =	sshrl.u32 s13, $0x3;
	[dreg:$0xc] =	wrdreg s10;
	s10 =	sadd.s32 s7, s20  }
0x1a: {  	s13 =	sshll.u32 s16, $0xB;
	[dreg:$0xd] =	wrdreg s10;
	s10 =	sadd.s32 s7, s22  }
0x1b: {  	s17 =	sor.u32 $0x10, s13;
	[dreg:$0xe] =	wrdreg s10;
	s10 =	sadd.s32 s7, s24  }
0x1c: {  	s20 =	sadd.s32 $0x1200, s2;
	s7 =	sadd.s32 s7, s25;
	[dreg:$0xf] =	wrdreg s10  }
0x1d: {  	s22 =	sadd.s32 $0x9200, s2;
	s18 =	sadd.s32 s20, s17;
	[dreg:$0x10] =	wrdreg s7  }
0x1e: {  	s19 =	sadd.s32 s22, s17;
	_ =	strace $0x80000047;
	[dreg:$0x14] =	wrdreg s18  }
0x1f: {  	s26 =	smul.u32 $0x4E000, s16;
	s21 =	sadd.s32 s20, s13;
	[dreg:$0x15] =	wrdreg s19  }
0x20: {  	s23 =	sor.u32 $0x20, s13;
	s25 =	sadd.s32 s22, s13;
	[dreg:$0x16] =	wrdreg s21  }
0x21: {  	s10 =	sshrl.u32 s26, $0x2;
	s26 =	sadd.s32 s20, s23;
	[dreg:$0x17] =	wrdreg s25  }
0x22: {  	s8 =	sshrl.u32 s8, $0x3;
	s15 =	sshll.u32 s16, $0x6;
	[dreg:$0x18] =	wrdreg s26  }
0x23: {  	s24 =	sor.u32 $0x1C07, s15;
	s15 =	sadd.s32 s6, s3;
	[dreg:$0x1c] =	wrdreg s5  }
0x24: {  	s16 =	sshll.u32 s16, $0xE;
	s17 =	sadd.s32 s11, s3;
	[dreg:$0x1d] =	wrdreg s15  }
0x25: {  	s11 =	sadd.s32 $0xC00, s2;
	s6 =	simm.s32 $0x1;
	[dreg:$0x1e] =	wrdreg s17  }
0x26: {  	s7 =	sadd.s32 s8, s2;
	s8 =	sadd.s32 s10, s3;
	[smem:$0x7FB] =	sst s0  }
0x27: {  	s7 =	sadd.s32 $0x11200, s7;
	s18 =	sadd.s32 s12, s3;
	[dreg:$0x13] =	wrdreg s24  }
0x28: {  	s19 =	sadd.s32 s14, s3;
	s21 =	sadd.s32 $0x27000, s9;
	[dreg:$0x11] =	wrdreg s8  }
0x29: {  	s12 =	sadd.s32 $0x600, s2;
	s25 =	sadd.s32 $0x138000, s3;
	[dreg:$0x12] =	wrdreg s7  }
0x2a: {  	s26 =	sadd.s32 $0x38200, s2;
	s15 =	simm.s32 $0x100;
	[dreg:$0x1f] =	wrdreg s18  }
0x2b: {  	s0 =	simm.s32 $0x80;
	s5 =	simm.s32 $0x180;
	[smem:$0x7F8] =	sst s19  }
0x2c: {  	s17 =	simm.s32 $0x680;
	s10 =	simm.s32 $0x6;
	[smem:$0x7F9] =	sst s21  }
0x2d: {  	s14 =	simm.s32 $0x0;
	s7 =	sor.u32 $0x30, s13;
	[smem:$0x7FC] =	sst s25  }
0x2e: {  	s8 =	sadd.s32 s22, s23;
	s23 =	sadd.s32 $0x4E100, s9;
	[smem:$0x7FD] =	sst s26  }
0x2f: {  	s18 =	simm.s32 $0x380;
	s25 =	simm.s32 $0x900;
	s26 =	simm.s32 $0x3  }
0x30: {  	s19 =	simm.s32 $0x700;
	s21 =	simm.s32 $0x3100;
	[dreg:$0x19] =	wrdreg s8  }
0x31: {  	s9 =	simm.s32 $0x5;
	s13 =	sadd.s32 s20, s7;
	[smem:$0x7FA] =	sst s23  }
0x32: {  	s7 =	sadd.s32 s22, s7;
	s8 =	simm.s32 $0x4;
	[dreg:$0x1a] =	wrdreg s13  }
0x33: {  	[dreg:$0x1b] =	wrdreg s7;
	s7 =	simm.s32 $0x50;
	s13 =	simm.s32 $0x600  }
.LBB2_1:
0x34: {  	[smem:$0x7F5] =	sst s14  }
0x35: {  	s23 =	rddreg [dreg:$0x11]  }
0x36: {  	s14 =	sshrl.u32 s23, $0x3;
	s23 =	rddreg [dreg:$0x12]  }
0x37: {  	[smem:$0x7F6] =	sst s14  }
0x38: {  	[spmem:s14], [sflag:s24] =	dma.local [hbm:s23], $0x2700  }
0x39: {  	_ =	swait.ge [sflag:s30], $0x2700  }
0x3a: {  	s23 =	sld [smem:$0x7FC];
	_ =	sdelay $0x2  }
0x3b: {  	s14 =	sshrl.u32 @!p0 s23, $0x3;
	s23 =	sld [smem:$0x7FD]  }
0x3c: {  	[sflag:s30] =	ssyncset.done $0x0  }
0x3d: {  	[sflag:s30] =	ssyncadd.s32 $0xFFFFD900;
	[smem:$0x7F7] =	sst s14  }
0x3e: {  	[spmem:s14], [sflag:s24] =	dma.local @!p0 [hbm:s23], $0x100  }
0x3f: {  	s23 =	simm.s32 @!p0 $0x7  }
0x40: {  	_ =	swait.ge @!p0 [sflag:s23], $0x100  }
0x41: {  	[sflag:s23] =	ssyncset.done @!p0 $0x0  }
0x42: {  	[sflag:s23] =	ssyncadd.s32 @!p0 $0xFFFFFF00  }
0x43: {  	[bflag:$0x0] =	sbarrier.arrive $0xFFFF  }
0x44: {  	s14 =	rddreg [dreg:$0x16]  }
0x45: {  	[tilespmem:s4], [sflag:$0x1] =	stream.linear.gather [hbm4b:s14+s4], $0x80, $0x38;
	[tilespmem:$0x19180] =	vst v63  }
0x46: {  	s24 =	rddreg [dreg:$0x17]  }
0x47: {  	[tilespmem:s15], [sflag:$0x1] =	stream.linear.gather [hbm4b:s24+s4], $0x80, $0x38;
	[tilespmem:$0x19180] =	vst v63  }
0x48: {  	s30 =	rddreg [dreg:$0x14]  }
0x49: {  	[tilespmem:s0], [sflag:$0x2] =	stream.linear.gather [hbm4b:s30+s4], $0x80, $0x38;
	[tilespmem:$0x19180] =	vst v63  }
0x4a: {  	s14 =	rddreg [dreg:$0x15]  }
0x4b: {  	[tilespmem:s5], [sflag:$0x2] =	stream.linear.gather [hbm4b:s14+s4], $0x80, $0x38;
	[tilespmem:$0x19180] =	vst v63  }
0x4c: {  	_ =	swait.ge [sflag:s6], $0x80  }
0x4d: {  	[sflag:s6] =	ssyncset.done $0x0  }
0x4e: {  	[sflag:s6] =	ssyncadd.s32 $0xFFFFFF80  }
0x4f: {  	_ =	swait.ge [sflag:s6], $0x80  }
0x50: {  	[sflag:s6] =	ssyncset.done $0x0  }
0x51: {  	[sflag:s6] =	ssyncadd.s32 $0xFFFFFF80  }
0x52: {  	[tilespmem:s31], [sflag:$0x3] =	stream.indirect.gather [hbm4b:s11+s7], $0x1, s4, s7, $0xb8;
	[tilespmem:$0x19180] =	vst v63  }
0x53: {  	_ = 	snop  }
0x54: {  	[tilespmem:s18], [sflag:$0x3] =	stream.indirect.gather [hbm4b:s12+s7], $0x1, s4, s7, $0xb8;
	[tilespmem:$0x19180] =	vst v63  }
0x55: {  	_ = 	snop  }
0x56: {  	[tilespmem:s29], [sflag:$0x3] =	stream.indirect.gather [hbm4b:s2+s7], $0x1, s4, s7, $0xb8;
	[tilespmem:$0x19180] =	vst v63  }
0x57: {  	s24 =	simm.s32 $0x480  }
0x58: {  	[tilespmem:s24], [sflag:$0x3] =	stream.indirect.gather [hbm4b:s11+s7], $0x1, s15, s7, $0xb8;
	[tilespmem:$0x19180] =	vst v63  }
0x59: {  	s30 =	simm.s32 $0x500  }
0x5a: {  	[tilespmem:s30], [sflag:$0x3] =	stream.indirect.gather [hbm4b:s12+s7], $0x1, s15, s7, $0xb8;
	[tilespmem:$0x19180] =	vst v63  }
0x5b: {  	s14 =	simm.s32 $0x580  }
0x5c: {  	[tilespmem:s14], [sflag:$0x3] =	stream.indirect.gather [hbm4b:s2+s7], $0x1, s15, s7, $0xb8;
	[tilespmem:$0x19180] =	vst v63  }
0x5d: {  	_ = 	snop  }
0x5e: {  	[tilespmem:s25], [sflag:$0x3] =	stream.indirect.gather [hbm4b:s1+s7], $0x80, s4, s7, $0xb8;
	[tilespmem:$0x19180] =	vst v63  }
0x5f: {  	_ =	swait.ge [sflag:s26], $0x50  }
0x60: {  	[sflag:s26] =	ssyncset.done $0x0  }
0x61: {  	[sflag:s26] =	ssyncadd.s32 $0xFFFFFFB0  }
0x62: {  	_ =	swait.ge [sflag:s26], $0x50  }
0x63: {  	[sflag:s26] =	ssyncset.done $0x0  }
0x64: {  	[sflag:s26] =	ssyncadd.s32 $0xFFFFFFB0  }
0x65: {  	_ =	swait.ge [sflag:s26], $0x50  }
0x66: {  	[sflag:s26] =	ssyncset.done $0x0  }
0x67: {  	[sflag:s26] =	ssyncadd.s32 $0xFFFFFFB0  }
0x68: {  	_ =	swait.ge [sflag:s26], $0x50  }
0x69: {  	[sflag:s26] =	ssyncset.done $0x0  }
0x6a: {  	[sflag:s26] =	ssyncadd.s32 $0xFFFFFFB0  }
0x6b: {  	_ =	swait.ge [sflag:s26], $0x50  }
0x6c: {  	[sflag:s26] =	ssyncset.done $0x0  }
0x6d: {  	[sflag:s26] =	ssyncadd.s32 $0xFFFFFFB0  }
0x6e: {  	_ =	swait.ge [sflag:s26], $0x50  }
0x6f: {  	[sflag:s26] =	ssyncset.done $0x0  }
0x70: {  	[sflag:s26] =	ssyncadd.s32 $0xFFFFFFB0  }
0x71: {  	_ =	swait.ge [sflag:s26], $0x2800  }
0x72: {  	[sflag:s26] =	ssyncset.done $0x0  }
0x73: {  	[sflag:s26] =	ssyncadd.s32 $0xFFFFD800  }
0x74: {  	v0 =	vld [tilespmem:$0x100]  }
0x75: {  	v1 =	vld [tilespmem:$0x110]  }
0x76: {  	v2 =	vld [tilespmem:$0x120]  }
0x77: {  	v3 =	vld [tilespmem:$0x130]  }
0x78: {  	v4 =	vld [tilespmem:$0x140]  }
0x79: {  	[tilespmem:$0x200] =	vst v0  }
0x7a: {  	[tilespmem:$0x210] =	vst v1  }
0x7b: {  	[tilespmem:$0x220] =	vst v2  }
0x7c: {  	[tilespmem:$0x230] =	vst v3  }
0x7d: {  	s23 =	rddreg [dreg:$0x18];
	[tilespmem:$0x240] =	vst v4  }
0x7e: {  	[tilespmem:s4], [sflag:$0x1] =	stream.linear.gather [hbm4b:s23+s4], $0x80, $0x38;
	[tilespmem:$0x19180] =	vst v63  }
0x7f: {  	s23 =	rddreg [dreg:$0x19]  }
0x80: {  	[tilespmem:s15], [sflag:$0x1] =	stream.linear.gather [hbm4b:s23+s4], $0x80, $0x38;
	[tilespmem:$0x19180] =	vst v63  }
0x81: {  	_ =	swait.ge [sflag:s28], $0x80  }
0x82: {  	[sflag:s28] =	ssyncset.done $0x0  }
0x83: {  	[sflag:s28] =	ssyncadd.s32 $0xFFFFFF80  }
0x84: {  	_ =	swait.ge [sflag:s28], $0x80  }
0x85: {  	[sflag:s28] =	ssyncset.done $0x0  }
0x86: {  	[sflag:s28] =	ssyncadd.s32 $0xFFFFFF80  }
0x87: {  	[tilespmem:s13], [sflag:$0x4] =	stream.indirect.gather [hbm4b:s11+s7], $0x1, s0, s7, $0xb8;
	[tilespmem:$0x19180] =	vst v63  }
0x88: {  	_ = 	snop  }
0x89: {  	[tilespmem:s17], [sflag:$0x4] =	stream.indirect.gather [hbm4b:s12+s7], $0x1, s0, s7, $0xb8;
	[tilespmem:$0x19180] =	vst v63  }
0x8a: {  	_ = 	snop  }
0x8b: {  	[tilespmem:s19], [sflag:$0x4] =	stream.indirect.gather [hbm4b:s2+s7], $0x1, s0, s7, $0xb8;
	[tilespmem:$0x19180] =	vst v63  }
0x8c: {  	s19 =	simm.s32 $0x780  }
0x8d: {  	[tilespmem:s19], [sflag:$0x4] =	stream.indirect.gather [hbm4b:s11+s7], $0x1, s5, s7, $0xb8;
	[tilespmem:$0x19180] =	vst v63  }
0x8e: {  	s23 =	simm.s32 $0x800  }
0x8f: {  	[tilespmem:s23], [sflag:$0x4] =	stream.indirect.gather [hbm4b:s12+s7], $0x1, s5, s7, $0xb8;
	[tilespmem:$0x19180] =	vst v63  }
0x90: {  	s17 =	simm.s32 $0x880  }
0x91: {  	[tilespmem:s17], [sflag:$0x4] =	stream.indirect.gather [hbm4b:s2+s7], $0x1, s5, s7, $0xb8;
	[tilespmem:$0x19180] =	vst v63  }
0x92: {  	_ = 	snop  }
0x93: {  	[tilespmem:s21], [sflag:$0x4] =	stream.indirect.gather [hbm4b:s1+s7], $0x80, s0, s7, $0xb8;
	[tilespmem:$0x19180] =	vst v63  }
0x94: {  	s23 =	simm.s32 $0x200  }
0x95: {  	[spmem:s3] =	stream.indirect.scatter.add.f32 [tilespmem:s25], [sflag:$0x5], $0x80, s23, s7, $0xb8;
	[tilespmem:$0x19180] =	vst v63  }
0x96: {  	_ =	swait.ge [sflag:s8], $0x50  }
0x97: {  	[sflag:s8] =	ssyncset.done $0x0  }
0x98: {  	[sflag:s8] =	ssyncadd.s32 $0xFFFFFFB0  }
0x99: {  	_ =	swait.ge [sflag:s8], $0x50  }
0x9a: {  	[sflag:s8] =	ssyncset.done $0x0  }
0x9b: {  	[sflag:s8] =	ssyncadd.s32 $0xFFFFFFB0  }
0x9c: {  	_ =	swait.ge [sflag:s8], $0x50  }
0x9d: {  	[sflag:s8] =	ssyncset.done $0x0  }
0x9e: {  	[sflag:s8] =	ssyncadd.s32 $0xFFFFFFB0  }
0x9f: {  	_ =	swait.ge [sflag:s8], $0x50  }
0xa0: {  	[sflag:s8] =	ssyncset.done $0x0  }
0xa1: {  	[sflag:s8] =	ssyncadd.s32 $0xFFFFFFB0  }
0xa2: {  	_ =	swait.ge [sflag:s8], $0x50  }
0xa3: {  	[sflag:s8] =	ssyncset.done $0x0  }
0xa4: {  	[sflag:s8] =	ssyncadd.s32 $0xFFFFFFB0  }
0xa5: {  	_ =	swait.ge [sflag:s8], $0x50  }
0xa6: {  	[sflag:s8] =	ssyncset.done $0x0  }
0xa7: {  	[sflag:s8] =	ssyncadd.s32 $0xFFFFFFB0  }
0xa8: {  	_ =	swait.ge [sflag:s8], $0x2800  }
0xa9: {  	[sflag:s8] =	ssyncset.done $0x0  }
0xaa: {  	[sflag:s8] =	ssyncadd.s32 $0xFFFFD800  }
0xab: {  	v49 =	vld [tilespmem:$0x180]  }
0xac: {  	v50 =	vld [tilespmem:$0x190]  }
0xad: {  	v51 =	vld [tilespmem:$0x1A0]  }
0xae: {  	v52 =	vld [tilespmem:$0x1B0]  }
0xaf: {  	v53 =	vld [tilespmem:$0x1C0]  }
0xb0: {  	[tilespmem:$0x280] =	vst v49  }
0xb1: {  	[tilespmem:$0x290] =	vst v50  }
0xb2: {  	[tilespmem:$0x2A0] =	vst v51  }
0xb3: {  	[tilespmem:$0x2B0] =	vst v52  }
0xb4: {  	s17 =	rddreg [dreg:$0x1a];
	[tilespmem:$0x2C0] =	vst v53  }
0xb5: {  	[tilespmem:s0], [sflag:$0x2] =	stream.linear.gather [hbm4b:s17+s4], $0x80, $0x38;
	[tilespmem:$0x19180] =	vst v63  }
0xb6: {  	s13 =	rddreg [dreg:$0x1b]  }
0xb7: {  	[tilespmem:s5], [sflag:$0x2] =	stream.linear.gather [hbm4b:s13+s4], $0x80, $0x38;
	[tilespmem:$0x19180] =	vst v63  }
0xb8: {  	_ =	swait.ge [sflag:s6], $0x80  }
0xb9: {  	[sflag:s6] =	ssyncset.done $0x0  }
0xba: {  	[sflag:s6] =	ssyncadd.s32 $0xFFFFFF80  }
0xbb: {  	_ =	swait.ge [sflag:s6], $0x80  }
0xbc: {  	[sflag:s6] =	ssyncset.done $0x0  }
0xbd: {  	[sflag:s6] =	ssyncadd.s32 $0xFFFFFF80  }
0xbe: {  	_ =	swait.ge [sflag:s9], $0x2800  }
0xbf: {  	[sflag:s9] =	ssyncset.done $0x0  }
0xc0: {  	[sflag:s9] =	ssyncadd.s32 $0xFFFFD800  }
0xc1: {  	[tilespmem:s31], [sflag:$0x3] =	stream.indirect.gather [hbm4b:s11+s7], $0x1, s4, s7, $0xb8;
	[tilespmem:$0x19180] =	vst v63  }
0xc2: {  	_ = 	snop  }
0xc3: {  	[tilespmem:s18], [sflag:$0x3] =	stream.indirect.gather [hbm4b:s12+s7], $0x1, s4, s7, $0xb8;
	[tilespmem:$0x19180] =	vst v63  }
0xc4: {  	_ = 	snop  }
0xc5: {  	[tilespmem:s29], [sflag:$0x3] =	stream.indirect.gather [hbm4b:s2+s7], $0x1, s4, s7, $0xb8;
	[tilespmem:$0x19180] =	vst v63  }
0xc6: {  	_ = 	snop  }
0xc7: {  	[tilespmem:s24], [sflag:$0x3] =	stream.indirect.gather [hbm4b:s11+s7], $0x1, s15, s7, $0xb8;
	[tilespmem:$0x19180] =	vst v63  }
0xc8: {  	_ = 	snop  }
0xc9: {  	[tilespmem:s30], [sflag:$0x3] =	stream.indirect.gather [hbm4b:s12+s7], $0x1, s15, s7, $0xb8;
	[tilespmem:$0x19180] =	vst v63  }
0xca: {  	_ = 	snop  }
0xcb: {  	[tilespmem:s14], [sflag:$0x3] =	stream.indirect.gather [hbm4b:s2+s7], $0x1, s15, s7, $0xb8;
	[tilespmem:$0x19180] =	vst v63  }
0xcc: {  	_ = 	snop  }
0xcd: {  	[tilespmem:s25], [sflag:$0x3] =	stream.indirect.gather [hbm4b:s1+s7], $0x80, s4, s7, $0xb8;
	[tilespmem:$0x19180] =	vst v63  }
0xce: {  	s30 =	simm.s32 $0x280  }
0xcf: {  	[spmem:s3] =	stream.indirect.scatter.add.f32 [tilespmem:s21], [sflag:$0x6], $0x80, s30, s7, $0xb8;
	[tilespmem:$0x19180] =	vst v63  }
0xd0: {  	_ =	swait.ge [sflag:s26], $0x50  }
0xd1: {  	[sflag:s26] =	ssyncset.done $0x0  }
0xd2: {  	[sflag:s26] =	ssyncadd.s32 $0xFFFFFFB0  }
0xd3: {  	_ =	swait.ge [sflag:s26], $0x50  }
0xd4: {  	[sflag:s26] =	ssyncset.done $0x0  }
0xd5: {  	[sflag:s26] =	ssyncadd.s32 $0xFFFFFFB0  }
0xd6: {  	_ =	swait.ge [sflag:s26], $0x50  }
0xd7: {  	[sflag:s26] =	ssyncset.done $0x0  }
0xd8: {  	[sflag:s26] =	ssyncadd.s32 $0xFFFFFFB0  }
0xd9: {  	_ =	swait.ge [sflag:s26], $0x50  }
0xda: {  	[sflag:s26] =	ssyncset.done $0x0  }
0xdb: {  	[sflag:s26] =	ssyncadd.s32 $0xFFFFFFB0  }
0xdc: {  	_ =	swait.ge [sflag:s26], $0x50  }
0xdd: {  	[sflag:s26] =	ssyncset.done $0x0  }
0xde: {  	[sflag:s26] =	ssyncadd.s32 $0xFFFFFFB0  }
0xdf: {  	_ =	swait.ge [sflag:s26], $0x50  }
0xe0: {  	[sflag:s26] =	ssyncset.done $0x0  }
0xe1: {  	[sflag:s26] =	ssyncadd.s32 $0xFFFFFFB0  }
0xe2: {  	_ =	swait.ge [sflag:s26], $0x2800  }
0xe3: {  	[sflag:s26] =	ssyncset.done $0x0  }
0xe4: {  	[sflag:s26] =	ssyncadd.s32 $0xFFFFD800  }
0xe5: {  	v54 =	vld [tilespmem:$0x140]  }
0xe6: {  	v55 =	vld [tilespmem:$0x130]  }
0xe7: {  	v56 =	vld [tilespmem:$0x100]  }
0xe8: {  	v57 =	vld [tilespmem:$0x120]  }
0xe9: {  	s23 =	simm.s32 $0x200;
	v58 =	vld [tilespmem:$0x110]  }
0xea: {  	s14 =	sand.u32 $0x7C00, s23;
	[tilespmem:$0x240] =	vst v54  }
0xeb: {  	s23 =	sand.u32 $0x300, s23;
	s24 =	sadd.s32 s16, s14;
	[tilespmem:$0x230] =	vst v55  }
0xec: {  	s23 =	sor.u32 s23, s24;
	[tilespmem:$0x200] =	vst v56  }
0xed: {  	s23 =	sshrl.u32 s23, $0x3;
	[tilespmem:$0x220] =	vst v57  }
0xee: {  	s14 =	sadd.s32 s20, s23;
	[tilespmem:$0x210] =	vst v58  }
0xef: {  	[tilespmem:s4], [sflag:$0x1] =	stream.linear.gather [hbm4b:s14+s4], $0x80, $0x38;
	[tilespmem:$0x19180] =	vst v63  }
0xf0: {  	s23 =	sadd.s32 s22, s23  }
0xf1: {  	[tilespmem:s15], [sflag:$0x1] =	stream.linear.gather [hbm4b:s23+s4], $0x80, $0x38;
	[tilespmem:$0x19180] =	vst v63  }
0xf2: {  	_ =	swait.ge [sflag:s28], $0x80  }
0xf3: {  	[sflag:s28] =	ssyncset.done $0x0  }
0xf4: {  	[sflag:s28] =	ssyncadd.s32 $0xFFFFFF80  }
0xf5: {  	_ =	swait.ge [sflag:s28], $0x80  }
0xf6: {  	[sflag:s28] =	ssyncset.done $0x0  }
0xf7: {  	[sflag:s28] =	ssyncadd.s32 $0xFFFFFF80  }
0xf8: {  	_ =	swait.ge [sflag:s10], $0x2800  }
0xf9: {  	[sflag:s10] =	ssyncset.done $0x0  }
0xfa: {  	s13 =	simm.s32 $0x600;
	[sflag:s10] =	ssyncadd.s32 $0xFFFFD800  }
0xfb: {  	[tilespmem:s13], [sflag:$0x4] =	stream.indirect.gather [hbm4b:s11+s7], $0x1, s0, s7, $0xb8;
	[tilespmem:$0x19180] =	vst v63  }
0xfc: {  	s17 =	simm.s32 $0x680  }
0xfd: {  	[tilespmem:s17], [sflag:$0x4] =	stream.indirect.gather [hbm4b:s12+s7], $0x1, s0, s7, $0xb8;
	[tilespmem:$0x19180] =	vst v63  }
0xfe: {  	s18 =	simm.s32 $0x700  }
0xff: {  	[tilespmem:s18], [sflag:$0x4] =	stream.indirect.gather [hbm4b:s2+s7], $0x1, s0, s7, $0xb8;
	[tilespmem:$0x19180] =	vst v63  }
0x100: {  	_ = 	snop  }
0x101: {  	[tilespmem:s19], [sflag:$0x4] =	stream.indirect.gather [hbm4b:s11+s7], $0x1, s5, s7, $0xb8;
	[tilespmem:$0x19180] =	vst v63  }
0x102: {  	s14 =	simm.s32 $0x800  }
0x103: {  	[tilespmem:s14], [sflag:$0x4] =	stream.indirect.gather [hbm4b:s12+s7], $0x1, s5, s7, $0xb8;
	[tilespmem:$0x19180] =	vst v63  }
0x104: {  	s17 =	simm.s32 $0x880  }
0x105: {  	[tilespmem:s17], [sflag:$0x4] =	stream.indirect.gather [hbm4b:s2+s7], $0x1, s5, s7, $0xb8;
	[tilespmem:$0x19180] =	vst v63  }
0x106: {  	_ = 	snop  }
0x107: {  	[tilespmem:s21], [sflag:$0x4] =	stream.indirect.gather [hbm4b:s1+s7], $0x80, s0, s7, $0xb8;
	[tilespmem:$0x19180] =	vst v63  }
0x108: {  	s23 =	simm.s32 $0x200  }
0x109: {  	[spmem:s3] =	stream.indirect.scatter.add.f32 [tilespmem:s25], [sflag:$0x5], $0x80, s23, s7, $0xb8;
	[tilespmem:$0x19180] =	vst v63  }
0x10a: {  	_ =	swait.ge [sflag:s8], $0x50  }
0x10b: {  	[sflag:s8] =	ssyncset.done $0x0  }
0x10c: {  	[sflag:s8] =	ssyncadd.s32 $0xFFFFFFB0  }
0x10d: {  	_ =	swait.ge [sflag:s8], $0x50  }
0x10e: {  	[sflag:s8] =	ssyncset.done $0x0  }
0x10f: {  	[sflag:s8] =	ssyncadd.s32 $0xFFFFFFB0  }
0x110: {  	_ =	swait.ge [sflag:s8], $0x50  }
0x111: {  	[sflag:s8] =	ssyncset.done $0x0  }
0x112: {  	[sflag:s8] =	ssyncadd.s32 $0xFFFFFFB0  }
0x113: {  	_ =	swait.ge [sflag:s8], $0x50  }
0x114: {  	[sflag:s8] =	ssyncset.done $0x0  }
0x115: {  	[sflag:s8] =	ssyncadd.s32 $0xFFFFFFB0  }
0x116: {  	_ =	swait.ge [sflag:s8], $0x50  }
0x117: {  	[sflag:s8] =	ssyncset.done $0x0  }
0x118: {  	[sflag:s8] =	ssyncadd.s32 $0xFFFFFFB0  }
0x119: {  	_ =	swait.ge [sflag:s8], $0x50  }
0x11a: {  	[sflag:s8] =	ssyncset.done $0x0  }
0x11b: {  	[sflag:s8] =	ssyncadd.s32 $0xFFFFFFB0  }
0x11c: {  	_ =	swait.ge [sflag:s8], $0x2800  }
0x11d: {  	[sflag:s8] =	ssyncset.done $0x0  }
0x11e: {  	[sflag:s8] =	ssyncadd.s32 $0xFFFFD800  }
0x11f: {  	v59 =	vld [tilespmem:$0x180]  }
0x120: {  	v60 =	vld [tilespmem:$0x1C0]  }
0x121: {  	v61 =	vld [tilespmem:$0x1B0]  }
0x122: {  	v62 =	vld [tilespmem:$0x190]  }
0x123: {  	v63 =	vld [tilespmem:$0x1A0]  }
0x124: {  	s24 =	sand.u32 $0x7C00, s30;
	[tilespmem:$0x280] =	vst v59  }
0x125: {  	s13 =	sand.u32 $0x380, s30;
	s23 =	sadd.s32 s16, s24;
	[tilespmem:$0x2C0] =	vst v60  }
0x126: {  	s23 =	sor.u32 s13, s23;
	[tilespmem:$0x2B0] =	vst v61  }
0x127: {  	s23 =	sshrl.u32 s23, $0x3;
	[tilespmem:$0x290] =	vst v62  }
0x128: {  	s17 =	sadd.s32 s20, s23;
	[tilespmem:$0x2A0] =	vst v63  }
0x129: {  	[tilespmem:s0], [sflag:$0x2] =	stream.linear.gather [hbm4b:s17+s4], $0x80, $0x38;
	[tilespmem:$0x19180] =	vst v63  }
0x12a: {  	s23 =	sadd.s32 s22, s23  }
0x12b: {  	[tilespmem:s5], [sflag:$0x2] =	stream.linear.gather [hbm4b:s23+s4], $0x80, $0x38;
	[tilespmem:$0x19180] =	vst v63  }
0x12c: {  	_ =	swait.ge [sflag:s6], $0x80  }
0x12d: {  	[sflag:s6] =	ssyncset.done $0x0  }
0x12e: {  	[sflag:s6] =	ssyncadd.s32 $0xFFFFFF80  }
0x12f: {  	_ =	swait.ge [sflag:s6], $0x80  }
0x130: {  	[sflag:s6] =	ssyncset.done $0x0  }
0x131: {  	[sflag:s6] =	ssyncadd.s32 $0xFFFFFF80  }
0x132: {  	_ =	swait.ge [sflag:s9], $0x2800  }
0x133: {  	[sflag:s9] =	ssyncset.done $0x0  }
0x134: {  	s30 =	simm.s32 $0x380;
	s18 =	simm.s32 $0x800;
	[sflag:s9] =	ssyncadd.s32 $0xFFFFD800  }
0x135: {  	[tilespmem:s31], [sflag:$0x3] =	stream.indirect.gather [hbm4b:s11+s7], $0x1, s4, s7, $0xb8;
	[tilespmem:$0x19180] =	vst v63  }
0x136: {  	s19 =	simm.s32 $0x880;
	s14 =	simm.s32 $0x200;
	s13 =	simm.s32 $0x380  }
0x137: {  	[tilespmem:s30], [sflag:$0x3] =	stream.indirect.gather [hbm4b:s12+s7], $0x1, s4, s7, $0xb8;
	[tilespmem:$0x19180] =	vst v63  }
0x138: {  	s17 =	simm.s32 $0x400;
	s23 =	simm.s32 $0x380;
	s31 =	simm.s32 $0x300  }
0x139: {  	[tilespmem:s29], [sflag:$0x3] =	stream.indirect.gather [hbm4b:s2+s7], $0x1, s4, s7, $0xb8;
	[tilespmem:$0x19180] =	vst v63  }
.LBB2_2:
0x13a: {  	s24 =	simm.s32 $0x480;
	p1 =	sne.s32 s23, $0x3E80  }
0x13b: {  	[tilespmem:s24], [sflag:$0x3] =	stream.indirect.gather [hbm4b:s11+s7], $0x1, s15, s7, $0xb8;
	[tilespmem:$0x19180] =	vst v63  }
0x13c: {  	s29 =	simm.s32 $0x500;
	s24 =	smov.u32 s23;
	s23 =	sadd.s32 $0x100, s23  }
0x13d: {  	[tilespmem:s29], [sflag:$0x3] =	stream.indirect.gather [hbm4b:s12+s7], $0x1, s15, s7, $0xb8;
	[tilespmem:$0x19180] =	vst v63  }
0x13e: {  	s29 =	simm.s32 $0x580  }
0x13f: {  	[tilespmem:s29], [sflag:$0x3] =	stream.indirect.gather [hbm4b:s2+s7], $0x1, s15, s7, $0xb8;
	[tilespmem:$0x19180] =	vst v63  }
0x140: {  	_ = 	snop  }
0x141: {  	[tilespmem:s25], [sflag:$0x3] =	stream.indirect.gather [hbm4b:s1+s7], $0x80, s4, s7, $0xb8;
	[tilespmem:$0x19180] =	vst v63  }
0x142: {  	s29 =	simm.s32 $0x280  }
0x143: {  	[spmem:s3] =	stream.indirect.scatter.add.f32 [tilespmem:s21], [sflag:$0x6], $0x80, s29, s7, $0xb8;
	[tilespmem:$0x19180] =	vst v63  }
0x144: {  	_ =	swait.ge [sflag:s26], $0x50  }
0x145: {  	[sflag:s26] =	ssyncset.done $0x0  }
0x146: {  	[sflag:s26] =	ssyncadd.s32 $0xFFFFFFB0  }
0x147: {  	_ =	swait.ge [sflag:s26], $0x50  }
0x148: {  	[sflag:s26] =	ssyncset.done $0x0  }
0x149: {  	[sflag:s26] =	ssyncadd.s32 $0xFFFFFFB0  }
0x14a: {  	_ =	swait.ge [sflag:s26], $0x50  }
0x14b: {  	[sflag:s26] =	ssyncset.done $0x0  }
0x14c: {  	[sflag:s26] =	ssyncadd.s32 $0xFFFFFFB0  }
0x14d: {  	_ =	swait.ge [sflag:s26], $0x50  }
0x14e: {  	[sflag:s26] =	ssyncset.done $0x0  }
0x14f: {  	[sflag:s26] =	ssyncadd.s32 $0xFFFFFFB0  }
0x150: {  	_ =	swait.ge [sflag:s26], $0x50  }
0x151: {  	[sflag:s26] =	ssyncset.done $0x0  }
0x152: {  	[sflag:s26] =	ssyncadd.s32 $0xFFFFFFB0  }
0x153: {  	_ =	swait.ge [sflag:s26], $0x50  }
0x154: {  	[sflag:s26] =	ssyncset.done $0x0  }
0x155: {  	[sflag:s26] =	ssyncadd.s32 $0xFFFFFFB0  }
0x156: {  	_ =	swait.ge [sflag:s26], $0x2800  }
0x157: {  	[sflag:s26] =	ssyncset.done $0x0  }
0x158: {  	[sflag:s26] =	ssyncadd.s32 $0xFFFFD800  }
0x159: {  	v0 =	vld [tilespmem:$0x140]  }
0x15a: {  	v1 =	vld [tilespmem:$0x130]  }
0x15b: {  	v2 =	vld [tilespmem:$0x100]  }
0x15c: {  	v3 =	vld [tilespmem:$0x120]  }
0x15d: {  	s29 =	sadd.s32 $0xFFFFFF80, s24;
	v4 =	vld [tilespmem:$0x110]  }
0x15e: {  	s30 =	sand.u32 $0x7C00, s29;
	[tilespmem:$0x240] =	vst v0  }
0x15f: {  	s29 =	sand.u32 $0x300, s29;
	s30 =	sadd.s32 s16, s30;
	[tilespmem:$0x230] =	vst v1  }
0x160: {  	s29 =	sor.u32 s29, s30;
	[tilespmem:$0x200] =	vst v2  }
0x161: {  	s29 =	sshrl.u32 s29, $0x3;
	[tilespmem:$0x220] =	vst v3  }
0x162: {  	s30 =	sadd.s32 s20, s29;
	[tilespmem:$0x210] =	vst v4  }
0x163: {  	[tilespmem:s4], [sflag:$0x1] =	stream.linear.gather [hbm4b:s30+s4], $0x80, $0x38;
	[tilespmem:$0x19180] =	vst v63  }
0x164: {  	s29 =	sadd.s32 s22, s29  }
0x165: {  	[tilespmem:s15], [sflag:$0x1] =	stream.linear.gather [hbm4b:s29+s4], $0x80, $0x38;
	[tilespmem:$0x19180] =	vst v63  }
0x166: {  	_ =	swait.ge [sflag:s28], $0x80  }
0x167: {  	[sflag:s28] =	ssyncset.done $0x0  }
0x168: {  	[sflag:s28] =	ssyncadd.s32 $0xFFFFFF80  }
0x169: {  	_ =	swait.ge [sflag:s28], $0x80  }
0x16a: {  	[sflag:s28] =	ssyncset.done $0x0  }
0x16b: {  	[sflag:s28] =	ssyncadd.s32 $0xFFFFFF80  }
0x16c: {  	_ =	swait.ge [sflag:s10], $0x2800  }
0x16d: {  	[sflag:s10] =	ssyncset.done $0x0  }
0x16e: {  	s29 =	simm.s32 $0x600;
	[sflag:s10] =	ssyncadd.s32 $0xFFFFD800  }
0x16f: {  	[tilespmem:s29], [sflag:$0x4] =	stream.indirect.gather [hbm4b:s11+s7], $0x1, s0, s7, $0xb8;
	[tilespmem:$0x19180] =	vst v63  }
0x170: {  	s29 =	simm.s32 $0x680  }
0x171: {  	[tilespmem:s29], [sflag:$0x4] =	stream.indirect.gather [hbm4b:s12+s7], $0x1, s0, s7, $0xb8;
	[tilespmem:$0x19180] =	vst v63  }
0x172: {  	s29 =	simm.s32 $0x700  }
0x173: {  	[tilespmem:s29], [sflag:$0x4] =	stream.indirect.gather [hbm4b:s2+s7], $0x1, s0, s7, $0xb8;
	[tilespmem:$0x19180] =	vst v63  }
0x174: {  	s29 =	simm.s32 $0x780  }
0x175: {  	[tilespmem:s29], [sflag:$0x4] =	stream.indirect.gather [hbm4b:s11+s7], $0x1, s5, s7, $0xb8;
	[tilespmem:$0x19180] =	vst v63  }
0x176: {  	_ = 	snop  }
0x177: {  	[tilespmem:s18], [sflag:$0x4] =	stream.indirect.gather [hbm4b:s12+s7], $0x1, s5, s7, $0xb8;
	[tilespmem:$0x19180] =	vst v63  }
0x178: {  	_ = 	snop  }
0x179: {  	[tilespmem:s19], [sflag:$0x4] =	stream.indirect.gather [hbm4b:s2+s7], $0x1, s5, s7, $0xb8;
	[tilespmem:$0x19180] =	vst v63  }
0x17a: {  	_ = 	snop  }
0x17b: {  	[tilespmem:s21], [sflag:$0x4] =	stream.indirect.gather [hbm4b:s1+s7], $0x80, s0, s7, $0xb8;
	[tilespmem:$0x19180] =	vst v63  }
0x17c: {  	_ = 	snop  }
0x17d: {  	[spmem:s3] =	stream.indirect.scatter.add.f32 [tilespmem:s25], [sflag:$0x5], $0x80, s14, s7, $0xb8;
	[tilespmem:$0x19180] =	vst v63  }
0x17e: {  	_ =	swait.ge [sflag:s8], $0x50  }
0x17f: {  	[sflag:s8] =	ssyncset.done $0x0  }
0x180: {  	[sflag:s8] =	ssyncadd.s32 $0xFFFFFFB0  }
0x181: {  	_ =	swait.ge [sflag:s8], $0x50  }
0x182: {  	[sflag:s8] =	ssyncset.done $0x0  }
0x183: {  	[sflag:s8] =	ssyncadd.s32 $0xFFFFFFB0  }
0x184: {  	_ =	swait.ge [sflag:s8], $0x50  }
0x185: {  	[sflag:s8] =	ssyncset.done $0x0  }
0x186: {  	[sflag:s8] =	ssyncadd.s32 $0xFFFFFFB0  }
0x187: {  	_ =	swait.ge [sflag:s8], $0x50  }
0x188: {  	[sflag:s8] =	ssyncset.done $0x0  }
0x189: {  	[sflag:s8] =	ssyncadd.s32 $0xFFFFFFB0  }
0x18a: {  	_ =	swait.ge [sflag:s8], $0x50  }
0x18b: {  	[sflag:s8] =	ssyncset.done $0x0  }
0x18c: {  	[sflag:s8] =	ssyncadd.s32 $0xFFFFFFB0  }
0x18d: {  	_ =	swait.ge [sflag:s8], $0x50  }
0x18e: {  	[sflag:s8] =	ssyncset.done $0x0  }
0x18f: {  	[sflag:s8] =	ssyncadd.s32 $0xFFFFFFB0  }
0x190: {  	_ =	swait.ge [sflag:s8], $0x2800  }
0x191: {  	[sflag:s8] =	ssyncset.done $0x0  }
0x192: {  	[sflag:s8] =	ssyncadd.s32 $0xFFFFD800  }
0x193: {  	v0 =	vld [tilespmem:$0x180]  }
0x194: {  	v1 =	vld [tilespmem:$0x1C0]  }
0x195: {  	v2 =	vld [tilespmem:$0x1B0]  }
0x196: {  	v3 =	vld [tilespmem:$0x190]  }
0x197: {  	s29 =	sand.u32 $0x7C00, s24;
	v4 =	vld [tilespmem:$0x1A0]  }
0x198: {  	s24 =	sand.u32 $0x380, s24;
	s29 =	sadd.s32 s16, s29;
	[tilespmem:$0x280] =	vst v0  }
0x199: {  	s24 =	sor.u32 s24, s29;
	[tilespmem:$0x2C0] =	vst v1  }
0x19a: {  	s24 =	sshrl.u32 s24, $0x3;
	[tilespmem:$0x2B0] =	vst v2  }
0x19b: {  	s29 =	sadd.s32 s20, s24;
	[tilespmem:$0x290] =	vst v3  }
0x19c: {  	s24 =	sadd.s32 s22, s24;
	[tilespmem:$0x2A0] =	vst v4  }
0x19d: {  	[tilespmem:s0], [sflag:$0x2] =	stream.linear.gather [hbm4b:s29+s4], $0x80, $0x38;
	[tilespmem:$0x19180] =	vst v63  }
0x19e: {  	_ = 	snop  }
0x19f: {  	[tilespmem:s5], [sflag:$0x2] =	stream.linear.gather [hbm4b:s24+s4], $0x80, $0x38;
	[tilespmem:$0x19180] =	vst v63  }
0x1a0: {  	_ =	swait.ge [sflag:s6], $0x80  }
0x1a1: {  	[sflag:s6] =	ssyncset.done $0x0  }
0x1a2: {  	[sflag:s6] =	ssyncadd.s32 $0xFFFFFF80  }
0x1a3: {  	_ =	swait.ge [sflag:s6], $0x80  }
0x1a4: {  	[sflag:s6] =	ssyncset.done $0x0  }
0x1a5: {  	[sflag:s6] =	ssyncadd.s32 $0xFFFFFF80  }
0x1a6: {  	_ =	swait.ge [sflag:s9], $0x2800  }
0x1a7: {  	[sflag:s9] =	ssyncset.done $0x0  }
0x1a8: {  	[sflag:s9] =	ssyncadd.s32 $0xFFFFD800  }
0x1a9: {  	[tilespmem:s31], [sflag:$0x3] =	stream.indirect.gather [hbm4b:s11+s7], $0x1, s4, s7, $0xb8;
	[tilespmem:$0x19180] =	vst v63  }
.Ltmp0:
0x1aa: {  	_ = 	snop;
	(pc) =	sbr.rel @p1 .LBB2_2-.Ltmp0, $4  }
0x1ab: {  	_ = 	snop  }
0x1ac: {  	[tilespmem:s13], [sflag:$0x3] =	stream.indirect.gather [hbm4b:s12+s7], $0x1, s4, s7, $0xb8;
	[tilespmem:$0x19180] =	vst v63  }
0x1ad: {  	_ = 	snop  }
0x1ae: {  	[tilespmem:s17], [sflag:$0x3] =	stream.indirect.gather [hbm4b:s2+s7], $0x1, s4, s7, $0xb8;
	[tilespmem:$0x19180] =	vst v63  }
0x1af: {  	s13 =	simm.s32 $0x480  }
0x1b0: {  	[tilespmem:s13], [sflag:$0x3] =	stream.indirect.gather [hbm4b:s11+s7], $0x1, s15, s7, $0xb8;
	[tilespmem:$0x19180] =	vst v63  }
0x1b1: {  	s18 =	simm.s32 $0x500  }
0x1b2: {  	[tilespmem:s18], [sflag:$0x3] =	stream.indirect.gather [hbm4b:s12+s7], $0x1, s15, s7, $0xb8;
	[tilespmem:$0x19180] =	vst v63  }
0x1b3: {  	s19 =	simm.s32 $0x580  }
0x1b4: {  	[tilespmem:s19], [sflag:$0x3] =	stream.indirect.gather [hbm4b:s2+s7], $0x1, s15, s7, $0xb8;
	[tilespmem:$0x19180] =	vst v63  }
0x1b5: {  	_ = 	snop  }
0x1b6: {  	[tilespmem:s25], [sflag:$0x3] =	stream.indirect.gather [hbm4b:s1+s7], $0x80, s4, s7, $0xb8;
	[tilespmem:$0x19180] =	vst v63  }
0x1b7: {  	s23 =	simm.s32 $0x280  }
0x1b8: {  	[spmem:s3] =	stream.indirect.scatter.add.f32 [tilespmem:s21], [sflag:$0x6], $0x80, s23, s7, $0xb8;
	[tilespmem:$0x19180] =	vst v63  }
0x1b9: {  	_ =	swait.ge [sflag:s26], $0x50  }
0x1ba: {  	[sflag:s26] =	ssyncset.done $0x0  }
0x1bb: {  	[sflag:s26] =	ssyncadd.s32 $0xFFFFFFB0  }
0x1bc: {  	_ =	swait.ge [sflag:s26], $0x50  }
0x1bd: {  	[sflag:s26] =	ssyncset.done $0x0  }
0x1be: {  	[sflag:s26] =	ssyncadd.s32 $0xFFFFFFB0  }
0x1bf: {  	_ =	swait.ge [sflag:s26], $0x50  }
0x1c0: {  	[sflag:s26] =	ssyncset.done $0x0  }
0x1c1: {  	[sflag:s26] =	ssyncadd.s32 $0xFFFFFFB0  }
0x1c2: {  	_ =	swait.ge [sflag:s26], $0x50  }
0x1c3: {  	[sflag:s26] =	ssyncset.done $0x0  }
0x1c4: {  	[sflag:s26] =	ssyncadd.s32 $0xFFFFFFB0  }
0x1c5: {  	_ =	swait.ge [sflag:s26], $0x50  }
0x1c6: {  	[sflag:s26] =	ssyncset.done $0x0  }
0x1c7: {  	[sflag:s26] =	ssyncadd.s32 $0xFFFFFFB0  }
0x1c8: {  	_ =	swait.ge [sflag:s26], $0x50  }
0x1c9: {  	[sflag:s26] =	ssyncset.done $0x0  }
0x1ca: {  	[sflag:s26] =	ssyncadd.s32 $0xFFFFFFB0  }
0x1cb: {  	_ =	swait.ge [sflag:s26], $0x2800  }
0x1cc: {  	[sflag:s26] =	ssyncset.done $0x0  }
0x1cd: {  	[sflag:s26] =	ssyncadd.s32 $0xFFFFD800  }
0x1ce: {  	v0 =	vld [tilespmem:$0x100]  }
0x1cf: {  	v1 =	vld [tilespmem:$0x110]  }
0x1d0: {  	v2 =	vld [tilespmem:$0x120]  }
0x1d1: {  	v3 =	vld [tilespmem:$0x130]  }
0x1d2: {  	v4 =	vld [tilespmem:$0x140]  }
0x1d3: {  	[tilespmem:$0x200] =	vst v0  }
0x1d4: {  	[tilespmem:$0x210] =	vst v1  }
0x1d5: {  	[tilespmem:$0x220] =	vst v2  }
0x1d6: {  	[tilespmem:$0x230] =	vst v3  }
0x1d7: {  	s24 =	simm.s32 $0x200;
	[tilespmem:$0x240] =	vst v4  }
0x1d8: {  	[spmem:s3] =	stream.indirect.scatter.add.f32 [tilespmem:s25], [sflag:$0x5], $0x80, s24, s7, $0xb8;
	[tilespmem:$0x19180] =	vst v63  }
0x1d9: {  	_ =	swait.ge [sflag:s10], $0x2800  }
0x1da: {  	[sflag:s10] =	ssyncset.done $0x0  }
0x1db: {  	[sflag:s10] =	ssyncadd.s32 $0xFFFFD800  }
0x1dc: {  	_ =	swait.ge [sflag:s9], $0x2800  }
0x1dd: {  	[sflag:s9] =	ssyncset.done $0x0  }
0x1de: {  	[sflag:s9] =	ssyncadd.s32 $0xFFFFD800  }
0x1df: {  	_ =	swait.ge [sflag:s28], $0x80  }
0x1e0: {  	[sflag:s28] =	ssyncset.done $0x0  }
0x1e1: {  	[sflag:s28] =	ssyncadd.s32 $0xFFFFFF80  }
0x1e2: {  	_ =	swait.ge [sflag:s28], $0x80  }
0x1e3: {  	[sflag:s28] =	ssyncset.done $0x0  }
0x1e4: {  	[sflag:s28] =	ssyncadd.s32 $0xFFFFFF80  }
0x1e5: {  	[bflag:$0x0] =	sbarrier.arrive $0xFFFF  }
0x1e6: {  	s29 =	sld [smem:$0x7F6]  }
0x1e7: {  	s23 =	rddreg [dreg:$0x5]  }
0x1e8: {  	s24 =	simm.s32 $0x7;
	s30 =	rddreg [dreg:$0x13]  }
0x1e9: {  	[hbm:s23], [sflag:s30] =	dma.local [spmem:s29], $0x680  }
0x1ea: {  	_ =	swait.ge [sflag:s24], $0x680  }
0x1eb: {  	s14 =	rddreg [dreg:$0x1c]  }
0x1ec: {  	[sflag:s24] =	ssyncset.done $0x0;
	s29 =	rddreg [dreg:$0x6];
	s23 =	sshrl.u32 s14, $0x3  }
0x1ed: {  	[sflag:s24] =	ssyncadd.s32 $0xFFFFF980;
	[smem:$0x7F0] =	sst s23  }
0x1ee: {  	[hbm:s29], [sflag:s30] =	dma.local [spmem:s23], $0x680  }
0x1ef: {  	_ =	swait.ge [sflag:s24], $0x680  }
0x1f0: {  	s14 =	rddreg [dreg:$0x1d]  }
0x1f1: {  	[sflag:s24] =	ssyncset.done $0x0;
	s29 =	rddreg [dreg:$0x7];
	s23 =	sshrl.u32 s14, $0x3  }
0x1f2: {  	[sflag:s24] =	ssyncadd.s32 $0xFFFFF980;
	[smem:$0x7F1] =	sst s23  }
0x1f3: {  	[hbm:s29], [sflag:s30] =	dma.local [spmem:s23], $0x680  }
0x1f4: {  	_ =	swait.ge [sflag:s24], $0x680  }
0x1f5: {  	s14 =	rddreg [dreg:$0x1e]  }
0x1f6: {  	[sflag:s24] =	ssyncset.done $0x0;
	s29 =	rddreg [dreg:$0x8];
	s23 =	sshrl.u32 s14, $0x3  }
0x1f7: {  	[sflag:s24] =	ssyncadd.s32 $0xFFFFF980;
	[smem:$0x7F2] =	sst s23  }
0x1f8: {  	[hbm:s29], [sflag:s30] =	dma.local [spmem:s23], $0x680  }
0x1f9: {  	_ =	swait.ge [sflag:s24], $0x680  }
0x1fa: {  	s14 =	rddreg [dreg:$0x1f]  }
0x1fb: {  	[sflag:s24] =	ssyncset.done $0x0;
	s29 =	rddreg [dreg:$0x9];
	s23 =	sshrl.u32 s14, $0x3  }
0x1fc: {  	[sflag:s24] =	ssyncadd.s32 $0xFFFFF980;
	[smem:$0x7F3] =	sst s23  }
0x1fd: {  	[hbm:s29], [sflag:s30] =	dma.local [spmem:s23], $0x680  }
0x1fe: {  	_ =	swait.ge [sflag:s24], $0x680  }
0x1ff: {  	s14 =	sld [smem:$0x7F8];
	_ =	sdelay $0x2  }
0x200: {  	[sflag:s24] =	ssyncset.done $0x0;
	s29 =	rddreg [dreg:$0xa];
	s23 =	sshrl.u32 s14, $0x3  }
0x201: {  	[sflag:s24] =	ssyncadd.s32 $0xFFFFF980;
	[smem:$0x7F4] =	sst s23  }
0x202: {  	[hbm:s29], [sflag:s30] =	dma.local [spmem:s23], $0x680  }
0x203: {  	_ =	swait.ge [sflag:s24], $0x680  }
0x204: {  	[sflag:s24] =	ssyncset.done $0x0  }
0x205: {  	[sflag:s24] =	ssyncadd.s32 $0xFFFFF980;
	s24 =	rddreg [dreg:$0x11]  }
0x206: {  	s29 =	rddreg [dreg:$0x12];
	s23 =	sshrl.u32 @p0 s24, $0x3  }
0x207: {  	[spmem:s23], [sflag:s30] =	dma.local @p0 [hbm:s29], $0x2700  }
0x208: {  	s23 =	simm.s32 @p0 $0x7  }
0x209: {  	_ =	swait.ge @p0 [sflag:s23], $0x2700  }
0x20a: {  	[sflag:s23] =	ssyncset.done @p0 $0x0;
	s13 =	sld [smem:$0x7F7]  }
0x20b: {  	[sflag:s23] =	ssyncadd.s32 @p0 $0xFFFFD900;
	s23 =	sld [smem:$0x7F9];
	_ =	sdelay $0x2  }
0x20c: {  	[hbm:s23], [sflag:s30] =	dma.local @!p0 [spmem:s13], $0x100  }
0x20d: {  	s23 =	simm.s32 @!p0 $0x7  }
0x20e: {  	_ =	swait.ge @!p0 [sflag:s23], $0x100  }
0x20f: {  	[sflag:s23] =	ssyncset.done @!p0 $0x0  }
0x210: {  	s24 =	sshrl.u32 @!p0 s24, $0x3;
	[sflag:s23] =	ssyncadd.s32 @!p0 $0xFFFFFF00  }
0x211: {  	[spmem:s24], [sflag:s30] =	dma.local @!p0 [hbm:s29], $0x2700  }
0x212: {  	_ =	swait.ge @!p0 [sflag:s23], $0x2700  }
0x213: {  	s24 =	sld [smem:$0x7FD]  }
0x214: {  	[sflag:s23] =	ssyncset.done @!p0 $0x0  }
0x215: {  	[sflag:s23] =	ssyncadd.s32 @!p0 $0xFFFFD900  }
0x216: {  	[spmem:s13], [sflag:s30] =	dma.local @!p0 [hbm:s24], $0x100  }
0x217: {  	_ =	swait.ge @!p0 [sflag:s23], $0x100  }
0x218: {  	[sflag:s23] =	ssyncset.done @!p0 $0x0  }
0x219: {  	[sflag:s23] =	ssyncadd.s32 @!p0 $0xFFFFFF00  }
0x21a: {  	[bflag:$0x0] =	sbarrier.arrive $0xFFFF  }
0x21b: {  	s30 =	rddreg [dreg:$0x16]  }
0x21c: {  	[tilespmem:s4], [sflag:$0x1] =	stream.linear.gather [hbm4b:s30+s4], $0x80, $0x38;
	[tilespmem:$0x19180] =	vst v63  }
0x21d: {  	s13 =	rddreg [dreg:$0x17]  }
0x21e: {  	[tilespmem:s15], [sflag:$0x1] =	stream.linear.gather [hbm4b:s13+s4], $0x80, $0x38;
	[tilespmem:$0x19180] =	vst v63  }
0x21f: {  	s14 =	rddreg [dreg:$0x14]  }
0x220: {  	[tilespmem:s0], [sflag:$0x2] =	stream.linear.gather [hbm4b:s14+s4], $0x80, $0x38;
	[tilespmem:$0x19180] =	vst v63  }
0x221: {  	s24 =	rddreg [dreg:$0x15]  }
0x222: {  	[tilespmem:s5], [sflag:$0x2] =	stream.linear.gather [hbm4b:s24+s4], $0x80, $0x38;
	[tilespmem:$0x19180] =	vst v63  }
0x223: {  	_ =	swait.ge [sflag:s6], $0x80  }
0x224: {  	[sflag:s6] =	ssyncset.done $0x0  }
0x225: {  	[sflag:s6] =	ssyncadd.s32 $0xFFFFFF80  }
0x226: {  	_ =	swait.ge [sflag:s6], $0x80  }
0x227: {  	[sflag:s6] =	ssyncset.done $0x0  }
0x228: {  	s14 =	simm.s32 $0x300;
	[sflag:s6] =	ssyncadd.s32 $0xFFFFFF80  }
0x229: {  	[tilespmem:s14], [sflag:$0x3] =	stream.indirect.gather [hbm4b:s11+s7], $0x1, s4, s7, $0xb8;
	[tilespmem:$0x19180] =	vst v63  }
0x22a: {  	s29 =	simm.s32 $0x380  }
0x22b: {  	[tilespmem:s29], [sflag:$0x3] =	stream.indirect.gather [hbm4b:s12+s7], $0x1, s4, s7, $0xb8;
	[tilespmem:$0x19180] =	vst v63  }
0x22c: {  	s30 =	simm.s32 $0x400  }
0x22d: {  	[tilespmem:s30], [sflag:$0x3] =	stream.indirect.gather [hbm4b:s2+s7], $0x1, s4, s7, $0xb8;
	[tilespmem:$0x19180] =	vst v63  }
0x22e: {  	s17 =	simm.s32 $0x480  }
0x22f: {  	[tilespmem:s17], [sflag:$0x3] =	stream.indirect.gather [hbm4b:s11+s7], $0x1, s15, s7, $0xb8;
	[tilespmem:$0x19180] =	vst v63  }
0x230: {  	s18 =	simm.s32 $0x500  }
0x231: {  	[tilespmem:s18], [sflag:$0x3] =	stream.indirect.gather [hbm4b:s12+s7], $0x1, s15, s7, $0xb8;
	[tilespmem:$0x19180] =	vst v63  }
0x232: {  	s19 =	simm.s32 $0x580  }
0x233: {  	[tilespmem:s19], [sflag:$0x3] =	stream.indirect.gather [hbm4b:s2+s7], $0x1, s15, s7, $0xb8;
	[tilespmem:$0x19180] =	vst v63  }
0x234: {  	_ = 	snop  }
0x235: {  	[tilespmem:s25], [sflag:$0x3] =	stream.indirect.gather [hbm4b:s1+s7], $0x80, s4, s7, $0xb8;
	[tilespmem:$0x19180] =	vst v63  }
0x236: {  	_ =	swait.ge [sflag:s26], $0x50  }
0x237: {  	[sflag:s26] =	ssyncset.done $0x0  }
0x238: {  	[sflag:s26] =	ssyncadd.s32 $0xFFFFFFB0  }
0x239: {  	_ =	swait.ge [sflag:s26], $0x50  }
0x23a: {  	[sflag:s26] =	ssyncset.done $0x0  }
0x23b: {  	[sflag:s26] =	ssyncadd.s32 $0xFFFFFFB0  }
0x23c: {  	_ =	swait.ge [sflag:s26], $0x50  }
0x23d: {  	[sflag:s26] =	ssyncset.done $0x0  }
0x23e: {  	[sflag:s26] =	ssyncadd.s32 $0xFFFFFFB0  }
0x23f: {  	_ =	swait.ge [sflag:s26], $0x50  }
0x240: {  	[sflag:s26] =	ssyncset.done $0x0  }
0x241: {  	[sflag:s26] =	ssyncadd.s32 $0xFFFFFFB0  }
0x242: {  	_ =	swait.ge [sflag:s26], $0x50  }
0x243: {  	[sflag:s26] =	ssyncset.done $0x0  }
0x244: {  	[sflag:s26] =	ssyncadd.s32 $0xFFFFFFB0  }
0x245: {  	_ =	swait.ge [sflag:s26], $0x50  }
0x246: {  	[sflag:s26] =	ssyncset.done $0x0  }
0x247: {  	[sflag:s26] =	ssyncadd.s32 $0xFFFFFFB0  }
0x248: {  	_ =	swait.ge [sflag:s26], $0x2800  }
0x249: {  	[sflag:s26] =	ssyncset.done $0x0  }
0x24a: {  	[sflag:s26] =	ssyncadd.s32 $0xFFFFD800  }
0x24b: {  	v44 =	vld [tilespmem:$0x100]  }
0x24c: {  	v45 =	vld [tilespmem:$0x110]  }
0x24d: {  	v46 =	vld [tilespmem:$0x120]  }
0x24e: {  	v47 =	vld [tilespmem:$0x130]  }
0x24f: {  	v48 =	vld [tilespmem:$0x140]  }
0x250: {  	[tilespmem:$0x200] =	vst v44  }
0x251: {  	[tilespmem:$0x210] =	vst v45  }
0x252: {  	[tilespmem:$0x220] =	vst v46  }
0x253: {  	[tilespmem:$0x230] =	vst v47  }
0x254: {  	s18 =	rddreg [dreg:$0x18];
	[tilespmem:$0x240] =	vst v48  }
0x255: {  	[tilespmem:s4], [sflag:$0x1] =	stream.linear.gather [hbm4b:s18+s4], $0x80, $0x38;
	[tilespmem:$0x19180] =	vst v63  }
0x256: {  	s19 =	rddreg [dreg:$0x19]  }
0x257: {  	[tilespmem:s15], [sflag:$0x1] =	stream.linear.gather [hbm4b:s19+s4], $0x80, $0x38;
	[tilespmem:$0x19180] =	vst v63  }
0x258: {  	_ =	swait.ge [sflag:s28], $0x80  }
0x259: {  	[sflag:s28] =	ssyncset.done $0x0  }
0x25a: {  	[sflag:s28] =	ssyncadd.s32 $0xFFFFFF80  }
0x25b: {  	_ =	swait.ge [sflag:s28], $0x80  }
0x25c: {  	[sflag:s28] =	ssyncset.done $0x0  }
0x25d: {  	s19 =	simm.s32 $0x600;
	[sflag:s28] =	ssyncadd.s32 $0xFFFFFF80  }
0x25e: {  	[tilespmem:s19], [sflag:$0x4] =	stream.indirect.gather [hbm4b:s11+s7], $0x1, s0, s7, $0xb8;
	[tilespmem:$0x19180] =	vst v63  }
0x25f: {  	s17 =	simm.s32 $0x680  }
0x260: {  	[tilespmem:s17], [sflag:$0x4] =	stream.indirect.gather [hbm4b:s12+s7], $0x1, s0, s7, $0xb8;
	[tilespmem:$0x19180] =	vst v63  }
0x261: {  	s13 =	simm.s32 $0x700  }
0x262: {  	[tilespmem:s13], [sflag:$0x4] =	stream.indirect.gather [hbm4b:s2+s7], $0x1, s0, s7, $0xb8;
	[tilespmem:$0x19180] =	vst v63  }
0x263: {  	s18 =	simm.s32 $0x780  }
0x264: {  	[tilespmem:s18], [sflag:$0x4] =	stream.indirect.gather [hbm4b:s11+s7], $0x1, s5, s7, $0xb8;
	[tilespmem:$0x19180] =	vst v63  }
0x265: {  	s30 =	simm.s32 $0x800  }
0x266: {  	[tilespmem:s30], [sflag:$0x4] =	stream.indirect.gather [hbm4b:s12+s7], $0x1, s5, s7, $0xb8;
	[tilespmem:$0x19180] =	vst v63  }
0x267: {  	s23 =	simm.s32 $0x880  }
0x268: {  	[tilespmem:s23], [sflag:$0x4] =	stream.indirect.gather [hbm4b:s2+s7], $0x1, s5, s7, $0xb8;
	[tilespmem:$0x19180] =	vst v63  }
0x269: {  	_ = 	snop  }
0x26a: {  	[tilespmem:s21], [sflag:$0x4] =	stream.indirect.gather [hbm4b:s1+s7], $0x80, s0, s7, $0xb8;
	[tilespmem:$0x19180] =	vst v63  }
0x26b: {  	s23 =	simm.s32 $0x200  }
0x26c: {  	[spmem:s3] =	stream.indirect.scatter.add.f32 [tilespmem:s25], [sflag:$0x5], $0x80, s23, s7, $0xb8;
	[tilespmem:$0x19180] =	vst v63  }
0x26d: {  	_ =	swait.ge [sflag:s8], $0x50  }
0x26e: {  	[sflag:s8] =	ssyncset.done $0x0  }
0x26f: {  	[sflag:s8] =	ssyncadd.s32 $0xFFFFFFB0  }
0x270: {  	_ =	swait.ge [sflag:s8], $0x50  }
0x271: {  	[sflag:s8] =	ssyncset.done $0x0  }
0x272: {  	[sflag:s8] =	ssyncadd.s32 $0xFFFFFFB0  }
0x273: {  	_ =	swait.ge [sflag:s8], $0x50  }
0x274: {  	[sflag:s8] =	ssyncset.done $0x0  }
0x275: {  	[sflag:s8] =	ssyncadd.s32 $0xFFFFFFB0  }
0x276: {  	_ =	swait.ge [sflag:s8], $0x50  }
0x277: {  	[sflag:s8] =	ssyncset.done $0x0  }
0x278: {  	[sflag:s8] =	ssyncadd.s32 $0xFFFFFFB0  }
0x279: {  	_ =	swait.ge [sflag:s8], $0x50  }
0x27a: {  	[sflag:s8] =	ssyncset.done $0x0  }
0x27b: {  	[sflag:s8] =	ssyncadd.s32 $0xFFFFFFB0  }
0x27c: {  	_ =	swait.ge [sflag:s8], $0x50  }
0x27d: {  	[sflag:s8] =	ssyncset.done $0x0  }
0x27e: {  	[sflag:s8] =	ssyncadd.s32 $0xFFFFFFB0  }
0x27f: {  	_ =	swait.ge [sflag:s8], $0x2800  }
0x280: {  	[sflag:s8] =	ssyncset.done $0x0  }
0x281: {  	[sflag:s8] =	ssyncadd.s32 $0xFFFFD800  }
0x282: {  	v49 =	vld [tilespmem:$0x180]  }
0x283: {  	v50 =	vld [tilespmem:$0x190]  }
0x284: {  	v51 =	vld [tilespmem:$0x1A0]  }
0x285: {  	v52 =	vld [tilespmem:$0x1B0]  }
0x286: {  	v53 =	vld [tilespmem:$0x1C0]  }
0x287: {  	[tilespmem:$0x280] =	vst v49  }
0x288: {  	[tilespmem:$0x290] =	vst v50  }
0x289: {  	[tilespmem:$0x2A0] =	vst v51  }
0x28a: {  	[tilespmem:$0x2B0] =	vst v52  }
0x28b: {  	s23 =	rddreg [dreg:$0x1a];
	[tilespmem:$0x2C0] =	vst v53  }
0x28c: {  	[tilespmem:s0], [sflag:$0x2] =	stream.linear.gather [hbm4b:s23+s4], $0x80, $0x38;
	[tilespmem:$0x19180] =	vst v63  }
0x28d: {  	s23 =	rddreg [dreg:$0x1b]  }
0x28e: {  	[tilespmem:s5], [sflag:$0x2] =	stream.linear.gather [hbm4b:s23+s4], $0x80, $0x38;
	[tilespmem:$0x19180] =	vst v63  }
0x28f: {  	_ =	swait.ge [sflag:s6], $0x80  }
0x290: {  	[sflag:s6] =	ssyncset.done $0x0  }
0x291: {  	[sflag:s6] =	ssyncadd.s32 $0xFFFFFF80  }
0x292: {  	_ =	swait.ge [sflag:s6], $0x80  }
0x293: {  	[sflag:s6] =	ssyncset.done $0x0  }
0x294: {  	[sflag:s6] =	ssyncadd.s32 $0xFFFFFF80  }
0x295: {  	_ =	swait.ge [sflag:s9], $0x2800  }
0x296: {  	[sflag:s9] =	ssyncset.done $0x0  }
0x297: {  	[sflag:s9] =	ssyncadd.s32 $0xFFFFD800  }
0x298: {  	[tilespmem:s14], [sflag:$0x3] =	stream.indirect.gather [hbm4b:s11+s7], $0x1, s4, s7, $0xb8;
	[tilespmem:$0x19180] =	vst v63  }
0x299: {  	s23 =	simm.s32 $0x380  }
0x29a: {  	[tilespmem:s23], [sflag:$0x3] =	stream.indirect.gather [hbm4b:s12+s7], $0x1, s4, s7, $0xb8;
	[tilespmem:$0x19180] =	vst v63  }
0x29b: {  	s29 =	simm.s32 $0x400  }
0x29c: {  	[tilespmem:s29], [sflag:$0x3] =	stream.indirect.gather [hbm4b:s2+s7], $0x1, s4, s7, $0xb8;
	[tilespmem:$0x19180] =	vst v63  }
0x29d: {  	s24 =	simm.s32 $0x480  }
0x29e: {  	[tilespmem:s24], [sflag:$0x3] =	stream.indirect.gather [hbm4b:s11+s7], $0x1, s15, s7, $0xb8;
	[tilespmem:$0x19180] =	vst v63  }
0x29f: {  	s31 =	simm.s32 $0x500  }
0x2a0: {  	[tilespmem:s31], [sflag:$0x3] =	stream.indirect.gather [hbm4b:s12+s7], $0x1, s15, s7, $0xb8;
	[tilespmem:$0x19180] =	vst v63  }
0x2a1: {  	s24 =	simm.s32 $0x580  }
0x2a2: {  	[tilespmem:s24], [sflag:$0x3] =	stream.indirect.gather [hbm4b:s2+s7], $0x1, s15, s7, $0xb8;
	[tilespmem:$0x19180] =	vst v63  }
0x2a3: {  	_ = 	snop  }
0x2a4: {  	[tilespmem:s25], [sflag:$0x3] =	stream.indirect.gather [hbm4b:s1+s7], $0x80, s4, s7, $0xb8;
	[tilespmem:$0x19180] =	vst v63  }
0x2a5: {  	s23 =	simm.s32 $0x280  }
0x2a6: {  	[spmem:s3] =	stream.indirect.scatter.add.f32 [tilespmem:s21], [sflag:$0x6], $0x80, s23, s7, $0xb8;
	[tilespmem:$0x19180] =	vst v63  }
0x2a7: {  	_ =	swait.ge [sflag:s26], $0x50  }
0x2a8: {  	[sflag:s26] =	ssyncset.done $0x0  }
0x2a9: {  	[sflag:s26] =	ssyncadd.s32 $0xFFFFFFB0  }
0x2aa: {  	_ =	swait.ge [sflag:s26], $0x50  }
0x2ab: {  	[sflag:s26] =	ssyncset.done $0x0  }
0x2ac: {  	[sflag:s26] =	ssyncadd.s32 $0xFFFFFFB0  }
0x2ad: {  	_ =	swait.ge [sflag:s26], $0x50  }
0x2ae: {  	[sflag:s26] =	ssyncset.done $0x0  }
0x2af: {  	[sflag:s26] =	ssyncadd.s32 $0xFFFFFFB0  }
0x2b0: {  	_ =	swait.ge [sflag:s26], $0x50  }
0x2b1: {  	[sflag:s26] =	ssyncset.done $0x0  }
0x2b2: {  	[sflag:s26] =	ssyncadd.s32 $0xFFFFFFB0  }
0x2b3: {  	_ =	swait.ge [sflag:s26], $0x50  }
0x2b4: {  	[sflag:s26] =	ssyncset.done $0x0  }
0x2b5: {  	[sflag:s26] =	ssyncadd.s32 $0xFFFFFFB0  }
0x2b6: {  	_ =	swait.ge [sflag:s26], $0x50  }
0x2b7: {  	[sflag:s26] =	ssyncset.done $0x0  }
0x2b8: {  	[sflag:s26] =	ssyncadd.s32 $0xFFFFFFB0  }
0x2b9: {  	_ =	swait.ge [sflag:s26], $0x2800  }
0x2ba: {  	[sflag:s26] =	ssyncset.done $0x0  }
0x2bb: {  	[sflag:s26] =	ssyncadd.s32 $0xFFFFD800  }
0x2bc: {  	v54 =	vld [tilespmem:$0x140]  }
0x2bd: {  	v55 =	vld [tilespmem:$0x130]  }
0x2be: {  	v56 =	vld [tilespmem:$0x100]  }
0x2bf: {  	v57 =	vld [tilespmem:$0x120]  }
0x2c0: {  	s24 =	simm.s32 $0x200;
	v58 =	vld [tilespmem:$0x110]  }
0x2c1: {  	s29 =	sand.u32 $0x7C00, s24;
	[tilespmem:$0x240] =	vst v54  }
0x2c2: {  	s24 =	sand.u32 $0x300, s24;
	s29 =	sadd.s32 s16, s29;
	[tilespmem:$0x230] =	vst v55  }
0x2c3: {  	s24 =	sor.u32 s24, s29;
	[tilespmem:$0x200] =	vst v56  }
0x2c4: {  	s24 =	sshrl.u32 s24, $0x3;
	[tilespmem:$0x220] =	vst v57  }
0x2c5: {  	s29 =	sadd.s32 s20, s24;
	[tilespmem:$0x210] =	vst v58  }
0x2c6: {  	[tilespmem:s4], [sflag:$0x1] =	stream.linear.gather [hbm4b:s29+s4], $0x80, $0x38;
	[tilespmem:$0x19180] =	vst v63  }
0x2c7: {  	s24 =	sadd.s32 s22, s24  }
0x2c8: {  	[tilespmem:s15], [sflag:$0x1] =	stream.linear.gather [hbm4b:s24+s4], $0x80, $0x38;
	[tilespmem:$0x19180] =	vst v63  }
0x2c9: {  	_ =	swait.ge [sflag:s28], $0x80  }
0x2ca: {  	[sflag:s28] =	ssyncset.done $0x0  }
0x2cb: {  	[sflag:s28] =	ssyncadd.s32 $0xFFFFFF80  }
0x2cc: {  	_ =	swait.ge [sflag:s28], $0x80  }
0x2cd: {  	[sflag:s28] =	ssyncset.done $0x0  }
0x2ce: {  	[sflag:s28] =	ssyncadd.s32 $0xFFFFFF80  }
0x2cf: {  	_ =	swait.ge [sflag:s10], $0x2800  }
0x2d0: {  	[sflag:s10] =	ssyncset.done $0x0  }
0x2d1: {  	[sflag:s10] =	ssyncadd.s32 $0xFFFFD800  }
0x2d2: {  	[tilespmem:s19], [sflag:$0x4] =	stream.indirect.gather [hbm4b:s11+s7], $0x1, s0, s7, $0xb8;
	[tilespmem:$0x19180] =	vst v63  }
0x2d3: {  	_ = 	snop  }
0x2d4: {  	[tilespmem:s17], [sflag:$0x4] =	stream.indirect.gather [hbm4b:s12+s7], $0x1, s0, s7, $0xb8;
	[tilespmem:$0x19180] =	vst v63  }
0x2d5: {  	_ = 	snop  }
0x2d6: {  	[tilespmem:s13], [sflag:$0x4] =	stream.indirect.gather [hbm4b:s2+s7], $0x1, s0, s7, $0xb8;
	[tilespmem:$0x19180] =	vst v63  }
0x2d7: {  	_ = 	snop  }
0x2d8: {  	[tilespmem:s18], [sflag:$0x4] =	stream.indirect.gather [hbm4b:s11+s7], $0x1, s5, s7, $0xb8;
	[tilespmem:$0x19180] =	vst v63  }
0x2d9: {  	_ = 	snop  }
0x2da: {  	[tilespmem:s30], [sflag:$0x4] =	stream.indirect.gather [hbm4b:s12+s7], $0x1, s5, s7, $0xb8;
	[tilespmem:$0x19180] =	vst v63  }
0x2db: {  	s29 =	simm.s32 $0x880  }
0x2dc: {  	[tilespmem:s29], [sflag:$0x4] =	stream.indirect.gather [hbm4b:s2+s7], $0x1, s5, s7, $0xb8;
	[tilespmem:$0x19180] =	vst v63  }
0x2dd: {  	_ = 	snop  }
0x2de: {  	[tilespmem:s21], [sflag:$0x4] =	stream.indirect.gather [hbm4b:s1+s7], $0x80, s0, s7, $0xb8;
	[tilespmem:$0x19180] =	vst v63  }
0x2df: {  	s30 =	simm.s32 $0x200  }
0x2e0: {  	[spmem:s3] =	stream.indirect.scatter.add.f32 [tilespmem:s25], [sflag:$0x5], $0x80, s30, s7, $0xb8;
	[tilespmem:$0x19180] =	vst v63  }
0x2e1: {  	_ =	swait.ge [sflag:s8], $0x50  }
0x2e2: {  	[sflag:s8] =	ssyncset.done $0x0  }
0x2e3: {  	[sflag:s8] =	ssyncadd.s32 $0xFFFFFFB0  }
0x2e4: {  	_ =	swait.ge [sflag:s8], $0x50  }
0x2e5: {  	[sflag:s8] =	ssyncset.done $0x0  }
0x2e6: {  	[sflag:s8] =	ssyncadd.s32 $0xFFFFFFB0  }
0x2e7: {  	_ =	swait.ge [sflag:s8], $0x50  }
0x2e8: {  	[sflag:s8] =	ssyncset.done $0x0  }
0x2e9: {  	[sflag:s8] =	ssyncadd.s32 $0xFFFFFFB0  }
0x2ea: {  	_ =	swait.ge [sflag:s8], $0x50  }
0x2eb: {  	[sflag:s8] =	ssyncset.done $0x0  }
0x2ec: {  	[sflag:s8] =	ssyncadd.s32 $0xFFFFFFB0  }
0x2ed: {  	_ =	swait.ge [sflag:s8], $0x50  }
0x2ee: {  	[sflag:s8] =	ssyncset.done $0x0  }
0x2ef: {  	[sflag:s8] =	ssyncadd.s32 $0xFFFFFFB0  }
0x2f0: {  	_ =	swait.ge [sflag:s8], $0x50  }
0x2f1: {  	[sflag:s8] =	ssyncset.done $0x0  }
0x2f2: {  	[sflag:s8] =	ssyncadd.s32 $0xFFFFFFB0  }
0x2f3: {  	_ =	swait.ge [sflag:s8], $0x2800  }
0x2f4: {  	[sflag:s8] =	ssyncset.done $0x0  }
0x2f5: {  	[sflag:s8] =	ssyncadd.s32 $0xFFFFD800  }
0x2f6: {  	v59 =	vld [tilespmem:$0x180]  }
0x2f7: {  	v60 =	vld [tilespmem:$0x1C0]  }
0x2f8: {  	v61 =	vld [tilespmem:$0x1B0]  }
0x2f9: {  	v62 =	vld [tilespmem:$0x190]  }
0x2fa: {  	v63 =	vld [tilespmem:$0x1A0]  }
0x2fb: {  	s17 =	sand.u32 $0x7C00, s23;
	[tilespmem:$0x280] =	vst v59  }
0x2fc: {  	s23 =	sand.u32 $0x380, s23;
	s24 =	sadd.s32 s16, s17;
	[tilespmem:$0x2C0] =	vst v60  }
0x2fd: {  	s23 =	sor.u32 s23, s24;
	[tilespmem:$0x2B0] =	vst v61  }
0x2fe: {  	s23 =	sshrl.u32 s23, $0x3;
	[tilespmem:$0x290] =	vst v62  }
0x2ff: {  	s19 =	sadd.s32 s20, s23;
	[tilespmem:$0x2A0] =	vst v63  }
0x300: {  	[tilespmem:s0], [sflag:$0x2] =	stream.linear.gather [hbm4b:s19+s4], $0x80, $0x38;
	[tilespmem:$0x19180] =	vst v63  }
0x301: {  	s23 =	sadd.s32 s22, s23  }
0x302: {  	[tilespmem:s5], [sflag:$0x2] =	stream.linear.gather [hbm4b:s23+s4], $0x80, $0x38;
	[tilespmem:$0x19180] =	vst v63  }
0x303: {  	_ =	swait.ge [sflag:s6], $0x80  }
0x304: {  	[sflag:s6] =	ssyncset.done $0x0  }
0x305: {  	[sflag:s6] =	ssyncadd.s32 $0xFFFFFF80  }
0x306: {  	_ =	swait.ge [sflag:s6], $0x80  }
0x307: {  	[sflag:s6] =	ssyncset.done $0x0  }
0x308: {  	[sflag:s6] =	ssyncadd.s32 $0xFFFFFF80  }
0x309: {  	_ =	swait.ge [sflag:s9], $0x2800  }
0x30a: {  	s31 =	simm.s32 $0x780;
	[sflag:s9] =	ssyncset.done $0x0  }
0x30b: {  	s17 =	simm.s32 $0x300;
	s13 =	simm.s32 $0x880;
	[sflag:s9] =	ssyncadd.s32 $0xFFFFD800  }
0x30c: {  	[tilespmem:s14], [sflag:$0x3] =	stream.indirect.gather [hbm4b:s11+s7], $0x1, s4, s7, $0xb8;
	[tilespmem:$0x19180] =	vst v63  }
0x30d: {  	s18 =	simm.s32 $0x800;
	s29 =	simm.s32 $0x380;
	s30 =	simm.s32 $0x400  }
0x30e: {  	[tilespmem:s29], [sflag:$0x3] =	stream.indirect.gather [hbm4b:s12+s7], $0x1, s4, s7, $0xb8;
	[tilespmem:$0x19180] =	vst v63  }
0x30f: {  	s19 =	simm.s32 $0x400;
	s23 =	simm.s32 $0x380;
	s14 =	simm.s32 $0x380  }
0x310: {  	[tilespmem:s30], [sflag:$0x3] =	stream.indirect.gather [hbm4b:s2+s7], $0x1, s4, s7, $0xb8;
	[tilespmem:$0x19180] =	vst v63  }
.LBB2_4:
0x311: {  	s24 =	simm.s32 $0x480;
	p1 =	sne.s32 s23, $0x3E80  }
0x312: {  	[tilespmem:s24], [sflag:$0x3] =	stream.indirect.gather [hbm4b:s11+s7], $0x1, s15, s7, $0xb8;
	[tilespmem:$0x19180] =	vst v63  }
0x313: {  	s29 =	simm.s32 $0x500;
	s24 =	smov.u32 s23;
	s23 =	sadd.s32 $0x100, s23  }
0x314: {  	[tilespmem:s29], [sflag:$0x3] =	stream.indirect.gather [hbm4b:s12+s7], $0x1, s15, s7, $0xb8;
	[tilespmem:$0x19180] =	vst v63  }
0x315: {  	s29 =	simm.s32 $0x580  }
0x316: {  	[tilespmem:s29], [sflag:$0x3] =	stream.indirect.gather [hbm4b:s2+s7], $0x1, s15, s7, $0xb8;
	[tilespmem:$0x19180] =	vst v63  }
0x317: {  	_ = 	snop  }
0x318: {  	[tilespmem:s25], [sflag:$0x3] =	stream.indirect.gather [hbm4b:s1+s7], $0x80, s4, s7, $0xb8;
	[tilespmem:$0x19180] =	vst v63  }
0x319: {  	s29 =	simm.s32 $0x280  }
0x31a: {  	[spmem:s3] =	stream.indirect.scatter.add.f32 [tilespmem:s21], [sflag:$0x6], $0x80, s29, s7, $0xb8;
	[tilespmem:$0x19180] =	vst v63  }
0x31b: {  	_ =	swait.ge [sflag:s26], $0x50  }
0x31c: {  	[sflag:s26] =	ssyncset.done $0x0  }
0x31d: {  	[sflag:s26] =	ssyncadd.s32 $0xFFFFFFB0  }
0x31e: {  	_ =	swait.ge [sflag:s26], $0x50  }
0x31f: {  	[sflag:s26] =	ssyncset.done $0x0  }
0x320: {  	[sflag:s26] =	ssyncadd.s32 $0xFFFFFFB0  }
0x321: {  	_ =	swait.ge [sflag:s26], $0x50  }
0x322: {  	[sflag:s26] =	ssyncset.done $0x0  }
0x323: {  	[sflag:s26] =	ssyncadd.s32 $0xFFFFFFB0  }
0x324: {  	_ =	swait.ge [sflag:s26], $0x50  }
0x325: {  	[sflag:s26] =	ssyncset.done $0x0  }
0x326: {  	[sflag:s26] =	ssyncadd.s32 $0xFFFFFFB0  }
0x327: {  	_ =	swait.ge [sflag:s26], $0x50  }
0x328: {  	[sflag:s26] =	ssyncset.done $0x0  }
0x329: {  	[sflag:s26] =	ssyncadd.s32 $0xFFFFFFB0  }
0x32a: {  	_ =	swait.ge [sflag:s26], $0x50  }
0x32b: {  	[sflag:s26] =	ssyncset.done $0x0  }
0x32c: {  	[sflag:s26] =	ssyncadd.s32 $0xFFFFFFB0  }
0x32d: {  	_ =	swait.ge [sflag:s26], $0x2800  }
0x32e: {  	[sflag:s26] =	ssyncset.done $0x0  }
0x32f: {  	[sflag:s26] =	ssyncadd.s32 $0xFFFFD800  }
0x330: {  	v0 =	vld [tilespmem:$0x140]  }
0x331: {  	v1 =	vld [tilespmem:$0x130]  }
0x332: {  	v2 =	vld [tilespmem:$0x100]  }
0x333: {  	v3 =	vld [tilespmem:$0x120]  }
0x334: {  	s29 =	sadd.s32 $0xFFFFFF80, s24;
	v4 =	vld [tilespmem:$0x110]  }
0x335: {  	s30 =	sand.u32 $0x7C00, s29;
	[tilespmem:$0x240] =	vst v0  }
0x336: {  	s29 =	sand.u32 $0x300, s29;
	s30 =	sadd.s32 s16, s30;
	[tilespmem:$0x230] =	vst v1  }
0x337: {  	s29 =	sor.u32 s29, s30;
	[tilespmem:$0x200] =	vst v2  }
0x338: {  	s29 =	sshrl.u32 s29, $0x3;
	[tilespmem:$0x220] =	vst v3  }
0x339: {  	s30 =	sadd.s32 s20, s29;
	[tilespmem:$0x210] =	vst v4  }
0x33a: {  	[tilespmem:s4], [sflag:$0x1] =	stream.linear.gather [hbm4b:s30+s4], $0x80, $0x38;
	[tilespmem:$0x19180] =	vst v63  }
0x33b: {  	s29 =	sadd.s32 s22, s29  }
0x33c: {  	[tilespmem:s15], [sflag:$0x1] =	stream.linear.gather [hbm4b:s29+s4], $0x80, $0x38;
	[tilespmem:$0x19180] =	vst v63  }
0x33d: {  	_ =	swait.ge [sflag:s28], $0x80  }
0x33e: {  	[sflag:s28] =	ssyncset.done $0x0  }
0x33f: {  	[sflag:s28] =	ssyncadd.s32 $0xFFFFFF80  }
0x340: {  	_ =	swait.ge [sflag:s28], $0x80  }
0x341: {  	[sflag:s28] =	ssyncset.done $0x0  }
0x342: {  	[sflag:s28] =	ssyncadd.s32 $0xFFFFFF80  }
0x343: {  	_ =	swait.ge [sflag:s10], $0x2800  }
0x344: {  	[sflag:s10] =	ssyncset.done $0x0  }
0x345: {  	s29 =	simm.s32 $0x600;
	[sflag:s10] =	ssyncadd.s32 $0xFFFFD800  }
0x346: {  	[tilespmem:s29], [sflag:$0x4] =	stream.indirect.gather [hbm4b:s11+s7], $0x1, s0, s7, $0xb8;
	[tilespmem:$0x19180] =	vst v63  }
0x347: {  	s29 =	simm.s32 $0x680  }
0x348: {  	[tilespmem:s29], [sflag:$0x4] =	stream.indirect.gather [hbm4b:s12+s7], $0x1, s0, s7, $0xb8;
	[tilespmem:$0x19180] =	vst v63  }
0x349: {  	s29 =	simm.s32 $0x700  }
0x34a: {  	[tilespmem:s29], [sflag:$0x4] =	stream.indirect.gather [hbm4b:s2+s7], $0x1, s0, s7, $0xb8;
	[tilespmem:$0x19180] =	vst v63  }
0x34b: {  	_ = 	snop  }
0x34c: {  	[tilespmem:s31], [sflag:$0x4] =	stream.indirect.gather [hbm4b:s11+s7], $0x1, s5, s7, $0xb8;
	[tilespmem:$0x19180] =	vst v63  }
0x34d: {  	_ = 	snop  }
0x34e: {  	[tilespmem:s18], [sflag:$0x4] =	stream.indirect.gather [hbm4b:s12+s7], $0x1, s5, s7, $0xb8;
	[tilespmem:$0x19180] =	vst v63  }
0x34f: {  	_ = 	snop  }
0x350: {  	[tilespmem:s13], [sflag:$0x4] =	stream.indirect.gather [hbm4b:s2+s7], $0x1, s5, s7, $0xb8;
	[tilespmem:$0x19180] =	vst v63  }
0x351: {  	_ = 	snop  }
0x352: {  	[tilespmem:s21], [sflag:$0x4] =	stream.indirect.gather [hbm4b:s1+s7], $0x80, s0, s7, $0xb8;
	[tilespmem:$0x19180] =	vst v63  }
0x353: {  	s29 =	simm.s32 $0x200  }
0x354: {  	[spmem:s3] =	stream.indirect.scatter.add.f32 [tilespmem:s25], [sflag:$0x5], $0x80, s29, s7, $0xb8;
	[tilespmem:$0x19180] =	vst v63  }
0x355: {  	_ =	swait.ge [sflag:s8], $0x50  }
0x356: {  	[sflag:s8] =	ssyncset.done $0x0  }
0x357: {  	[sflag:s8] =	ssyncadd.s32 $0xFFFFFFB0  }
0x358: {  	_ =	swait.ge [sflag:s8], $0x50  }
0x359: {  	[sflag:s8] =	ssyncset.done $0x0  }
0x35a: {  	[sflag:s8] =	ssyncadd.s32 $0xFFFFFFB0  }
0x35b: {  	_ =	swait.ge [sflag:s8], $0x50  }
0x35c: {  	[sflag:s8] =	ssyncset.done $0x0  }
0x35d: {  	[sflag:s8] =	ssyncadd.s32 $0xFFFFFFB0  }
0x35e: {  	_ =	swait.ge [sflag:s8], $0x50  }
0x35f: {  	[sflag:s8] =	ssyncset.done $0x0  }
0x360: {  	[sflag:s8] =	ssyncadd.s32 $0xFFFFFFB0  }
0x361: {  	_ =	swait.ge [sflag:s8], $0x50  }
0x362: {  	[sflag:s8] =	ssyncset.done $0x0  }
0x363: {  	[sflag:s8] =	ssyncadd.s32 $0xFFFFFFB0  }
0x364: {  	_ =	swait.ge [sflag:s8], $0x50  }
0x365: {  	[sflag:s8] =	ssyncset.done $0x0  }
0x366: {  	[sflag:s8] =	ssyncadd.s32 $0xFFFFFFB0  }
0x367: {  	_ =	swait.ge [sflag:s8], $0x2800  }
0x368: {  	[sflag:s8] =	ssyncset.done $0x0  }
0x369: {  	[sflag:s8] =	ssyncadd.s32 $0xFFFFD800  }
0x36a: {  	v0 =	vld [tilespmem:$0x180]  }
0x36b: {  	v1 =	vld [tilespmem:$0x1C0]  }
0x36c: {  	v2 =	vld [tilespmem:$0x1B0]  }
0x36d: {  	v3 =	vld [tilespmem:$0x190]  }
0x36e: {  	s29 =	sand.u32 $0x7C00, s24;
	v4 =	vld [tilespmem:$0x1A0]  }
0x36f: {  	s24 =	sand.u32 $0x380, s24;
	s29 =	sadd.s32 s16, s29;
	[tilespmem:$0x280] =	vst v0  }
0x370: {  	s24 =	sor.u32 s24, s29;
	[tilespmem:$0x2C0] =	vst v1  }
0x371: {  	s24 =	sshrl.u32 s24, $0x3;
	[tilespmem:$0x2B0] =	vst v2  }
0x372: {  	s29 =	sadd.s32 s20, s24;
	[tilespmem:$0x290] =	vst v3  }
0x373: {  	s24 =	sadd.s32 s22, s24;
	[tilespmem:$0x2A0] =	vst v4  }
0x374: {  	[tilespmem:s0], [sflag:$0x2] =	stream.linear.gather [hbm4b:s29+s4], $0x80, $0x38;
	[tilespmem:$0x19180] =	vst v63  }
0x375: {  	_ = 	snop  }
0x376: {  	[tilespmem:s5], [sflag:$0x2] =	stream.linear.gather [hbm4b:s24+s4], $0x80, $0x38;
	[tilespmem:$0x19180] =	vst v63  }
0x377: {  	_ =	swait.ge [sflag:s6], $0x80  }
0x378: {  	[sflag:s6] =	ssyncset.done $0x0  }
0x379: {  	[sflag:s6] =	ssyncadd.s32 $0xFFFFFF80  }
0x37a: {  	_ =	swait.ge [sflag:s6], $0x80  }
0x37b: {  	[sflag:s6] =	ssyncset.done $0x0  }
0x37c: {  	[sflag:s6] =	ssyncadd.s32 $0xFFFFFF80  }
0x37d: {  	_ =	swait.ge [sflag:s9], $0x2800  }
0x37e: {  	[sflag:s9] =	ssyncset.done $0x0  }
0x37f: {  	[sflag:s9] =	ssyncadd.s32 $0xFFFFD800  }
0x380: {  	[tilespmem:s17], [sflag:$0x3] =	stream.indirect.gather [hbm4b:s11+s7], $0x1, s4, s7, $0xb8;
	[tilespmem:$0x19180] =	vst v63  }
.Ltmp1:
0x381: {  	_ = 	snop;
	(pc) =	sbr.rel @p1 .LBB2_4-.Ltmp1, $4  }
0x382: {  	_ = 	snop  }
0x383: {  	[tilespmem:s14], [sflag:$0x3] =	stream.indirect.gather [hbm4b:s12+s7], $0x1, s4, s7, $0xb8;
	[tilespmem:$0x19180] =	vst v63  }
0x384: {  	_ = 	snop  }
0x385: {  	[tilespmem:s19], [sflag:$0x3] =	stream.indirect.gather [hbm4b:s2+s7], $0x1, s4, s7, $0xb8;
	[tilespmem:$0x19180] =	vst v63  }
0x386: {  	s13 =	simm.s32 $0x480  }
0x387: {  	[tilespmem:s13], [sflag:$0x3] =	stream.indirect.gather [hbm4b:s11+s7], $0x1, s15, s7, $0xb8;
	[tilespmem:$0x19180] =	vst v63  }
0x388: {  	s19 =	simm.s32 $0x500  }
0x389: {  	[tilespmem:s19], [sflag:$0x3] =	stream.indirect.gather [hbm4b:s12+s7], $0x1, s15, s7, $0xb8;
	[tilespmem:$0x19180] =	vst v63  }
0x38a: {  	s23 =	simm.s32 $0x580  }
0x38b: {  	[tilespmem:s23], [sflag:$0x3] =	stream.indirect.gather [hbm4b:s2+s7], $0x1, s15, s7, $0xb8;
	[tilespmem:$0x19180] =	vst v63  }
0x38c: {  	_ = 	snop  }
0x38d: {  	[tilespmem:s25], [sflag:$0x3] =	stream.indirect.gather [hbm4b:s1+s7], $0x80, s4, s7, $0xb8;
	[tilespmem:$0x19180] =	vst v63  }
0x38e: {  	s24 =	simm.s32 $0x280  }
0x38f: {  	[spmem:s3] =	stream.indirect.scatter.add.f32 [tilespmem:s21], [sflag:$0x6], $0x80, s24, s7, $0xb8;
	[tilespmem:$0x19180] =	vst v63  }
0x390: {  	_ =	swait.ge [sflag:s26], $0x50  }
0x391: {  	[sflag:s26] =	ssyncset.done $0x0  }
0x392: {  	[sflag:s26] =	ssyncadd.s32 $0xFFFFFFB0  }
0x393: {  	_ =	swait.ge [sflag:s26], $0x50  }
0x394: {  	[sflag:s26] =	ssyncset.done $0x0  }
0x395: {  	[sflag:s26] =	ssyncadd.s32 $0xFFFFFFB0  }
0x396: {  	_ =	swait.ge [sflag:s26], $0x50  }
0x397: {  	[sflag:s26] =	ssyncset.done $0x0  }
0x398: {  	[sflag:s26] =	ssyncadd.s32 $0xFFFFFFB0  }
0x399: {  	_ =	swait.ge [sflag:s26], $0x50  }
0x39a: {  	[sflag:s26] =	ssyncset.done $0x0  }
0x39b: {  	[sflag:s26] =	ssyncadd.s32 $0xFFFFFFB0  }
0x39c: {  	_ =	swait.ge [sflag:s26], $0x50  }
0x39d: {  	[sflag:s26] =	ssyncset.done $0x0  }
0x39e: {  	[sflag:s26] =	ssyncadd.s32 $0xFFFFFFB0  }
0x39f: {  	_ =	swait.ge [sflag:s26], $0x50  }
0x3a0: {  	[sflag:s26] =	ssyncset.done $0x0  }
0x3a1: {  	[sflag:s26] =	ssyncadd.s32 $0xFFFFFFB0  }
0x3a2: {  	_ =	swait.ge [sflag:s26], $0x2800  }
0x3a3: {  	[sflag:s26] =	ssyncset.done $0x0  }
0x3a4: {  	[sflag:s26] =	ssyncadd.s32 $0xFFFFD800  }
0x3a5: {  	v0 =	vld [tilespmem:$0x100]  }
0x3a6: {  	v1 =	vld [tilespmem:$0x110]  }
0x3a7: {  	v2 =	vld [tilespmem:$0x120]  }
0x3a8: {  	v3 =	vld [tilespmem:$0x130]  }
0x3a9: {  	v4 =	vld [tilespmem:$0x140]  }
0x3aa: {  	[tilespmem:$0x200] =	vst v0  }
0x3ab: {  	[tilespmem:$0x210] =	vst v1  }
0x3ac: {  	[tilespmem:$0x220] =	vst v2  }
0x3ad: {  	[tilespmem:$0x230] =	vst v3  }
0x3ae: {  	s14 =	simm.s32 $0x200;
	[tilespmem:$0x240] =	vst v4  }
0x3af: {  	[spmem:s3] =	stream.indirect.scatter.add.f32 [tilespmem:s25], [sflag:$0x5], $0x80, s14, s7, $0xb8;
	[tilespmem:$0x19180] =	vst v63  }
0x3b0: {  	_ =	swait.ge [sflag:s10], $0x2800  }
0x3b1: {  	[sflag:s10] =	ssyncset.done $0x0  }
0x3b2: {  	[sflag:s10] =	ssyncadd.s32 $0xFFFFD800  }
0x3b3: {  	_ =	swait.ge [sflag:s9], $0x2800  }
0x3b4: {  	[sflag:s9] =	ssyncset.done $0x0  }
0x3b5: {  	[sflag:s9] =	ssyncadd.s32 $0xFFFFD800  }
0x3b6: {  	_ =	swait.ge [sflag:s28], $0x80  }
0x3b7: {  	[sflag:s28] =	ssyncset.done $0x0  }
0x3b8: {  	[sflag:s28] =	ssyncadd.s32 $0xFFFFFF80  }
0x3b9: {  	_ =	swait.ge [sflag:s28], $0x80  }
0x3ba: {  	[sflag:s28] =	ssyncset.done $0x0  }
0x3bb: {  	[sflag:s28] =	ssyncadd.s32 $0xFFFFFF80  }
0x3bc: {  	[bflag:$0x0] =	sbarrier.arrive $0xFFFF  }
0x3bd: {  	s17 =	sld [smem:$0x7F6]  }
0x3be: {  	s23 =	rddreg [dreg:$0xb]  }
0x3bf: {  	s30 =	simm.s32 $0x7;
	s24 =	rddreg [dreg:$0x13]  }
0x3c0: {  	[hbm:s23], [sflag:s24] =	dma.local [spmem:s17], $0x680  }
0x3c1: {  	_ =	swait.ge [sflag:s30], $0x680  }
0x3c2: {  	s19 =	sld [smem:$0x7F0]  }
0x3c3: {  	[sflag:s30] =	ssyncset.done $0x0  }
0x3c4: {  	s18 =	rddreg [dreg:$0xc];
	[sflag:s30] =	ssyncadd.s32 $0xFFFFF980  }
0x3c5: {  	[hbm:s18], [sflag:s24] =	dma.local [spmem:s19], $0x680  }
0x3c6: {  	_ =	swait.ge [sflag:s30], $0x680  }
0x3c7: {  	s17 =	sld [smem:$0x7F1]  }
0x3c8: {  	[sflag:s30] =	ssyncset.done $0x0  }
0x3c9: {  	s14 =	rddreg [dreg:$0xd];
	[sflag:s30] =	ssyncadd.s32 $0xFFFFF980  }
0x3ca: {  	[hbm:s14], [sflag:s24] =	dma.local [spmem:s17], $0x680  }
0x3cb: {  	_ =	swait.ge [sflag:s30], $0x680  }
0x3cc: {  	s19 =	sld [smem:$0x7F2]  }
0x3cd: {  	[sflag:s30] =	ssyncset.done $0x0  }
0x3ce: {  	s18 =	rddreg [dreg:$0xe];
	[sflag:s30] =	ssyncadd.s32 $0xFFFFF980  }
0x3cf: {  	[hbm:s18], [sflag:s24] =	dma.local [spmem:s19], $0x680  }
0x3d0: {  	_ =	swait.ge [sflag:s30], $0x680  }
0x3d1: {  	s17 =	sld [smem:$0x7F3]  }
0x3d2: {  	[sflag:s30] =	ssyncset.done $0x0  }
0x3d3: {  	s14 =	rddreg [dreg:$0xf];
	[sflag:s30] =	ssyncadd.s32 $0xFFFFF980  }
0x3d4: {  	[hbm:s14], [sflag:s24] =	dma.local [spmem:s17], $0x680  }
0x3d5: {  	_ =	swait.ge [sflag:s30], $0x680  }
0x3d6: {  	s19 =	sld [smem:$0x7F4]  }
0x3d7: {  	[sflag:s30] =	ssyncset.done $0x0  }
0x3d8: {  	s18 =	rddreg [dreg:$0x10];
	[sflag:s30] =	ssyncadd.s32 $0xFFFFF980  }
0x3d9: {  	[hbm:s18], [sflag:s24] =	dma.local [spmem:s19], $0x680  }
0x3da: {  	_ =	swait.ge [sflag:s30], $0x680  }
0x3db: {  	s23 =	sld [smem:$0x7FA]  }
0x3dc: {  	s13 =	sld [smem:$0x7F7]  }
0x3dd: {  	[sflag:s30] =	ssyncset.done $0x0  }
0x3de: {  	[sflag:s30] =	ssyncadd.s32 $0xFFFFF980  }
0x3df: {  	[hbm:s23], [sflag:s24] =	dma.local @!p0 [spmem:s13], $0x100  }
0x3e0: {  	s23 =	simm.s32 @!p0 $0x7  }
0x3e1: {  	_ =	swait.ge @!p0 [sflag:s23], $0x100  }
0x3e2: {  	s14 =	sld [smem:$0x7F5]  }
0x3e3: {  	s29 =	sld [smem:$0x7FB];
	_ =	sdelay $0x1  }
0x3e4: {  	s14 =	sadd.s32 $0x1, s14  }
0x3e5: {  	p1 =	sne.s32 s14, s29  }
.Ltmp2:
0x3e6: {  	_ = 	snop;
	(pc) =	sbr.rel @p1 .LBB2_1-.Ltmp2, $4  }
0x3e7: {  	_ = 	snop  }
0x3e8: {  	s31 =	simm.s32 $0x300;
	s17 =	simm.s32 $0x680  }
0x3e9: {  	s18 =	simm.s32 $0x380;
	s19 =	simm.s32 $0x700;
	[sflag:s23] =	ssyncset.done @!p0 $0x0  }
0x3ea: {  	s13 =	simm.s32 $0x600;
	[sflag:s23] =	ssyncadd.s32 @!p0 $0xFFFFFF00;
	s29 =	simm.s32 $0x400  }
0x3eb: {  	_ =	sfence.sel $0x180000  }
0x3ec: {  	[bflag:$0x0] =	sbarrier.arrive $0xFFFF  }
0x3ed: {  	_ =	strace $0x90000047  }
0x3ee: {  	s0 =	stileid.u32;
	[bflag:$0x2] =	sbarrier.arrive $0xFFFF  }
0x3ef: {  	p0 =	sne.s32 s0, $0x0;
	s0 =	rddreg [dreg:$0x4]  }
0x3f0: {  	s0 =	sadd.s32 @!p0 $0x100000, s0  }
0x3f1: {  	[sflag:s0] =	ssyncadd.tile.s32 @!p0 $0x1;
	_ =	shalt  }
.Lfunc_end2:
_tile_overlayer_lowered:
.L_overlay_start_2:
0x3f2: {  	(tag) =	ssettag $0x2  }
0x3f3: {  	s0 =	rddreg [dreg:$0x0];
	s2 =	stileid.u32  }
0x3f4: {  	s1 =	rddreg [dreg:$0x1];
	p0 =	sne.s32 s2, $0x0  }
0x3f5: {  	s3 =	rddreg [dreg:$0x2];
	[bflag:$0x3] =	sbarrier.arrive $0xFFFF;
	s2 =	simm.s32 @!p0 $0x1C07  }
0x3f6: {  	[timem:s3], [sflag:s2] =	dma.local @!p0 [hbm:s0], s1  }
0x3f7: {  	s0 =	simm.s32 @!p0 $0x7  }
0x3f8: {  	_ =	swait.ge @!p0 [sflag:s0], s1  }
0x3f9: {  	s1 =	ssub.s32 @!p0 $0x0, s1;
	[sflag:s0] =	ssyncset.done @!p0 $0x0  }
0x3fa: {  	[sflag:s0] =	ssyncadd.s32 @!p0 s1  }
0x3fb: {  	[bflag:$0x3] =	sbarrier.arrive $0xFFFF  }
0x3fc: {  	_ =	shalt  }

</sc_bundles>
